<compile_context>
chip_gen: v7x
topology: tpu7x:2x2x1
jax: 0.10.2.dev20260603
libtpu: 0.0.44.dev20260713+nightly
codegen_flags: <defaults>
</compile_context>

<pallas_src>
import functools

import jax
import jax.numpy as jnp
from jax import lax
from jax.experimental import pallas as pl
from jax.experimental.pallas import tpu as pltpu
from jax.experimental.pallas import tpu_sc as plsc

ALPHA = 1.702
LIMIT = 7.0
BM = 256
RB = 256
NSC = 32


def _dot(a, b, prec=None):
    return jax.lax.dot_general(
        a, b, (((1,), (0,)), ((), ())),
        precision=prec, preferred_element_type=jnp.float32)



def _rs_kernel(x_ref, rw_ref, rb_ref, pa_ref, pb_ref, pos_ref, blk_ref,
               os_ref, carry_ref, carry2_ref, start_ref):
    ph = pl.program_id(0)
    m = pl.program_id(1)
    E = rw_ref.shape[1]
    NTB = os_ref.shape[0] // 2

    @pl.when((ph == 0) & (m < NTB))
    def _router():
        l = _dot(x_ref[...], rw_ref[...]) + rb_ref[...]
        m1 = jnp.max(l, axis=1, keepdims=True)
        tri = (jax.lax.broadcasted_iota(jnp.int32, (E, E), 0)
               <= jax.lax.broadcasted_iota(jnp.int32, (E, E), 1)).astype(jnp.float32)
        is1 = (l == m1).astype(jnp.float32)
        sel1 = is1 * (_dot(is1, tri) == 1.0).astype(jnp.float32)
        l2 = jnp.where(sel1 > 0.0, -jnp.inf, l)
        m2 = jnp.max(l2, axis=1, keepdims=True)
        is2 = (l2 == m2).astype(jnp.float32)
        sel2 = is2 * (_dot(is2, tri) == 1.0).astype(jnp.float32)
        e2 = jnp.exp(m2 - m1)
        p1 = 1.0 / (1.0 + e2)
        p2 = e2 / (1.0 + e2)
        os_ref[pl.ds(m, 1)] = sel1.reshape(1, RB, E)
        os_ref[pl.ds(m + NTB, 1)] = sel2.reshape(1, RB, E)
        pa_ref[...] = p1
        pb_ref[...] = p2

    @pl.when(ph == 0)
    def _count():
        @pl.when(m == 0)
        def _zero():
            carry_ref[...] = jnp.zeros_like(carry_ref)

        ob = os_ref[pl.ds(m, 1)].reshape(RB, E)
        carry_ref[...] = carry_ref[...] + jnp.sum(ob, axis=0, keepdims=True)

    @pl.when(ph == 1)
    def _pos():
        E_ = carry_ref.shape[1]

        @pl.when(m == 0)
        def _starts():
            carry2_ref[...] = jnp.zeros_like(carry2_ref)
            tot = carry_ref[...]
            ptot = jnp.floor((tot + (BM - 1.0)) * (1.0 / BM)) * BM
            u8s = (jax.lax.broadcasted_iota(jnp.int32, (E_, E_), 0)
                   < jax.lax.broadcasted_iota(jnp.int32, (E_, E_), 1)).astype(jnp.float32)
            start = _dot(ptot, u8s)
            start_ref[...] = start
            nlan = blk_ref.shape[1]
            rows0 = jax.lax.broadcasted_iota(
                jnp.int32, (1, nlan), 1).astype(jnp.float32) * BM
            blk = jnp.full((1, nlan), -1, jnp.int32)
            for e in range(E_):
                rep = (jax.lax.broadcasted_iota(jnp.int32, (E_, nlan), 0)
                       == e).astype(jnp.float32)
                se = _dot(start, rep)
                pe = _dot(ptot, rep)
                mm = (rows0 >= se) & (rows0 < se + pe)
                blk = jnp.where(mm, e, blk)
            blk_ref[...] = blk

        ob = os_ref[pl.ds(m, 1)].reshape(RB, E)
        ltri = (jax.lax.broadcasted_iota(jnp.int32, (RB, RB), 0)
                > jax.lax.broadcasted_iota(jnp.int32, (RB, RB), 1)).astype(jnp.float32)
        pre = _dot(ltri, ob) + carry2_ref[...]
        rank = jnp.sum(ob * pre, axis=1, keepdims=True)
        carry2_ref[...] = carry2_ref[...] + jnp.sum(ob, axis=0, keepdims=True)
        sv = jax.lax.dot_general(ob, start_ref[...], (((1,), (1,)), ((), ())),
                                 preferred_element_type=jnp.float32)
        pos_ref[...] = (sv + rank).astype(jnp.int32)


def _router_sort(x, router_w, router_b, NB):
    T, H = x.shape
    E = router_w.shape[1]
    NTB = T // RB
    NPB = 2 * NTB
    pa, pb, pos, blk = pl.pallas_call(
        _rs_kernel,
        grid=(2, NPB),
        in_specs=[
            pl.BlockSpec((RB, H), lambda ph, m: (
                jnp.where(ph == 0, jnp.minimum(m, NTB - 1), NTB - 1), 0)),
            pl.BlockSpec((H, E), lambda ph, m: (0, 0)),
            pl.BlockSpec((1, E), lambda ph, m: (0, 0)),
        ],
        out_specs=[
            pl.BlockSpec((RB, 1), lambda ph, m: (
                jnp.where(ph == 0, jnp.minimum(m, NTB - 1), NTB - 1), 0)),
            pl.BlockSpec((RB, 1), lambda ph, m: (
                jnp.where(ph == 0, jnp.minimum(m, NTB - 1), NTB - 1), 0)),
            pl.BlockSpec((RB, 1), lambda ph, m: (
                jnp.where(ph == 1, m, NPB), 0)),
            pl.BlockSpec((1, 32), lambda ph, m: (0, 0)),
        ],
        out_shape=[
            jax.ShapeDtypeStruct((NTB * RB, 1), jnp.float32),
            jax.ShapeDtypeStruct((NTB * RB, 1), jnp.float32),
            jax.ShapeDtypeStruct(((NPB + 1) * RB, 1), jnp.int32),
            jax.ShapeDtypeStruct((1, 32), jnp.int32),
        ],
        scratch_shapes=[
            pltpu.VMEM((NPB, RB, E), jnp.float32),
            pltpu.VMEM((1, E), jnp.float32),
            pltpu.VMEM((1, E), jnp.float32),
            pltpu.VMEM((1, E), jnp.float32),
        ],
        compiler_params=pltpu.CompilerParams(
            dimension_semantics=("arbitrary", "arbitrary"),
        ),
    )(x, router_w, router_b.reshape(1, E))
    return pa, pb, pos, blk



def _make_dispatch(T, H, CAP, NPW):
    mesh = plsc.VectorSubcoreMesh(core_axis_name="c", subcore_axis_name="s")

    @functools.partial(
        pl.kernel, mesh=mesh,
        out_type=[
            jax.ShapeDtypeStruct((CAP, H), jnp.float32),
            jax.ShapeDtypeStruct((CAP,), jnp.float32),
        ],
        scratch_types=[
            pltpu.VMEM((NPW,), jnp.int32),
            pltpu.VMEM((NPW,), jnp.float32),
            pltpu.VMEM((16,), jnp.int32),
            pltpu.VMEM((16,), jnp.int32),
            pltpu.VMEM((16,), jnp.int32),
            pltpu.VMEM((16,), jnp.float32),
            pltpu.VMEM((16, H), jnp.float32),
            pltpu.VMEM((16, H), jnp.float32),
            pltpu.SemaphoreType.DMA,
            pltpu.SemaphoreType.DMA,
        ],
    )
    def dispatch(pos_hbm, p_hbm, x_hbm, xs_hbm, ps_hbm,
                 pos_v, pp_v, tok0_v, tok1_v, sc_v, pc_v, xr0_v, xr1_v,
                 sem0, sem1):
        c = lax.axis_index("c")
        s = lax.axis_index("s")
        wid = c * 16 + s
        pbase = wid * NPW
        lanes = lax.iota(jnp.int32, 16)
        pltpu.sync_copy(pos_hbm.at[pl.ds(pbase, NPW)], pos_v)
        pltpu.sync_copy(p_hbm.at[pl.ds(pbase, NPW)], pp_v)
        nch = NPW // 16
        toks = [tok0_v, tok1_v]
        bufs = [xr0_v, xr1_v]
        sems = [sem0, sem1]
        tok0_v[...] = (pbase + lanes) & (T - 1)
        cp0 = pltpu.async_copy(x_hbm.at[tok0_v], xr0_v, sem0)
        copies = [cp0, None]
        for ch in range(nch):
            cur = ch & 1
            nxt = cur ^ 1
            if ch + 1 < nch:
                toks[nxt][...] = (pbase + (ch + 1) * 16 + lanes) & (T - 1)
                copies[nxt] = pltpu.async_copy(
                    x_hbm.at[toks[nxt]], bufs[nxt], sems[nxt])
            copies[cur].wait()
            sc_v[...] = pos_v[pl.ds(ch * 16, 16)]
            pc_v[...] = pp_v[pl.ds(ch * 16, 16)]
            pltpu.sync_copy(bufs[cur], xs_hbm.at[sc_v])
            pltpu.sync_copy(pc_v, ps_hbm.at[sc_v])

    return dispatch



def _gmm_kernel(be_ref, xs_ref, ps_ref, gup_ref, gbe_ref, gbo_ref, dw_ref,
                db_ref, y_ref, sg_ref, su_ref, wg_ref, wu_ref, last_ref):
    b = pl.program_id(0)
    be = be_ref[b]

    @pl.when(b == 0)
    def _init():
        last_ref[0] = -1
        F2, I = sg_ref.shape
        r = jax.lax.broadcasted_iota(jnp.int32, (F2, I), 0)
        col = jax.lax.broadcasted_iota(jnp.int32, (F2, I), 1)
        sg_ref[...] = (r == 2 * col).astype(jnp.bfloat16)
        su_ref[...] = (r == 2 * col + 1).astype(jnp.bfloat16)

    @pl.when(be >= 0)
    def _compute():
        @pl.when(be != last_ref[0])
        def _split():
            wgu = gup_ref[0].astype(jnp.bfloat16)
            wg_ref[...] = _dot(wgu, sg_ref[...]).astype(jnp.bfloat16)
            wu_ref[...] = _dot(wgu, su_ref[...]).astype(jnp.bfloat16)
            last_ref[0] = be

        xb = xs_ref[...].astype(jnp.bfloat16)
        g = _dot(xb, wg_ref[...]) + gbe_ref[0]
        u = _dot(xb, wu_ref[...]) + gbo_ref[0]
        g = jnp.minimum(g, LIMIT)
        glu = g * jax.nn.sigmoid(g * ALPHA)
        act = (jnp.clip(u, -LIMIT, LIMIT) + 1.0) * glu
        n = xb.shape[0]
        prow = jnp.broadcast_to(ps_ref[0], (n, n))
        diag = jnp.where(
            jax.lax.broadcasted_iota(jnp.int32, (n, n), 0)
            == jax.lax.broadcasted_iota(jnp.int32, (n, n), 1), prow, 0.0)
        prob = _dot(diag, jnp.ones((n, 1), jnp.float32),
                    prec=jax.lax.Precision.HIGHEST)
        y_ref[...] = (_dot(act.astype(jnp.bfloat16),
                           dw_ref[0].astype(jnp.bfloat16)) + db_ref[0]) * prob


def _gmm(xs, ps, blk_e, gate_up_proj, gbe, gbo, down_proj, db3):
    CAP, H = xs.shape
    E, _, F2 = gate_up_proj.shape
    I = F2 // 2
    NB = CAP // BM
    grid_spec = pltpu.PrefetchScalarGridSpec(
        num_scalar_prefetch=1,
        grid=(NB,),
        in_specs=[
            pl.BlockSpec((BM, H), lambda b, be: (jnp.where(be[b] < 0, 0, b), 0)),
            pl.BlockSpec((1, 1, BM), lambda b, be: (jnp.where(be[b] < 0, 0, b), 0, 0)),
            pl.BlockSpec((1, H, F2), lambda b, be: (jnp.maximum(be[b], 0), 0, 0)),
            pl.BlockSpec((1, 1, I), lambda b, be: (jnp.maximum(be[b], 0), 0, 0)),
            pl.BlockSpec((1, 1, I), lambda b, be: (jnp.maximum(be[b], 0), 0, 0)),
            pl.BlockSpec((1, I, H), lambda b, be: (jnp.maximum(be[b], 0), 0, 0)),
            pl.BlockSpec((1, 1, H), lambda b, be: (jnp.maximum(be[b], 0), 0, 0)),
        ],
        out_specs=pl.BlockSpec(
            (BM, H), lambda b, be: (jnp.where(be[b] < 0, NB, b), 0)),
        scratch_shapes=[
            pltpu.VMEM((F2, I), jnp.bfloat16),
            pltpu.VMEM((F2, I), jnp.bfloat16),
            pltpu.VMEM((H, I), jnp.bfloat16),
            pltpu.VMEM((H, I), jnp.bfloat16),
            pltpu.SMEM((1,), jnp.int32),
        ],
    )
    return pl.pallas_call(
        _gmm_kernel,
        grid_spec=grid_spec,
        out_shape=jax.ShapeDtypeStruct(((NB + 1) * BM, H), jnp.float32),
        compiler_params=pltpu.CompilerParams(
            dimension_semantics=("arbitrary",),
            vmem_limit_bytes=100 * 1024 * 1024,
        ),
    )(blk_e, xs, ps, gate_up_proj, gbe, gbo, down_proj, db3)



def _make_combine(T, H, NTW):
    mesh = plsc.VectorSubcoreMesh(core_axis_name="c", subcore_axis_name="s")

    @functools.partial(
        pl.kernel, mesh=mesh,
        out_type=[
            jax.ShapeDtypeStruct((T, H), jnp.float32),
            jax.ShapeDtypeStruct((T, H), jnp.float32),
        ],
        scratch_types=[
            pltpu.VMEM((NTW,), jnp.int32),
            pltpu.VMEM((NTW,), jnp.int32),
            pltpu.VMEM((16,), jnp.int32),
            pltpu.VMEM((16,), jnp.int32),
            pltpu.VMEM((16, H), jnp.float32),
            pltpu.VMEM((16, H), jnp.float32),
            pltpu.SemaphoreType.DMA,
            pltpu.SemaphoreType.DMA,
        ],
    )
    def combine(pos_hbm, y_hbm, oa_hbm, ob_hbm,
                pa_v, pb_v, gi0_v, gi1_v, yr0_v, yr1_v, sem0, sem1):
        c = lax.axis_index("c")
        s = lax.axis_index("s")
        wid = c * 16 + s
        tbase = wid * NTW
        pltpu.sync_copy(pos_hbm.at[pl.ds(tbase, NTW)], pa_v)
        pltpu.sync_copy(pos_hbm.at[pl.ds(T + tbase, NTW)], pb_v)
        nch = NTW // 16
        gis = [gi0_v, gi1_v]
        bufs = [yr0_v, yr1_v]
        sems = [sem0, sem1]
        outs = []
        for ch in range(nch):
            outs.append((pa_v, ch, oa_hbm))
        for ch in range(nch):
            outs.append((pb_v, ch, ob_hbm))
        src0, ch0, _ = outs[0]
        gi0_v[...] = src0[pl.ds(ch0 * 16, 16)]
        copies = [pltpu.async_copy(y_hbm.at[gi0_v], yr0_v, sem0), None]
        for i, (src, ch, dst) in enumerate(outs):
            cur = i & 1
            nxt = cur ^ 1
            if i + 1 < len(outs):
                nsrc, nch_, _ = outs[i + 1]
                gis[nxt][...] = nsrc[pl.ds(nch_ * 16, 16)]
                copies[nxt] = pltpu.async_copy(
                    y_hbm.at[gis[nxt]], bufs[nxt], sems[nxt])
            copies[cur].wait()
            pltpu.sync_copy(bufs[cur], dst.at[pl.ds(tbase + ch * 16, 16)])

    return combine


def _add_kernel(a_ref, b_ref, o_ref):
    o_ref[...] = a_ref[...] + b_ref[...]


def _tc_add(a, b):
    T, H = a.shape
    return pl.pallas_call(
        _add_kernel,
        grid=(T // BM,),
        in_specs=[
            pl.BlockSpec((BM, H), lambda m: (m, 0)),
            pl.BlockSpec((BM, H), lambda m: (m, 0)),
        ],
        out_specs=pl.BlockSpec((BM, H), lambda m: (m, 0)),
        out_shape=jax.ShapeDtypeStruct((T, H), jnp.float32),
    )(a, b)



def kernel(hidden_states, router_w, router_b, gate_up_proj, gate_up_bias,
           down_proj, down_bias):
    B, S, H = hidden_states.shape
    E, _, F2 = gate_up_proj.shape
    I = F2 // 2
    T = B * S
    x = hidden_states.reshape(T, H)
    CAP = 2 * T + E * BM
    NB = CAP // BM

    pa2, pb2, pos2, blk2 = _router_sort(x, router_w, router_b, NB)
    p_flat = jnp.concatenate([pa2.reshape(-1), pb2.reshape(-1)])
    pos_flat = pos2.reshape(-1)
    blk_e = blk2.reshape(32)

    dispatch = _make_dispatch(T, H, CAP, 2 * T // NSC)
    xs, ps = dispatch(pos_flat, p_flat, x)
    ps = ps.reshape(CAP // BM, 1, BM)

    gbe = gate_up_bias[:, 0::2].reshape(E, 1, I)
    gbo = gate_up_bias[:, 1::2].reshape(E, 1, I)
    db3 = down_bias.reshape(E, 1, H)
    y = _gmm(xs, ps, blk_e, gate_up_proj, gbe, gbo, down_proj, db3)

    combine = _make_combine(T, H, T // NSC)
    oa, ob = combine(pos_flat, y)
    out = _tc_add(oa, ob)
    return out.reshape(B, S, H)

# --- scband reference (transcript-rebuilt; emitter-appended) ---
"""Pipeline reference for scband-a2a-sparse-mlp-33122787787379 (READ-ONLY COPY).

The authoritative reference and input builder live on the scoring server;
editing this copy changes nothing except your own understanding.
"""

import jax, jax.numpy as jnp
import numpy as np

ALPHA = 1.702
LIMIT = 7.0
TOP_K = 2


def setup_inputs(seed: int = 0) -> dict:
    key = jax.random.key(seed)
    ks = jax.random.split(key, 6)
    B, S, H, E, I = 1, 2048, 1024, 8, 512
    hidden_states = jax.random.normal(ks[0], (B, S, H), dtype=jnp.float32)
    router_w = jax.random.normal(ks[1], (H, E), dtype=jnp.float32) * (1.0 / np.sqrt(H))
    router_b = jnp.zeros((E,), dtype=jnp.float32)
    gate_up_proj = jax.random.normal(ks[2], (E, H, 2 * I), dtype=jnp.float32) * (1.0 / np.sqrt(H))
    gate_up_bias = jax.random.normal(ks[3], (E, 2 * I), dtype=jnp.float32) * 0.01
    down_proj = jax.random.normal(ks[4], (E, I, H), dtype=jnp.float32) * (1.0 / np.sqrt(I))
    down_bias = jax.random.normal(ks[5], (E, H), dtype=jnp.float32) * 0.01
    return {
        "hidden_states": hidden_states,
        "router_w": router_w,
        "router_b": router_b,
        "gate_up_proj": gate_up_proj,
        "gate_up_bias": gate_up_bias,
        "down_proj": down_proj,
        "down_bias": down_bias,
    }


def _moe_activation(gate_up_out):
    # gpt_oss activation, interleaved gate/up layout [g0,u0,g1,u1,...]
    gate = gate_up_out[..., ::2]
    up = gate_up_out[..., 1::2]
    gate = jnp.minimum(gate, LIMIT)
    up = jnp.clip(up, -LIMIT, LIMIT)
    glu = gate * jax.nn.sigmoid(gate * ALPHA)
    return (up + 1.0) * glu


def reference(hidden_states, router_w, router_b, gate_up_proj, gate_up_bias, down_proj, down_bias):
    B, S, H = hidden_states.shape
    E = gate_up_proj.shape[0]
    T = B * S
    x = hidden_states.reshape(T, H)
    # Router: logits -> top-k -> softmax over selected experts, scattered to [T, E]
    logits = x @ router_w + router_b
    top_vals, top_idx = jax.lax.top_k(logits, TOP_K)
    probs = jax.nn.softmax(top_vals, axis=-1)
    scores = jnp.zeros((T, E), dtype=x.dtype).at[jnp.arange(T)[:, None], top_idx].set(probs)
    # Expert compute (all-to-all dispatch/combine are identity on a single device):
    # fused gate+up projection per expert, gpt_oss activation, down projection
    gate_up = jnp.einsum('th,ehf->etf', x, gate_up_proj) + gate_up_bias[:, None, :]
    act = _moe_activation(gate_up)
    down = jnp.einsum('eti,eih->eth', act, down_proj) + down_bias[:, None, :]
    # Combine weighted by router scores (zero weight for non-selected experts)
    out = jnp.einsum('te,eth->th', scores, down)
    return out.reshape(B, S, H)

if __name__ == "__main__":
    import jax
    _d = setup_inputs()
    print(jax.jit(kernel)(*tuple(_d.values())))

</pallas_src>

<mosaic_0001>
#map = affine_map<(d0, d1) -> (0)>
#map1 = affine_map<(d0, d1) -> (0, 0)>
module attributes {stable_mosaic.version = 14 : i64} {
  func.func @combine(%arg0: i32, %arg1: i32, %arg2: memref<4352xi32, #tpu.memory_space<hbm>>, %arg3: memref<6400x1024xf32, #tpu.memory_space<hbm>>, %arg4: memref<2048x1024xf32, #tpu.memory_space<hbm>>, %arg5: memref<2048x1024xf32, #tpu.memory_space<hbm>>, %arg6: memref<64xi32, #tpu.memory_space<vmem>>, %arg7: memref<64xi32, #tpu.memory_space<vmem>>, %arg8: memref<16xi32, #tpu.memory_space<vmem>>, %arg9: memref<16xi32, #tpu.memory_space<vmem>>, %arg10: memref<16x1024xf32, #tpu.memory_space<vmem>>, %arg11: memref<16x1024xf32, #tpu.memory_space<vmem>>, %arg12: memref<!tpu.dma_semaphore, #tpu.memory_space<semaphore_mem>>, %arg13: memref<!tpu.dma_semaphore, #tpu.memory_space<semaphore_mem>>) attributes {dimension_semantics = [#tpu.dimension_semantics<core_parallel>, #tpu.dimension_semantics<subcore_parallel>], iteration_bounds = array<i64: 2, 16>, scalar_prefetch = 0 : i64, scratch_operands = 8 : i64, tpu.core_type = #tpu.core_type<sc_vector_subcore>, window_params = [{transform_indices = #map}, {transform_indices = #map1}, {transform_indices = #map1}, {transform_indices = #map1}]} {
    %mul3A = arith.constant 16 : i32
    %mul3A_0 = arith.muli %arg0, %mul3A : i32
    %add3A = arith.addi %mul3A_0, %arg1 : i32
    %mul3A_1 = arith.constant 64 : i32
    %mul3A_2 = arith.muli %add3A, %mul3A_1 : i32
    "tpu.region"() ({
      %run_scoped3A = tpu.sem_alloc : memref<!tpu.dma_semaphore, #tpu.memory_space<semaphore_mem>>
      %dma_start3A_121 = tpu.memref_slice %arg2[%mul3A_2] : memref<4352xi32, #tpu.memory_space<hbm>> -> memref<64xi32, #tpu.memory_space<hbm>>
      %dma_start3A_122 = tpu.memref_slice %arg2[%mul3A_2] : memref<4352xi32, #tpu.memory_space<hbm>> -> memref<64xi32, #tpu.memory_space<hbm>>
      tpu.enqueue_dma source(%dma_start3A_122 : memref<64xi32, #tpu.memory_space<hbm>>) target(%arg6 : memref<64xi32, #tpu.memory_space<vmem>>) target_semaphore(%run_scoped3A : memref<!tpu.dma_semaphore, #tpu.memory_space<semaphore_mem>>)
      %dma_wait3A_123 = tpu.memref_slice %arg2[%mul3A_2] : memref<4352xi32, #tpu.memory_space<hbm>> -> memref<64xi32, #tpu.memory_space<hbm>>
      %dma_wait3A_124 = tpu.memref_slice %arg2[%mul3A_2] : memref<4352xi32, #tpu.memory_space<hbm>> -> memref<64xi32, #tpu.memory_space<hbm>>
      tpu.wait_dma2 semaphore(%run_scoped3A : memref<!tpu.dma_semaphore, #tpu.memory_space<semaphore_mem>>) src(%dma_wait3A_124 : memref<64xi32, #tpu.memory_space<hbm>>) dst(%arg6 : memref<64xi32, #tpu.memory_space<vmem>>)
      tpu.yield
    }) : () -> ()
    %add3A_3 = arith.constant 2048 : i32
    %add3A_4 = arith.addi %add3A_3, %mul3A_2 : i32
    "tpu.region"() ({
      %run_scoped3A = tpu.sem_alloc : memref<!tpu.dma_semaphore, #tpu.memory_space<semaphore_mem>>
      %dma_start3A_121 = tpu.memref_slice %arg2[%add3A_4] : memref<4352xi32, #tpu.memory_space<hbm>> -> memref<64xi32, #tpu.memory_space<hbm>>
      %dma_start3A_122 = tpu.memref_slice %arg2[%add3A_4] : memref<4352xi32, #tpu.memory_space<hbm>> -> memref<64xi32, #tpu.memory_space<hbm>>
      tpu.enqueue_dma source(%dma_start3A_122 : memref<64xi32, #tpu.memory_space<hbm>>) target(%arg7 : memref<64xi32, #tpu.memory_space<vmem>>) target_semaphore(%run_scoped3A : memref<!tpu.dma_semaphore, #tpu.memory_space<semaphore_mem>>)
      %dma_wait3A_123 = tpu.memref_slice %arg2[%add3A_4] : memref<4352xi32, #tpu.memory_space<hbm>> -> memref<64xi32, #tpu.memory_space<hbm>>
      %dma_wait3A_124 = tpu.memref_slice %arg2[%add3A_4] : memref<4352xi32, #tpu.memory_space<hbm>> -> memref<64xi32, #tpu.memory_space<hbm>>
      tpu.wait_dma2 semaphore(%run_scoped3A : memref<!tpu.dma_semaphore, #tpu.memory_space<semaphore_mem>>) src(%dma_wait3A_124 : memref<64xi32, #tpu.memory_space<hbm>>) dst(%arg7 : memref<64xi32, #tpu.memory_space<vmem>>)
      tpu.yield
    }) : () -> ()
    %get3A = arith.constant 0 : index
    %get3A_5 = tpu.vector_load %arg6[%get3A] {strides = array<i32>} : memref<64xi32, #tpu.memory_space<vmem>>, vector<16xi32>,
    %get3A_6 = vector.shape_cast %get3A_5 : vector<16xi32> to vector<16xi32>
    %swap3A = arith.constant 0 : index
    %swap3A_7 = tpu.vector_load %arg8[%swap3A] {strides = array<i32>} : memref<16xi32, #tpu.memory_space<vmem>>, vector<16xi32>,
    %swap3A_8 = vector.shape_cast %swap3A_7 : vector<16xi32> to vector<16xi32>
    %swap3A_9 = vector.shape_cast %get3A_6 : vector<16xi32> to vector<16xi32>
    tpu.vector_store %arg8[%swap3A], %swap3A_9 {strides = array<i32>} : memref<16xi32, #tpu.memory_space<vmem>>, vector<16xi32>,
    %dma_start3A = arith.constant 0 : i32
    %dma_start3A_10 = arith.constant 0 : i32
    %dma_start3A_11 = tpu.memref_slice %arg3[%dma_start3A, %dma_start3A_10] : memref<6400x1024xf32, #tpu.memory_space<hbm>> -> memref<6400x1024xf32, #tpu.memory_space<hbm>>
    tpu.enqueue_indirect_dma source(%dma_start3A_11 : memref<6400x1024xf32, #tpu.memory_space<hbm>>) target(%arg10 : memref<16x1024xf32, #tpu.memory_space<vmem>>) offsets(%arg8 : memref<16xi32, #tpu.memory_space<vmem>>) semaphore(%arg12 : memref<!tpu.dma_semaphore, #tpu.memory_space<semaphore_mem>>)
    %get3A_12 = arith.constant 16 : index
    %get3A_13 = tpu.vector_load %arg6[%get3A_12] {strides = array<i32>} : memref<64xi32, #tpu.memory_space<vmem>>, vector<16xi32>,
    %get3A_14 = vector.shape_cast %get3A_13 : vector<16xi32> to vector<16xi32>
    %swap3A_15 = arith.constant 0 : index
    %swap3A_16 = tpu.vector_load %arg9[%swap3A_15] {strides = array<i32>} : memref<16xi32, #tpu.memory_space<vmem>>, vector<16xi32>,
    %swap3A_17 = vector.shape_cast %swap3A_16 : vector<16xi32> to vector<16xi32>
    %swap3A_18 = vector.shape_cast %get3A_14 : vector<16xi32> to vector<16xi32>
    tpu.vector_store %arg9[%swap3A_15], %swap3A_18 {strides = array<i32>} : memref<16xi32, #tpu.memory_space<vmem>>, vector<16xi32>,
    %dma_start3A_19 = arith.constant 0 : i32
    %dma_start3A_20 = arith.constant 0 : i32
    %dma_start3A_21 = tpu.memref_slice %arg3[%dma_start3A_19, %dma_start3A_20] : memref<6400x1024xf32, #tpu.memory_space<hbm>> -> memref<6400x1024xf32, #tpu.memory_space<hbm>>
    tpu.enqueue_indirect_dma source(%dma_start3A_21 : memref<6400x1024xf32, #tpu.memory_space<hbm>>) target(%arg11 : memref<16x1024xf32, #tpu.memory_space<vmem>>) offsets(%arg9 : memref<16xi32, #tpu.memory_space<vmem>>) semaphore(%arg13 : memref<!tpu.dma_semaphore, #tpu.memory_space<semaphore_mem>>)
    %dma_wait3A = arith.constant 0 : i32
    %dma_wait3A_22 = arith.constant 0 : i32
    %dma_wait3A_23 = tpu.memref_slice %arg3[%dma_wait3A, %dma_wait3A_22] : memref<6400x1024xf32, #tpu.memory_space<hbm>> -> memref<6400x1024xf32, #tpu.memory_space<hbm>>
    tpu.wait_indirect_dma semaphore(%arg12 : memref<!tpu.dma_semaphore, #tpu.memory_space<semaphore_mem>>) src(%dma_wait3A_23 : memref<6400x1024xf32, #tpu.memory_space<hbm>>) dst(%arg10 : memref<16x1024xf32, #tpu.memory_space<vmem>>)
    %add3A_24 = arith.constant 0 : i32
    %add3A_25 = arith.addi %mul3A_2, %add3A_24 : i32
    "tpu.region"() ({
      %run_scoped3A = tpu.sem_alloc : memref<!tpu.dma_semaphore, #tpu.memory_space<semaphore_mem>>
      %dma_start3A_121 = arith.constant 0 : i32
      %dma_start3A_122 = tpu.memref_slice %arg4[%add3A_25, %dma_start3A_121] : memref<2048x1024xf32, #tpu.memory_space<hbm>> -> memref<16x1024xf32, #tpu.memory_space<hbm>>
      %dma_start3A_123 = arith.constant 0 : i32
      %dma_start3A_124 = tpu.memref_slice %arg4[%add3A_25, %dma_start3A_123] : memref<2048x1024xf32, #tpu.memory_space<hbm>> -> memref<16x1024xf32, #tpu.memory_space<hbm>>
      tpu.enqueue_dma source(%arg10 : memref<16x1024xf32, #tpu.memory_space<vmem>>) target(%dma_start3A_124 : memref<16x1024xf32, #tpu.memory_space<hbm>>) target_semaphore(%run_scoped3A : memref<!tpu.dma_semaphore, #tpu.memory_space<semaphore_mem>>)
      %dma_wait3A_125 = arith.constant 0 : i32
      %dma_wait3A_126 = tpu.memref_slice %arg4[%add3A_25, %dma_wait3A_125] : memref<2048x1024xf32, #tpu.memory_space<hbm>> -> memref<16x1024xf32, #tpu.memory_space<hbm>>
      %dma_wait3A_127 = arith.constant 0 : i32
      %dma_wait3A_128 = tpu.memref_slice %arg4[%add3A_25, %dma_wait3A_127] : memref<2048x1024xf32, #tpu.memory_space<hbm>> -> memref<16x1024xf32, #tpu.memory_space<hbm>>
      tpu.wait_dma2 semaphore(%run_scoped3A : memref<!tpu.dma_semaphore, #tpu.memory_space<semaphore_mem>>) src(%arg10 : memref<16x1024xf32, #tpu.memory_space<vmem>>) dst(%dma_wait3A_128 : memref<16x1024xf32, #tpu.memory_space<hbm>>)
      tpu.yield
    }) : () -> ()
    %get3A_26 = arith.constant 32 : index
    %get3A_27 = tpu.vector_load %arg6[%get3A_26] {strides = array<i32>} : memref<64xi32, #tpu.memory_space<vmem>>, vector<16xi32>,
    %get3A_28 = vector.shape_cast %get3A_27 : vector<16xi32> to vector<16xi32>
    %swap3A_29 = arith.constant 0 : index
    %swap3A_30 = tpu.vector_load %arg8[%swap3A_29] {strides = array<i32>} : memref<16xi32, #tpu.memory_space<vmem>>, vector<16xi32>,
    %swap3A_31 = vector.shape_cast %swap3A_30 : vector<16xi32> to vector<16xi32>
    %swap3A_32 = vector.shape_cast %get3A_28 : vector<16xi32> to vector<16xi32>
    tpu.vector_store %arg8[%swap3A_29], %swap3A_32 {strides = array<i32>} : memref<16xi32, #tpu.memory_space<vmem>>, vector<16xi32>,
    %dma_start3A_33 = arith.constant 0 : i32
    %dma_start3A_34 = arith.constant 0 : i32
    %dma_start3A_35 = tpu.memref_slice %arg3[%dma_start3A_33, %dma_start3A_34] : memref<6400x1024xf32, #tpu.memory_space<hbm>> -> memref<6400x1024xf32, #tpu.memory_space<hbm>>
    tpu.enqueue_indirect_dma source(%dma_start3A_35 : memref<6400x1024xf32, #tpu.memory_space<hbm>>) target(%arg10 : memref<16x1024xf32, #tpu.memory_space<vmem>>) offsets(%arg8 : memref<16xi32, #tpu.memory_space<vmem>>) semaphore(%arg12 : memref<!tpu.dma_semaphore, #tpu.memory_space<semaphore_mem>>)
    %dma_wait3A_36 = arith.constant 0 : i32
    %dma_wait3A_37 = arith.constant 0 : i32
    %dma_wait3A_38 = tpu.memref_slice %arg3[%dma_wait3A_36, %dma_wait3A_37] : memref<6400x1024xf32, #tpu.memory_space<hbm>> -> memref<6400x1024xf32, #tpu.memory_space<hbm>>
    tpu.wait_indirect_dma semaphore(%arg13 : memref<!tpu.dma_semaphore, #tpu.memory_space<semaphore_mem>>) src(%dma_wait3A_38 : memref<6400x1024xf32, #tpu.memory_space<hbm>>) dst(%arg11 : memref<16x1024xf32, #tpu.memory_space<vmem>>)
    %add3A_39 = arith.constant 16 : i32
    %add3A_40 = arith.addi %mul3A_2, %add3A_39 : i32
    "tpu.region"() ({
      %run_scoped3A = tpu.sem_alloc : memref<!tpu.dma_semaphore, #tpu.memory_space<semaphore_mem>>
      %dma_start3A_121 = arith.constant 0 : i32
      %dma_start3A_122 = tpu.memref_slice %arg4[%add3A_40, %dma_start3A_121] : memref<2048x1024xf32, #tpu.memory_space<hbm>> -> memref<16x1024xf32, #tpu.memory_space<hbm>>
      %dma_start3A_123 = arith.constant 0 : i32
      %dma_start3A_124 = tpu.memref_slice %arg4[%add3A_40, %dma_start3A_123] : memref<2048x1024xf32, #tpu.memory_space<hbm>> -> memref<16x1024xf32, #tpu.memory_space<hbm>>
      tpu.enqueue_dma source(%arg11 : memref<16x1024xf32, #tpu.memory_space<vmem>>) target(%dma_start3A_124 : memref<16x1024xf32, #tpu.memory_space<hbm>>) target_semaphore(%run_scoped3A : memref<!tpu.dma_semaphore, #tpu.memory_space<semaphore_mem>>)
      %dma_wait3A_125 = arith.constant 0 : i32
      %dma_wait3A_126 = tpu.memref_slice %arg4[%add3A_40, %dma_wait3A_125] : memref<2048x1024xf32, #tpu.memory_space<hbm>> -> memref<16x1024xf32, #tpu.memory_space<hbm>>
      %dma_wait3A_127 = arith.constant 0 : i32
      %dma_wait3A_128 = tpu.memref_slice %arg4[%add3A_40, %dma_wait3A_127] : memref<2048x1024xf32, #tpu.memory_space<hbm>> -> memref<16x1024xf32, #tpu.memory_space<hbm>>
      tpu.wait_dma2 semaphore(%run_scoped3A : memref<!tpu.dma_semaphore, #tpu.memory_space<semaphore_mem>>) src(%arg11 : memref<16x1024xf32, #tpu.memory_space<vmem>>) dst(%dma_wait3A_128 : memref<16x1024xf32, #tpu.memory_space<hbm>>)
      tpu.yield
    }) : () -> ()
    %get3A_41 = arith.constant 48 : index
    %get3A_42 = tpu.vector_load %arg6[%get3A_41] {strides = array<i32>} : memref<64xi32, #tpu.memory_space<vmem>>, vector<16xi32>,
    %get3A_43 = vector.shape_cast %get3A_42 : vector<16xi32> to vector<16xi32>
    %swap3A_44 = arith.constant 0 : index
    %swap3A_45 = tpu.vector_load %arg9[%swap3A_44] {strides = array<i32>} : memref<16xi32, #tpu.memory_space<vmem>>, vector<16xi32>,
    %swap3A_46 = vector.shape_cast %swap3A_45 : vector<16xi32> to vector<16xi32>
    %swap3A_47 = vector.shape_cast %get3A_43 : vector<16xi32> to vector<16xi32>
    tpu.vector_store %arg9[%swap3A_44], %swap3A_47 {strides = array<i32>} : memref<16xi32, #tpu.memory_space<vmem>>, vector<16xi32>,
    %dma_start3A_48 = arith.constant 0 : i32
    %dma_start3A_49 = arith.constant 0 : i32
    %dma_start3A_50 = tpu.memref_slice %arg3[%dma_start3A_48, %dma_start3A_49] : memref<6400x1024xf32, #tpu.memory_space<hbm>> -> memref<6400x1024xf32, #tpu.memory_space<hbm>>
    tpu.enqueue_indirect_dma source(%dma_start3A_50 : memref<6400x1024xf32, #tpu.memory_space<hbm>>) target(%arg11 : memref<16x1024xf32, #tpu.memory_space<vmem>>) offsets(%arg9 : memref<16xi32, #tpu.memory_space<vmem>>) semaphore(%arg13 : memref<!tpu.dma_semaphore, #tpu.memory_space<semaphore_mem>>)
    %dma_wait3A_51 = arith.constant 0 : i32
    %dma_wait3A_52 = arith.constant 0 : i32
    %dma_wait3A_53 = tpu.memref_slice %arg3[%dma_wait3A_51, %dma_wait3A_52] : memref<6400x1024xf32, #tpu.memory_space<hbm>> -> memref<6400x1024xf32, #tpu.memory_space<hbm>>
    tpu.wait_indirect_dma semaphore(%arg12 : memref<!tpu.dma_semaphore, #tpu.memory_space<semaphore_mem>>) src(%dma_wait3A_53 : memref<6400x1024xf32, #tpu.memory_space<hbm>>) dst(%arg10 : memref<16x1024xf32, #tpu.memory_space<vmem>>)
    %add3A_54 = arith.constant 32 : i32
    %add3A_55 = arith.addi %mul3A_2, %add3A_54 : i32
    "tpu.region"() ({
      %run_scoped3A = tpu.sem_alloc : memref<!tpu.dma_semaphore, #tpu.memory_space<semaphore_mem>>
      %dma_start3A_121 = arith.constant 0 : i32
      %dma_start3A_122 = tpu.memref_slice %arg4[%add3A_55, %dma_start3A_121] : memref<2048x1024xf32, #tpu.memory_space<hbm>> -> memref<16x1024xf32, #tpu.memory_space<hbm>>
      %dma_start3A_123 = arith.constant 0 : i32
      %dma_start3A_124 = tpu.memref_slice %arg4[%add3A_55, %dma_start3A_123] : memref<2048x1024xf32, #tpu.memory_space<hbm>> -> memref<16x1024xf32, #tpu.memory_space<hbm>>
      tpu.enqueue_dma source(%arg10 : memref<16x1024xf32, #tpu.memory_space<vmem>>) target(%dma_start3A_124 : memref<16x1024xf32, #tpu.memory_space<hbm>>) target_semaphore(%run_scoped3A : memref<!tpu.dma_semaphore, #tpu.memory_space<semaphore_mem>>)
      %dma_wait3A_125 = arith.constant 0 : i32
      %dma_wait3A_126 = tpu.memref_slice %arg4[%add3A_55, %dma_wait3A_125] : memref<2048x1024xf32, #tpu.memory_space<hbm>> -> memref<16x1024xf32, #tpu.memory_space<hbm>>
      %dma_wait3A_127 = arith.constant 0 : i32
      %dma_wait3A_128 = tpu.memref_slice %arg4[%add3A_55, %dma_wait3A_127] : memref<2048x1024xf32, #tpu.memory_space<hbm>> -> memref<16x1024xf32, #tpu.memory_space<hbm>>
      tpu.wait_dma2 semaphore(%run_scoped3A : memref<!tpu.dma_semaphore, #tpu.memory_space<semaphore_mem>>) src(%arg10 : memref<16x1024xf32, #tpu.memory_space<vmem>>) dst(%dma_wait3A_128 : memref<16x1024xf32, #tpu.memory_space<hbm>>)
      tpu.yield
    }) : () -> ()
    %get3A_56 = arith.constant 0 : index
    %get3A_57 = tpu.vector_load %arg7[%get3A_56] {strides = array<i32>} : memref<64xi32, #tpu.memory_space<vmem>>, vector<16xi32>,
    %get3A_58 = vector.shape_cast %get3A_57 : vector<16xi32> to vector<16xi32>
    %swap3A_59 = arith.constant 0 : index
    %swap3A_60 = tpu.vector_load %arg8[%swap3A_59] {strides = array<i32>} : memref<16xi32, #tpu.memory_space<vmem>>, vector<16xi32>,
    %swap3A_61 = vector.shape_cast %swap3A_60 : vector<16xi32> to vector<16xi32>
    %swap3A_62 = vector.shape_cast %get3A_58 : vector<16xi32> to vector<16xi32>
    tpu.vector_store %arg8[%swap3A_59], %swap3A_62 {strides = array<i32>} : memref<16xi32, #tpu.memory_space<vmem>>, vector<16xi32>,
    %dma_start3A_63 = arith.constant 0 : i32
    %dma_start3A_64 = arith.constant 0 : i32
    %dma_start3A_65 = tpu.memref_slice %arg3[%dma_start3A_63, %dma_start3A_64] : memref<6400x1024xf32, #tpu.memory_space<hbm>> -> memref<6400x1024xf32, #tpu.memory_space<hbm>>
    tpu.enqueue_indirect_dma source(%dma_start3A_65 : memref<6400x1024xf32, #tpu.memory_space<hbm>>) target(%arg10 : memref<16x1024xf32, #tpu.memory_space<vmem>>) offsets(%arg8 : memref<16xi32, #tpu.memory_space<vmem>>) semaphore(%arg12 : memref<!tpu.dma_semaphore, #tpu.memory_space<semaphore_mem>>)
    %dma_wait3A_66 = arith.constant 0 : i32
    %dma_wait3A_67 = arith.constant 0 : i32
    %dma_wait3A_68 = tpu.memref_slice %arg3[%dma_wait3A_66, %dma_wait3A_67] : memref<6400x1024xf32, #tpu.memory_space<hbm>> -> memref<6400x1024xf32, #tpu.memory_space<hbm>>
    tpu.wait_indirect_dma semaphore(%arg13 : memref<!tpu.dma_semaphore, #tpu.memory_space<semaphore_mem>>) src(%dma_wait3A_68 : memref<6400x1024xf32, #tpu.memory_space<hbm>>) dst(%arg11 : memref<16x1024xf32, #tpu.memory_space<vmem>>)
    %add3A_69 = arith.constant 48 : i32
    %add3A_70 = arith.addi %mul3A_2, %add3A_69 : i32
    "tpu.region"() ({
      %run_scoped3A = tpu.sem_alloc : memref<!tpu.dma_semaphore, #tpu.memory_space<semaphore_mem>>
      %dma_start3A_121 = arith.constant 0 : i32
      %dma_start3A_122 = tpu.memref_slice %arg4[%add3A_70, %dma_start3A_121] : memref<2048x1024xf32, #tpu.memory_space<hbm>> -> memref<16x1024xf32, #tpu.memory_space<hbm>>
      %dma_start3A_123 = arith.constant 0 : i32
      %dma_start3A_124 = tpu.memref_slice %arg4[%add3A_70, %dma_start3A_123] : memref<2048x1024xf32, #tpu.memory_space<hbm>> -> memref<16x1024xf32, #tpu.memory_space<hbm>>
      tpu.enqueue_dma source(%arg11 : memref<16x1024xf32, #tpu.memory_space<vmem>>) target(%dma_start3A_124 : memref<16x1024xf32, #tpu.memory_space<hbm>>) target_semaphore(%run_scoped3A : memref<!tpu.dma_semaphore, #tpu.memory_space<semaphore_mem>>)
      %dma_wait3A_125 = arith.constant 0 : i32
      %dma_wait3A_126 = tpu.memref_slice %arg4[%add3A_70, %dma_wait3A_125] : memref<2048x1024xf32, #tpu.memory_space<hbm>> -> memref<16x1024xf32, #tpu.memory_space<hbm>>
      %dma_wait3A_127 = arith.constant 0 : i32
      %dma_wait3A_128 = tpu.memref_slice %arg4[%add3A_70, %dma_wait3A_127] : memref<2048x1024xf32, #tpu.memory_space<hbm>> -> memref<16x1024xf32, #tpu.memory_space<hbm>>
      tpu.wait_dma2 semaphore(%run_scoped3A : memref<!tpu.dma_semaphore, #tpu.memory_space<semaphore_mem>>) src(%arg11 : memref<16x1024xf32, #tpu.memory_space<vmem>>) dst(%dma_wait3A_128 : memref<16x1024xf32, #tpu.memory_space<hbm>>)
      tpu.yield
    }) : () -> ()
    %get3A_71 = arith.constant 16 : index
    %get3A_72 = tpu.vector_load %arg7[%get3A_71] {strides = array<i32>} : memref<64xi32, #tpu.memory_space<vmem>>, vector<16xi32>,
    %get3A_73 = vector.shape_cast %get3A_72 : vector<16xi32> to vector<16xi32>
    %swap3A_74 = arith.constant 0 : index
    %swap3A_75 = tpu.vector_load %arg9[%swap3A_74] {strides = array<i32>} : memref<16xi32, #tpu.memory_space<vmem>>, vector<16xi32>,
    %swap3A_76 = vector.shape_cast %swap3A_75 : vector<16xi32> to vector<16xi32>
    %swap3A_77 = vector.shape_cast %get3A_73 : vector<16xi32> to vector<16xi32>
    tpu.vector_store %arg9[%swap3A_74], %swap3A_77 {strides = array<i32>} : memref<16xi32, #tpu.memory_space<vmem>>, vector<16xi32>,
    %dma_start3A_78 = arith.constant 0 : i32
    %dma_start3A_79 = arith.constant 0 : i32
    %dma_start3A_80 = tpu.memref_slice %arg3[%dma_start3A_78, %dma_start3A_79] : memref<6400x1024xf32, #tpu.memory_space<hbm>> -> memref<6400x1024xf32, #tpu.memory_space<hbm>>
    tpu.enqueue_indirect_dma source(%dma_start3A_80 : memref<6400x1024xf32, #tpu.memory_space<hbm>>) target(%arg11 : memref<16x1024xf32, #tpu.memory_space<vmem>>) offsets(%arg9 : memref<16xi32, #tpu.memory_space<vmem>>) semaphore(%arg13 : memref<!tpu.dma_semaphore, #tpu.memory_space<semaphore_mem>>)
    %dma_wait3A_81 = arith.constant 0 : i32
    %dma_wait3A_82 = arith.constant 0 : i32
    %dma_wait3A_83 = tpu.memref_slice %arg3[%dma_wait3A_81, %dma_wait3A_82] : memref<6400x1024xf32, #tpu.memory_space<hbm>> -> memref<6400x1024xf32, #tpu.memory_space<hbm>>
    tpu.wait_indirect_dma semaphore(%arg12 : memref<!tpu.dma_semaphore, #tpu.memory_space<semaphore_mem>>) src(%dma_wait3A_83 : memref<6400x1024xf32, #tpu.memory_space<hbm>>) dst(%arg10 : memref<16x1024xf32, #tpu.memory_space<vmem>>)
    %add3A_84 = arith.constant 0 : i32
    %add3A_85 = arith.addi %mul3A_2, %add3A_84 : i32
    "tpu.region"() ({
      %run_scoped3A = tpu.sem_alloc : memref<!tpu.dma_semaphore, #tpu.memory_space<semaphore_mem>>
      %dma_start3A_121 = arith.constant 0 : i32
      %dma_start3A_122 = tpu.memref_slice %arg5[%add3A_85, %dma_start3A_121] : memref<2048x1024xf32, #tpu.memory_space<hbm>> -> memref<16x1024xf32, #tpu.memory_space<hbm>>
      %dma_start3A_123 = arith.constant 0 : i32
      %dma_start3A_124 = tpu.memref_slice %arg5[%add3A_85, %dma_start3A_123] : memref<2048x1024xf32, #tpu.memory_space<hbm>> -> memref<16x1024xf32, #tpu.memory_space<hbm>>
      tpu.enqueue_dma source(%arg10 : memref<16x1024xf32, #tpu.memory_space<vmem>>) target(%dma_start3A_124 : memref<16x1024xf32, #tpu.memory_space<hbm>>) target_semaphore(%run_scoped3A : memref<!tpu.dma_semaphore, #tpu.memory_space<semaphore_mem>>)
      %dma_wait3A_125 = arith.constant 0 : i32
      %dma_wait3A_126 = tpu.memref_slice %arg5[%add3A_85, %dma_wait3A_125] : memref<2048x1024xf32, #tpu.memory_space<hbm>> -> memref<16x1024xf32, #tpu.memory_space<hbm>>
      %dma_wait3A_127 = arith.constant 0 : i32
      %dma_wait3A_128 = tpu.memref_slice %arg5[%add3A_85, %dma_wait3A_127] : memref<2048x1024xf32, #tpu.memory_space<hbm>> -> memref<16x1024xf32, #tpu.memory_space<hbm>>
      tpu.wait_dma2 semaphore(%run_scoped3A : memref<!tpu.dma_semaphore, #tpu.memory_space<semaphore_mem>>) src(%arg10 : memref<16x1024xf32, #tpu.memory_space<vmem>>) dst(%dma_wait3A_128 : memref<16x1024xf32, #tpu.memory_space<hbm>>)
      tpu.yield
    }) : () -> ()
    %get3A_86 = arith.constant 32 : index
    %get3A_87 = tpu.vector_load %arg7[%get3A_86] {strides = array<i32>} : memref<64xi32, #tpu.memory_space<vmem>>, vector<16xi32>,
    %get3A_88 = vector.shape_cast %get3A_87 : vector<16xi32> to vector<16xi32>
    %swap3A_89 = arith.constant 0 : index
    %swap3A_90 = tpu.vector_load %arg8[%swap3A_89] {strides = array<i32>} : memref<16xi32, #tpu.memory_space<vmem>>, vector<16xi32>,
    %swap3A_91 = vector.shape_cast %swap3A_90 : vector<16xi32> to vector<16xi32>
    %swap3A_92 = vector.shape_cast %get3A_88 : vector<16xi32> to vector<16xi32>
    tpu.vector_store %arg8[%swap3A_89], %swap3A_92 {strides = array<i32>} : memref<16xi32, #tpu.memory_space<vmem>>, vector<16xi32>,
    %dma_start3A_93 = arith.constant 0 : i32
    %dma_start3A_94 = arith.constant 0 : i32
    %dma_start3A_95 = tpu.memref_slice %arg3[%dma_start3A_93, %dma_start3A_94] : memref<6400x1024xf32, #tpu.memory_space<hbm>> -> memref<6400x1024xf32, #tpu.memory_space<hbm>>
    tpu.enqueue_indirect_dma source(%dma_start3A_95 : memref<6400x1024xf32, #tpu.memory_space<hbm>>) target(%arg10 : memref<16x1024xf32, #tpu.memory_space<vmem>>) offsets(%arg8 : memref<16xi32, #tpu.memory_space<vmem>>) semaphore(%arg12 : memref<!tpu.dma_semaphore, #tpu.memory_space<semaphore_mem>>)
    %dma_wait3A_96 = arith.constant 0 : i32
    %dma_wait3A_97 = arith.constant 0 : i32
    %dma_wait3A_98 = tpu.memref_slice %arg3[%dma_wait3A_96, %dma_wait3A_97] : memref<6400x1024xf32, #tpu.memory_space<hbm>> -> memref<6400x1024xf32, #tpu.memory_space<hbm>>
    tpu.wait_indirect_dma semaphore(%arg13 : memref<!tpu.dma_semaphore, #tpu.memory_space<semaphore_mem>>) src(%dma_wait3A_98 : memref<6400x1024xf32, #tpu.memory_space<hbm>>) dst(%arg11 : memref<16x1024xf32, #tpu.memory_space<vmem>>)
    %add3A_99 = arith.constant 16 : i32
    %add3A_100 = arith.addi %mul3A_2, %add3A_99 : i32
    "tpu.region"() ({
      %run_scoped3A = tpu.sem_alloc : memref<!tpu.dma_semaphore, #tpu.memory_space<semaphore_mem>>
      %dma_start3A_121 = arith.constant 0 : i32
      %dma_start3A_122 = tpu.memref_slice %arg5[%add3A_100, %dma_start3A_121] : memref<2048x1024xf32, #tpu.memory_space<hbm>> -> memref<16x1024xf32, #tpu.memory_space<hbm>>
      %dma_start3A_123 = arith.constant 0 : i32
      %dma_start3A_124 = tpu.memref_slice %arg5[%add3A_100, %dma_start3A_123] : memref<2048x1024xf32, #tpu.memory_space<hbm>> -> memref<16x1024xf32, #tpu.memory_space<hbm>>
      tpu.enqueue_dma source(%arg11 : memref<16x1024xf32, #tpu.memory_space<vmem>>) target(%dma_start3A_124 : memref<16x1024xf32, #tpu.memory_space<hbm>>) target_semaphore(%run_scoped3A : memref<!tpu.dma_semaphore, #tpu.memory_space<semaphore_mem>>)
      %dma_wait3A_125 = arith.constant 0 : i32
      %dma_wait3A_126 = tpu.memref_slice %arg5[%add3A_100, %dma_wait3A_125] : memref<2048x1024xf32, #tpu.memory_space<hbm>> -> memref<16x1024xf32, #tpu.memory_space<hbm>>
      %dma_wait3A_127 = arith.constant 0 : i32
      %dma_wait3A_128 = tpu.memref_slice %arg5[%add3A_100, %dma_wait3A_127] : memref<2048x1024xf32, #tpu.memory_space<hbm>> -> memref<16x1024xf32, #tpu.memory_space<hbm>>
      tpu.wait_dma2 semaphore(%run_scoped3A : memref<!tpu.dma_semaphore, #tpu.memory_space<semaphore_mem>>) src(%arg11 : memref<16x1024xf32, #tpu.memory_space<vmem>>) dst(%dma_wait3A_128 : memref<16x1024xf32, #tpu.memory_space<hbm>>)
      tpu.yield
    }) : () -> ()
    %get3A_101 = arith.constant 48 : index
    %get3A_102 = tpu.vector_load %arg7[%get3A_101] {strides = array<i32>} : memref<64xi32, #tpu.memory_space<vmem>>, vector<16xi32>,
    %get3A_103 = vector.shape_cast %get3A_102 : vector<16xi32> to vector<16xi32>
    %swap3A_104 = arith.constant 0 : index
    %swap3A_105 = tpu.vector_load %arg9[%swap3A_104] {strides = array<i32>} : memref<16xi32, #tpu.memory_space<vmem>>, vector<16xi32>,
    %swap3A_106 = vector.shape_cast %swap3A_105 : vector<16xi32> to vector<16xi32>
    %swap3A_107 = vector.shape_cast %get3A_103 : vector<16xi32> to vector<16xi32>
    tpu.vector_store %arg9[%swap3A_104], %swap3A_107 {strides = array<i32>} : memref<16xi32, #tpu.memory_space<vmem>>, vector<16xi32>,
    %dma_start3A_108 = arith.constant 0 : i32
    %dma_start3A_109 = arith.constant 0 : i32
    %dma_start3A_110 = tpu.memref_slice %arg3[%dma_start3A_108, %dma_start3A_109] : memref<6400x1024xf32, #tpu.memory_space<hbm>> -> memref<6400x1024xf32, #tpu.memory_space<hbm>>
    tpu.enqueue_indirect_dma source(%dma_start3A_110 : memref<6400x1024xf32, #tpu.memory_space<hbm>>) target(%arg11 : memref<16x1024xf32, #tpu.memory_space<vmem>>) offsets(%arg9 : memref<16xi32, #tpu.memory_space<vmem>>) semaphore(%arg13 : memref<!tpu.dma_semaphore, #tpu.memory_space<semaphore_mem>>)
    %dma_wait3A_111 = arith.constant 0 : i32
    %dma_wait3A_112 = arith.constant 0 : i32
    %dma_wait3A_113 = tpu.memref_slice %arg3[%dma_wait3A_111, %dma_wait3A_112] : memref<6400x1024xf32, #tpu.memory_space<hbm>> -> memref<6400x1024xf32, #tpu.memory_space<hbm>>
    tpu.wait_indirect_dma semaphore(%arg12 : memref<!tpu.dma_semaphore, #tpu.memory_space<semaphore_mem>>) src(%dma_wait3A_113 : memref<6400x1024xf32, #tpu.memory_space<hbm>>) dst(%arg10 : memref<16x1024xf32, #tpu.memory_space<vmem>>)
    %add3A_114 = arith.constant 32 : i32
    %add3A_115 = arith.addi %mul3A_2, %add3A_114 : i32
    "tpu.region"() ({
      %run_scoped3A = tpu.sem_alloc : memref<!tpu.dma_semaphore, #tpu.memory_space<semaphore_mem>>
      %dma_start3A_121 = arith.constant 0 : i32
      %dma_start3A_122 = tpu.memref_slice %arg5[%add3A_115, %dma_start3A_121] : memref<2048x1024xf32, #tpu.memory_space<hbm>> -> memref<16x1024xf32, #tpu.memory_space<hbm>>
      %dma_start3A_123 = arith.constant 0 : i32
      %dma_start3A_124 = tpu.memref_slice %arg5[%add3A_115, %dma_start3A_123] : memref<2048x1024xf32, #tpu.memory_space<hbm>> -> memref<16x1024xf32, #tpu.memory_space<hbm>>
      tpu.enqueue_dma source(%arg10 : memref<16x1024xf32, #tpu.memory_space<vmem>>) target(%dma_start3A_124 : memref<16x1024xf32, #tpu.memory_space<hbm>>) target_semaphore(%run_scoped3A : memref<!tpu.dma_semaphore, #tpu.memory_space<semaphore_mem>>)
      %dma_wait3A_125 = arith.constant 0 : i32
      %dma_wait3A_126 = tpu.memref_slice %arg5[%add3A_115, %dma_wait3A_125] : memref<2048x1024xf32, #tpu.memory_space<hbm>> -> memref<16x1024xf32, #tpu.memory_space<hbm>>
      %dma_wait3A_127 = arith.constant 0 : i32
      %dma_wait3A_128 = tpu.memref_slice %arg5[%add3A_115, %dma_wait3A_127] : memref<2048x1024xf32, #tpu.memory_space<hbm>> -> memref<16x1024xf32, #tpu.memory_space<hbm>>
      tpu.wait_dma2 semaphore(%run_scoped3A : memref<!tpu.dma_semaphore, #tpu.memory_space<semaphore_mem>>) src(%arg10 : memref<16x1024xf32, #tpu.memory_space<vmem>>) dst(%dma_wait3A_128 : memref<16x1024xf32, #tpu.memory_space<hbm>>)
      tpu.yield
    }) : () -> ()
    %dma_wait3A_116 = arith.constant 0 : i32
    %dma_wait3A_117 = arith.constant 0 : i32
    %dma_wait3A_118 = tpu.memref_slice %arg3[%dma_wait3A_116, %dma_wait3A_117] : memref<6400x1024xf32, #tpu.memory_space<hbm>> -> memref<6400x1024xf32, #tpu.memory_space<hbm>>
    tpu.wait_indirect_dma semaphore(%arg13 : memref<!tpu.dma_semaphore, #tpu.memory_space<semaphore_mem>>) src(%dma_wait3A_118 : memref<6400x1024xf32, #tpu.memory_space<hbm>>) dst(%arg11 : memref<16x1024xf32, #tpu.memory_space<vmem>>)
    %add3A_119 = arith.constant 48 : i32
    %add3A_120 = arith.addi %mul3A_2, %add3A_119 : i32
    "tpu.region"() ({
      %run_scoped3A = tpu.sem_alloc : memref<!tpu.dma_semaphore, #tpu.memory_space<semaphore_mem>>
      %dma_start3A_121 = arith.constant 0 : i32
      %dma_start3A_122 = tpu.memref_slice %arg5[%add3A_120, %dma_start3A_121] : memref<2048x1024xf32, #tpu.memory_space<hbm>> -> memref<16x1024xf32, #tpu.memory_space<hbm>>
      %dma_start3A_123 = arith.constant 0 : i32
      %dma_start3A_124 = tpu.memref_slice %arg5[%add3A_120, %dma_start3A_123] : memref<2048x1024xf32, #tpu.memory_space<hbm>> -> memref<16x1024xf32, #tpu.memory_space<hbm>>
      tpu.enqueue_dma source(%arg11 : memref<16x1024xf32, #tpu.memory_space<vmem>>) target(%dma_start3A_124 : memref<16x1024xf32, #tpu.memory_space<hbm>>) target_semaphore(%run_scoped3A : memref<!tpu.dma_semaphore, #tpu.memory_space<semaphore_mem>>)
      %dma_wait3A_125 = arith.constant 0 : i32
      %dma_wait3A_126 = tpu.memref_slice %arg5[%add3A_120, %dma_wait3A_125] : memref<2048x1024xf32, #tpu.memory_space<hbm>> -> memref<16x1024xf32, #tpu.memory_space<hbm>>
      %dma_wait3A_127 = arith.constant 0 : i32
      %dma_wait3A_128 = tpu.memref_slice %arg5[%add3A_120, %dma_wait3A_127] : memref<2048x1024xf32, #tpu.memory_space<hbm>> -> memref<16x1024xf32, #tpu.memory_space<hbm>>
      tpu.wait_dma2 semaphore(%run_scoped3A : memref<!tpu.dma_semaphore, #tpu.memory_space<semaphore_mem>>) src(%arg11 : memref<16x1024xf32, #tpu.memory_space<vmem>>) dst(%dma_wait3A_128 : memref<16x1024xf32, #tpu.memory_space<hbm>>)
      tpu.yield
    }) : () -> ()
    return
  }
}

#map = affine_map<(d0, d1) -> (0)>
#map1 = affine_map<(d0, d1) -> (0, 0)>
module attributes {stable_mosaic.version = 14 : i64} {
  func.func @dispatch(%arg0: i32, %arg1: i32, %arg2: memref<4352xi32, #tpu.memory_space<hbm>>, %arg3: memref<4096xf32, #tpu.memory_space<hbm>>, %arg4: memref<2048x1024xf32, #tpu.memory_space<hbm>>, %arg5: memref<6144x1024xf32, #tpu.memory_space<hbm>>, %arg6: memref<6144xf32, #tpu.memory_space<hbm>>, %arg7: memref<128xi32, #tpu.memory_space<vmem>>, %arg8: memref<128xf32, #tpu.memory_space<vmem>>, %arg9: memref<16xi32, #tpu.memory_space<vmem>>, %arg10: memref<16xi32, #tpu.memory_space<vmem>>, %arg11: memref<16xi32, #tpu.memory_space<vmem>>, %arg12: memref<16xf32, #tpu.memory_space<vmem>>, %arg13: memref<16x1024xf32, #tpu.memory_space<vmem>>, %arg14: memref<16x1024xf32, #tpu.memory_space<vmem>>, %arg15: memref<!tpu.dma_semaphore, #tpu.memory_space<semaphore_mem>>, %arg16: memref<!tpu.dma_semaphore, #tpu.memory_space<semaphore_mem>>) attributes {dimension_semantics = [#tpu.dimension_semantics<core_parallel>, #tpu.dimension_semantics<subcore_parallel>], iteration_bounds = array<i64: 2, 16>, scalar_prefetch = 0 : i64, scratch_operands = 10 : i64, tpu.core_type = #tpu.core_type<sc_vector_subcore>, window_params = [{transform_indices = #map}, {transform_indices = #map}, {transform_indices = #map1}, {transform_indices = #map1}, {transform_indices = #map}]} {
    %mul3A = arith.constant 16 : i32
    %mul3A_0 = arith.muli %arg0, %mul3A : i32
    %add3A = arith.addi %mul3A_0, %arg1 : i32
    %mul3A_1 = arith.constant 128 : i32
    %mul3A_2 = arith.muli %add3A, %mul3A_1 : i32
    %iota3A = tpu.iota {dimensions = array<i32: 0>} : vector<16xi32>
    "tpu.region"() ({
      %run_scoped3A = tpu.sem_alloc : memref<!tpu.dma_semaphore, #tpu.memory_space<semaphore_mem>>
      %dma_start3A_244 = tpu.memref_slice %arg2[%mul3A_2] : memref<4352xi32, #tpu.memory_space<hbm>> -> memref<128xi32, #tpu.memory_space<hbm>>
      %dma_start3A_245 = tpu.memref_slice %arg2[%mul3A_2] : memref<4352xi32, #tpu.memory_space<hbm>> -> memref<128xi32, #tpu.memory_space<hbm>>
      tpu.enqueue_dma source(%dma_start3A_245 : memref<128xi32, #tpu.memory_space<hbm>>) target(%arg7 : memref<128xi32, #tpu.memory_space<vmem>>) target_semaphore(%run_scoped3A : memref<!tpu.dma_semaphore, #tpu.memory_space<semaphore_mem>>)
      %dma_wait3A_246 = tpu.memref_slice %arg2[%mul3A_2] : memref<4352xi32, #tpu.memory_space<hbm>> -> memref<128xi32, #tpu.memory_space<hbm>>
      %dma_wait3A_247 = tpu.memref_slice %arg2[%mul3A_2] : memref<4352xi32, #tpu.memory_space<hbm>> -> memref<128xi32, #tpu.memory_space<hbm>>
      tpu.wait_dma2 semaphore(%run_scoped3A : memref<!tpu.dma_semaphore, #tpu.memory_space<semaphore_mem>>) src(%dma_wait3A_247 : memref<128xi32, #tpu.memory_space<hbm>>) dst(%arg7 : memref<128xi32, #tpu.memory_space<vmem>>)
      tpu.yield
    }) : () -> ()
    "tpu.region"() ({
      %run_scoped3A = tpu.sem_alloc : memref<!tpu.dma_semaphore, #tpu.memory_space<semaphore_mem>>
      %dma_start3A_244 = tpu.memref_slice %arg3[%mul3A_2] : memref<4096xf32, #tpu.memory_space<hbm>> -> memref<128xf32, #tpu.memory_space<hbm>>
      %dma_start3A_245 = tpu.memref_slice %arg3[%mul3A_2] : memref<4096xf32, #tpu.memory_space<hbm>> -> memref<128xf32, #tpu.memory_space<hbm>>
      tpu.enqueue_dma source(%dma_start3A_245 : memref<128xf32, #tpu.memory_space<hbm>>) target(%arg8 : memref<128xf32, #tpu.memory_space<vmem>>) target_semaphore(%run_scoped3A : memref<!tpu.dma_semaphore, #tpu.memory_space<semaphore_mem>>)
      %dma_wait3A_246 = tpu.memref_slice %arg3[%mul3A_2] : memref<4096xf32, #tpu.memory_space<hbm>> -> memref<128xf32, #tpu.memory_space<hbm>>
      %dma_wait3A_247 = tpu.memref_slice %arg3[%mul3A_2] : memref<4096xf32, #tpu.memory_space<hbm>> -> memref<128xf32, #tpu.memory_space<hbm>>
      tpu.wait_dma2 semaphore(%run_scoped3A : memref<!tpu.dma_semaphore, #tpu.memory_space<semaphore_mem>>) src(%dma_wait3A_247 : memref<128xf32, #tpu.memory_space<hbm>>) dst(%arg8 : memref<128xf32, #tpu.memory_space<vmem>>)
      tpu.yield
    }) : () -> ()
    %add3A_3 = vector.broadcast %mul3A_2 : i32 to vector<16xi32>
    %add3A_4 = arith.addi %add3A_3, %iota3A : vector<16xi32>
    %and3A = arith.constant 2047 : i32
    %and3A_5 = vector.broadcast %and3A : i32 to vector<16xi32>
    %and3A_6 = arith.andi %add3A_4, %and3A_5 : vector<16xi32>
    %swap3A = arith.constant 0 : index
    %swap3A_7 = tpu.vector_load %arg9[%swap3A] {strides = array<i32>} : memref<16xi32, #tpu.memory_space<vmem>>, vector<16xi32>,
    %swap3A_8 = vector.shape_cast %swap3A_7 : vector<16xi32> to vector<16xi32>
    %swap3A_9 = vector.shape_cast %and3A_6 : vector<16xi32> to vector<16xi32>
    tpu.vector_store %arg9[%swap3A], %swap3A_9 {strides = array<i32>} : memref<16xi32, #tpu.memory_space<vmem>>, vector<16xi32>,
    %dma_start3A = arith.constant 0 : i32
    %dma_start3A_10 = arith.constant 0 : i32
    %dma_start3A_11 = tpu.memref_slice %arg4[%dma_start3A, %dma_start3A_10] : memref<2048x1024xf32, #tpu.memory_space<hbm>> -> memref<2048x1024xf32, #tpu.memory_space<hbm>>
    tpu.enqueue_indirect_dma source(%dma_start3A_11 : memref<2048x1024xf32, #tpu.memory_space<hbm>>) target(%arg13 : memref<16x1024xf32, #tpu.memory_space<vmem>>) offsets(%arg9 : memref<16xi32, #tpu.memory_space<vmem>>) semaphore(%arg15 : memref<!tpu.dma_semaphore, #tpu.memory_space<semaphore_mem>>)
    %add3A_12 = arith.constant 16 : i32
    %add3A_13 = arith.addi %mul3A_2, %add3A_12 : i32
    %add3A_14 = vector.broadcast %add3A_13 : i32 to vector<16xi32>
    %add3A_15 = arith.addi %add3A_14, %iota3A : vector<16xi32>
    %and3A_16 = arith.constant 2047 : i32
    %and3A_17 = vector.broadcast %and3A_16 : i32 to vector<16xi32>
    %and3A_18 = arith.andi %add3A_15, %and3A_17 : vector<16xi32>
    %swap3A_19 = arith.constant 0 : index
    %swap3A_20 = tpu.vector_load %arg10[%swap3A_19] {strides = array<i32>} : memref<16xi32, #tpu.memory_space<vmem>>, vector<16xi32>,
    %swap3A_21 = vector.shape_cast %swap3A_20 : vector<16xi32> to vector<16xi32>
    %swap3A_22 = vector.shape_cast %and3A_18 : vector<16xi32> to vector<16xi32>
    tpu.vector_store %arg10[%swap3A_19], %swap3A_22 {strides = array<i32>} : memref<16xi32, #tpu.memory_space<vmem>>, vector<16xi32>,
    %dma_start3A_23 = arith.constant 0 : i32
    %dma_start3A_24 = arith.constant 0 : i32
    %dma_start3A_25 = tpu.memref_slice %arg4[%dma_start3A_23, %dma_start3A_24] : memref<2048x1024xf32, #tpu.memory_space<hbm>> -> memref<2048x1024xf32, #tpu.memory_space<hbm>>
    tpu.enqueue_indirect_dma source(%dma_start3A_25 : memref<2048x1024xf32, #tpu.memory_space<hbm>>) target(%arg14 : memref<16x1024xf32, #tpu.memory_space<vmem>>) offsets(%arg10 : memref<16xi32, #tpu.memory_space<vmem>>) semaphore(%arg16 : memref<!tpu.dma_semaphore, #tpu.memory_space<semaphore_mem>>)
    %dma_wait3A = arith.constant 0 : i32
    %dma_wait3A_26 = arith.constant 0 : i32
    %dma_wait3A_27 = tpu.memref_slice %arg4[%dma_wait3A, %dma_wait3A_26] : memref<2048x1024xf32, #tpu.memory_space<hbm>> -> memref<2048x1024xf32, #tpu.memory_space<hbm>>
    tpu.wait_indirect_dma semaphore(%arg15 : memref<!tpu.dma_semaphore, #tpu.memory_space<semaphore_mem>>) src(%dma_wait3A_27 : memref<2048x1024xf32, #tpu.memory_space<hbm>>) dst(%arg13 : memref<16x1024xf32, #tpu.memory_space<vmem>>)
    %get3A = arith.constant 0 : index
    %get3A_28 = tpu.vector_load %arg7[%get3A] {strides = array<i32>} : memref<128xi32, #tpu.memory_space<vmem>>, vector<16xi32>,
    %get3A_29 = vector.shape_cast %get3A_28 : vector<16xi32> to vector<16xi32>
    %swap3A_30 = arith.constant 0 : index
    %swap3A_31 = tpu.vector_load %arg11[%swap3A_30] {strides = array<i32>} : memref<16xi32, #tpu.memory_space<vmem>>, vector<16xi32>,
    %swap3A_32 = vector.shape_cast %swap3A_31 : vector<16xi32> to vector<16xi32>
    %swap3A_33 = vector.shape_cast %get3A_29 : vector<16xi32> to vector<16xi32>
    tpu.vector_store %arg11[%swap3A_30], %swap3A_33 {strides = array<i32>} : memref<16xi32, #tpu.memory_space<vmem>>, vector<16xi32>,
    %get3A_34 = arith.constant 0 : index
    %get3A_35 = tpu.vector_load %arg8[%get3A_34] {strides = array<i32>} : memref<128xf32, #tpu.memory_space<vmem>>, vector<16xf32>,
    %get3A_36 = vector.shape_cast %get3A_35 : vector<16xf32> to vector<16xf32>
    %swap3A_37 = arith.constant 0 : index
    %swap3A_38 = tpu.vector_load %arg12[%swap3A_37] {strides = array<i32>} : memref<16xf32, #tpu.memory_space<vmem>>, vector<16xf32>,
    %swap3A_39 = vector.shape_cast %swap3A_38 : vector<16xf32> to vector<16xf32>
    %swap3A_40 = vector.shape_cast %get3A_36 : vector<16xf32> to vector<16xf32>
    tpu.vector_store %arg12[%swap3A_37], %swap3A_40 {strides = array<i32>} : memref<16xf32, #tpu.memory_space<vmem>>, vector<16xf32>,
    "tpu.region"() ({
      %run_scoped3A = tpu.sem_alloc : memref<!tpu.dma_semaphore, #tpu.memory_space<semaphore_mem>>
      %dma_start3A_244 = arith.constant 0 : i32
      %dma_start3A_245 = arith.constant 0 : i32
      %dma_start3A_246 = tpu.memref_slice %arg5[%dma_start3A_244, %dma_start3A_245] : memref<6144x1024xf32, #tpu.memory_space<hbm>> -> memref<6144x1024xf32, #tpu.memory_space<hbm>>
      tpu.enqueue_indirect_dma source(%arg13 : memref<16x1024xf32, #tpu.memory_space<vmem>>) target(%dma_start3A_246 : memref<6144x1024xf32, #tpu.memory_space<hbm>>) offsets(%arg11 : memref<16xi32, #tpu.memory_space<vmem>>) semaphore(%run_scoped3A : memref<!tpu.dma_semaphore, #tpu.memory_space<semaphore_mem>>)
      %dma_wait3A_247 = arith.constant 0 : i32
      %dma_wait3A_248 = arith.constant 0 : i32
      %dma_wait3A_249 = tpu.memref_slice %arg5[%dma_wait3A_247, %dma_wait3A_248] : memref<6144x1024xf32, #tpu.memory_space<hbm>> -> memref<6144x1024xf32, #tpu.memory_space<hbm>>
      tpu.wait_indirect_dma semaphore(%run_scoped3A : memref<!tpu.dma_semaphore, #tpu.memory_space<semaphore_mem>>) src(%arg13 : memref<16x1024xf32, #tpu.memory_space<vmem>>) dst(%dma_wait3A_249 : memref<6144x1024xf32, #tpu.memory_space<hbm>>)
      tpu.yield
    }) : () -> ()
    "tpu.region"() ({
      %run_scoped3A = tpu.sem_alloc : memref<!tpu.dma_semaphore, #tpu.memory_space<semaphore_mem>>
      %dma_start3A_244 = arith.constant 0 : i32
      %dma_start3A_245 = tpu.memref_slice %arg6[%dma_start3A_244] : memref<6144xf32, #tpu.memory_space<hbm>> -> memref<6144xf32, #tpu.memory_space<hbm>>
      tpu.enqueue_indirect_dma source(%arg12 : memref<16xf32, #tpu.memory_space<vmem>>) target(%dma_start3A_245 : memref<6144xf32, #tpu.memory_space<hbm>>) offsets(%arg11 : memref<16xi32, #tpu.memory_space<vmem>>) semaphore(%run_scoped3A : memref<!tpu.dma_semaphore, #tpu.memory_space<semaphore_mem>>)
      %dma_wait3A_246 = arith.constant 0 : i32
      %dma_wait3A_247 = tpu.memref_slice %arg6[%dma_wait3A_246] : memref<6144xf32, #tpu.memory_space<hbm>> -> memref<6144xf32, #tpu.memory_space<hbm>>
      tpu.wait_indirect_dma semaphore(%run_scoped3A : memref<!tpu.dma_semaphore, #tpu.memory_space<semaphore_mem>>) src(%arg12 : memref<16xf32, #tpu.memory_space<vmem>>) dst(%dma_wait3A_247 : memref<6144xf32, #tpu.memory_space<hbm>>)
      tpu.yield
    }) : () -> ()
    %add3A_41 = arith.constant 32 : i32
    %add3A_42 = arith.addi %mul3A_2, %add3A_41 : i32
    %add3A_43 = vector.broadcast %add3A_42 : i32 to vector<16xi32>
    %add3A_44 = arith.addi %add3A_43, %iota3A : vector<16xi32>
    %and3A_45 = arith.constant 2047 : i32
    %and3A_46 = vector.broadcast %and3A_45 : i32 to vector<16xi32>
    %and3A_47 = arith.andi %add3A_44, %and3A_46 : vector<16xi32>
    %swap3A_48 = arith.constant 0 : index
    %swap3A_49 = tpu.vector_load %arg9[%swap3A_48] {strides = array<i32>} : memref<16xi32, #tpu.memory_space<vmem>>, vector<16xi32>,
    %swap3A_50 = vector.shape_cast %swap3A_49 : vector<16xi32> to vector<16xi32>
    %swap3A_51 = vector.shape_cast %and3A_47 : vector<16xi32> to vector<16xi32>
    tpu.vector_store %arg9[%swap3A_48], %swap3A_51 {strides = array<i32>} : memref<16xi32, #tpu.memory_space<vmem>>, vector<16xi32>,
    %dma_start3A_52 = arith.constant 0 : i32
    %dma_start3A_53 = arith.constant 0 : i32
    %dma_start3A_54 = tpu.memref_slice %arg4[%dma_start3A_52, %dma_start3A_53] : memref<2048x1024xf32, #tpu.memory_space<hbm>> -> memref<2048x1024xf32, #tpu.memory_space<hbm>>
    tpu.enqueue_indirect_dma source(%dma_start3A_54 : memref<2048x1024xf32, #tpu.memory_space<hbm>>) target(%arg13 : memref<16x1024xf32, #tpu.memory_space<vmem>>) offsets(%arg9 : memref<16xi32, #tpu.memory_space<vmem>>) semaphore(%arg15 : memref<!tpu.dma_semaphore, #tpu.memory_space<semaphore_mem>>)
    %dma_wait3A_55 = arith.constant 0 : i32
    %dma_wait3A_56 = arith.constant 0 : i32
    %dma_wait3A_57 = tpu.memref_slice %arg4[%dma_wait3A_55, %dma_wait3A_56] : memref<2048x1024xf32, #tpu.memory_space<hbm>> -> memref<2048x1024xf32, #tpu.memory_space<hbm>>
    tpu.wait_indirect_dma semaphore(%arg16 : memref<!tpu.dma_semaphore, #tpu.memory_space<semaphore_mem>>) src(%dma_wait3A_57 : memref<2048x1024xf32, #tpu.memory_space<hbm>>) dst(%arg14 : memref<16x1024xf32, #tpu.memory_space<vmem>>)
    %get3A_58 = arith.constant 16 : index
    %get3A_59 = tpu.vector_load %arg7[%get3A_58] {strides = array<i32>} : memref<128xi32, #tpu.memory_space<vmem>>, vector<16xi32>,
    %get3A_60 = vector.shape_cast %get3A_59 : vector<16xi32> to vector<16xi32>
    %swap3A_61 = arith.constant 0 : index
    %swap3A_62 = tpu.vector_load %arg11[%swap3A_61] {strides = array<i32>} : memref<16xi32, #tpu.memory_space<vmem>>, vector<16xi32>,
    %swap3A_63 = vector.shape_cast %swap3A_62 : vector<16xi32> to vector<16xi32>
    %swap3A_64 = vector.shape_cast %get3A_60 : vector<16xi32> to vector<16xi32>
    tpu.vector_store %arg11[%swap3A_61], %swap3A_64 {strides = array<i32>} : memref<16xi32, #tpu.memory_space<vmem>>, vector<16xi32>,
    %get3A_65 = arith.constant 16 : index
    %get3A_66 = tpu.vector_load %arg8[%get3A_65] {strides = array<i32>} : memref<128xf32, #tpu.memory_space<vmem>>, vector<16xf32>,
    %get3A_67 = vector.shape_cast %get3A_66 : vector<16xf32> to vector<16xf32>
    %swap3A_68 = arith.constant 0 : index
    %swap3A_69 = tpu.vector_load %arg12[%swap3A_68] {strides = array<i32>} : memref<16xf32, #tpu.memory_space<vmem>>, vector<16xf32>,
    %swap3A_70 = vector.shape_cast %swap3A_69 : vector<16xf32> to vector<16xf32>
    %swap3A_71 = vector.shape_cast %get3A_67 : vector<16xf32> to vector<16xf32>
    tpu.vector_store %arg12[%swap3A_68], %swap3A_71 {strides = array<i32>} : memref<16xf32, #tpu.memory_space<vmem>>, vector<16xf32>,
    "tpu.region"() ({
      %run_scoped3A = tpu.sem_alloc : memref<!tpu.dma_semaphore, #tpu.memory_space<semaphore_mem>>
      %dma_start3A_244 = arith.constant 0 : i32
      %dma_start3A_245 = arith.constant 0 : i32
      %dma_start3A_246 = tpu.memref_slice %arg5[%dma_start3A_244, %dma_start3A_245] : memref<6144x1024xf32, #tpu.memory_space<hbm>> -> memref<6144x1024xf32, #tpu.memory_space<hbm>>
      tpu.enqueue_indirect_dma source(%arg14 : memref<16x1024xf32, #tpu.memory_space<vmem>>) target(%dma_start3A_246 : memref<6144x1024xf32, #tpu.memory_space<hbm>>) offsets(%arg11 : memref<16xi32, #tpu.memory_space<vmem>>) semaphore(%run_scoped3A : memref<!tpu.dma_semaphore, #tpu.memory_space<semaphore_mem>>)
      %dma_wait3A_247 = arith.constant 0 : i32
      %dma_wait3A_248 = arith.constant 0 : i32
      %dma_wait3A_249 = tpu.memref_slice %arg5[%dma_wait3A_247, %dma_wait3A_248] : memref<6144x1024xf32, #tpu.memory_space<hbm>> -> memref<6144x1024xf32, #tpu.memory_space<hbm>>
      tpu.wait_indirect_dma semaphore(%run_scoped3A : memref<!tpu.dma_semaphore, #tpu.memory_space<semaphore_mem>>) src(%arg14 : memref<16x1024xf32, #tpu.memory_space<vmem>>) dst(%dma_wait3A_249 : memref<6144x1024xf32, #tpu.memory_space<hbm>>)
      tpu.yield
    }) : () -> ()
    "tpu.region"() ({
      %run_scoped3A = tpu.sem_alloc : memref<!tpu.dma_semaphore, #tpu.memory_space<semaphore_mem>>
      %dma_start3A_244 = arith.constant 0 : i32
      %dma_start3A_245 = tpu.memref_slice %arg6[%dma_start3A_244] : memref<6144xf32, #tpu.memory_space<hbm>> -> memref<6144xf32, #tpu.memory_space<hbm>>
      tpu.enqueue_indirect_dma source(%arg12 : memref<16xf32, #tpu.memory_space<vmem>>) target(%dma_start3A_245 : memref<6144xf32, #tpu.memory_space<hbm>>) offsets(%arg11 : memref<16xi32, #tpu.memory_space<vmem>>) semaphore(%run_scoped3A : memref<!tpu.dma_semaphore, #tpu.memory_space<semaphore_mem>>)
      %dma_wait3A_246 = arith.constant 0 : i32
      %dma_wait3A_247 = tpu.memref_slice %arg6[%dma_wait3A_246] : memref<6144xf32, #tpu.memory_space<hbm>> -> memref<6144xf32, #tpu.memory_space<hbm>>
      tpu.wait_indirect_dma semaphore(%run_scoped3A : memref<!tpu.dma_semaphore, #tpu.memory_space<semaphore_mem>>) src(%arg12 : memref<16xf32, #tpu.memory_space<vmem>>) dst(%dma_wait3A_247 : memref<6144xf32, #tpu.memory_space<hbm>>)
      tpu.yield
    }) : () -> ()
    %add3A_72 = arith.constant 48 : i32
    %add3A_73 = arith.addi %mul3A_2, %add3A_72 : i32
    %add3A_74 = vector.broadcast %add3A_73 : i32 to vector<16xi32>
    %add3A_75 = arith.addi %add3A_74, %iota3A : vector<16xi32>
    %and3A_76 = arith.constant 2047 : i32
    %and3A_77 = vector.broadcast %and3A_76 : i32 to vector<16xi32>
    %and3A_78 = arith.andi %add3A_75, %and3A_77 : vector<16xi32>
    %swap3A_79 = arith.constant 0 : index
    %swap3A_80 = tpu.vector_load %arg10[%swap3A_79] {strides = array<i32>} : memref<16xi32, #tpu.memory_space<vmem>>, vector<16xi32>,
    %swap3A_81 = vector.shape_cast %swap3A_80 : vector<16xi32> to vector<16xi32>
    %swap3A_82 = vector.shape_cast %and3A_78 : vector<16xi32> to vector<16xi32>
    tpu.vector_store %arg10[%swap3A_79], %swap3A_82 {strides = array<i32>} : memref<16xi32, #tpu.memory_space<vmem>>, vector<16xi32>,
    %dma_start3A_83 = arith.constant 0 : i32
    %dma_start3A_84 = arith.constant 0 : i32
    %dma_start3A_85 = tpu.memref_slice %arg4[%dma_start3A_83, %dma_start3A_84] : memref<2048x1024xf32, #tpu.memory_space<hbm>> -> memref<2048x1024xf32, #tpu.memory_space<hbm>>
    tpu.enqueue_indirect_dma source(%dma_start3A_85 : memref<2048x1024xf32, #tpu.memory_space<hbm>>) target(%arg14 : memref<16x1024xf32, #tpu.memory_space<vmem>>) offsets(%arg10 : memref<16xi32, #tpu.memory_space<vmem>>) semaphore(%arg16 : memref<!tpu.dma_semaphore, #tpu.memory_space<semaphore_mem>>)
    %dma_wait3A_86 = arith.constant 0 : i32
    %dma_wait3A_87 = arith.constant 0 : i32
    %dma_wait3A_88 = tpu.memref_slice %arg4[%dma_wait3A_86, %dma_wait3A_87] : memref<2048x1024xf32, #tpu.memory_space<hbm>> -> memref<2048x1024xf32, #tpu.memory_space<hbm>>
    tpu.wait_indirect_dma semaphore(%arg15 : memref<!tpu.dma_semaphore, #tpu.memory_space<semaphore_mem>>) src(%dma_wait3A_88 : memref<2048x1024xf32, #tpu.memory_space<hbm>>) dst(%arg13 : memref<16x1024xf32, #tpu.memory_space<vmem>>)
    %get3A_89 = arith.constant 32 : index
    %get3A_90 = tpu.vector_load %arg7[%get3A_89] {strides = array<i32>} : memref<128xi32, #tpu.memory_space<vmem>>, vector<16xi32>,
    %get3A_91 = vector.shape_cast %get3A_90 : vector<16xi32> to vector<16xi32>
    %swap3A_92 = arith.constant 0 : index
    %swap3A_93 = tpu.vector_load %arg11[%swap3A_92] {strides = array<i32>} : memref<16xi32, #tpu.memory_space<vmem>>, vector<16xi32>,
    %swap3A_94 = vector.shape_cast %swap3A_93 : vector<16xi32> to vector<16xi32>
    %swap3A_95 = vector.shape_cast %get3A_91 : vector<16xi32> to vector<16xi32>
    tpu.vector_store %arg11[%swap3A_92], %swap3A_95 {strides = array<i32>} : memref<16xi32, #tpu.memory_space<vmem>>, vector<16xi32>,
    %get3A_96 = arith.constant 32 : index
    %get3A_97 = tpu.vector_load %arg8[%get3A_96] {strides = array<i32>} : memref<128xf32, #tpu.memory_space<vmem>>, vector<16xf32>,
    %get3A_98 = vector.shape_cast %get3A_97 : vector<16xf32> to vector<16xf32>
    %swap3A_99 = arith.constant 0 : index
    %swap3A_100 = tpu.vector_load %arg12[%swap3A_99] {strides = array<i32>} : memref<16xf32, #tpu.memory_space<vmem>>, vector<16xf32>,
    %swap3A_101 = vector.shape_cast %swap3A_100 : vector<16xf32> to vector<16xf32>
    %swap3A_102 = vector.shape_cast %get3A_98 : vector<16xf32> to vector<16xf32>
    tpu.vector_store %arg12[%swap3A_99], %swap3A_102 {strides = array<i32>} : memref<16xf32, #tpu.memory_space<vmem>>, vector<16xf32>,
    "tpu.region"() ({
      %run_scoped3A = tpu.sem_alloc : memref<!tpu.dma_semaphore, #tpu.memory_space<semaphore_mem>>
      %dma_start3A_244 = arith.constant 0 : i32
      %dma_start3A_245 = arith.constant 0 : i32
      %dma_start3A_246 = tpu.memref_slice %arg5[%dma_start3A_244, %dma_start3A_245] : memref<6144x1024xf32, #tpu.memory_space<hbm>> -> memref<6144x1024xf32, #tpu.memory_space<hbm>>
      tpu.enqueue_indirect_dma source(%arg13 : memref<16x1024xf32, #tpu.memory_space<vmem>>) target(%dma_start3A_246 : memref<6144x1024xf32, #tpu.memory_space<hbm>>) offsets(%arg11 : memref<16xi32, #tpu.memory_space<vmem>>) semaphore(%run_scoped3A : memref<!tpu.dma_semaphore, #tpu.memory_space<semaphore_mem>>)
      %dma_wait3A_247 = arith.constant 0 : i32
      %dma_wait3A_248 = arith.constant 0 : i32
      %dma_wait3A_249 = tpu.memref_slice %arg5[%dma_wait3A_247, %dma_wait3A_248] : memref<6144x1024xf32, #tpu.memory_space<hbm>> -> memref<6144x1024xf32, #tpu.memory_space<hbm>>
      tpu.wait_indirect_dma semaphore(%run_scoped3A : memref<!tpu.dma_semaphore, #tpu.memory_space<semaphore_mem>>) src(%arg13 : memref<16x1024xf32, #tpu.memory_space<vmem>>) dst(%dma_wait3A_249 : memref<6144x1024xf32, #tpu.memory_space<hbm>>)
      tpu.yield
    }) : () -> ()
    "tpu.region"() ({
      %run_scoped3A = tpu.sem_alloc : memref<!tpu.dma_semaphore, #tpu.memory_space<semaphore_mem>>
      %dma_start3A_244 = arith.constant 0 : i32
      %dma_start3A_245 = tpu.memref_slice %arg6[%dma_start3A_244] : memref<6144xf32, #tpu.memory_space<hbm>> -> memref<6144xf32, #tpu.memory_space<hbm>>
      tpu.enqueue_indirect_dma source(%arg12 : memref<16xf32, #tpu.memory_space<vmem>>) target(%dma_start3A_245 : memref<6144xf32, #tpu.memory_space<hbm>>) offsets(%arg11 : memref<16xi32, #tpu.memory_space<vmem>>) semaphore(%run_scoped3A : memref<!tpu.dma_semaphore, #tpu.memory_space<semaphore_mem>>)
      %dma_wait3A_246 = arith.constant 0 : i32
      %dma_wait3A_247 = tpu.memref_slice %arg6[%dma_wait3A_246] : memref<6144xf32, #tpu.memory_space<hbm>> -> memref<6144xf32, #tpu.memory_space<hbm>>
      tpu.wait_indirect_dma semaphore(%run_scoped3A : memref<!tpu.dma_semaphore, #tpu.memory_space<semaphore_mem>>) src(%arg12 : memref<16xf32, #tpu.memory_space<vmem>>) dst(%dma_wait3A_247 : memref<6144xf32, #tpu.memory_space<hbm>>)
      tpu.yield
    }) : () -> ()
    %add3A_103 = arith.constant 64 : i32
    %add3A_104 = arith.addi %mul3A_2, %add3A_103 : i32
    %add3A_105 = vector.broadcast %add3A_104 : i32 to vector<16xi32>
    %add3A_106 = arith.addi %add3A_105, %iota3A : vector<16xi32>
    %and3A_107 = arith.constant 2047 : i32
    %and3A_108 = vector.broadcast %and3A_107 : i32 to vector<16xi32>
    %and3A_109 = arith.andi %add3A_106, %and3A_108 : vector<16xi32>
    %swap3A_110 = arith.constant 0 : index
    %swap3A_111 = tpu.vector_load %arg9[%swap3A_110] {strides = array<i32>} : memref<16xi32, #tpu.memory_space<vmem>>, vector<16xi32>,
    %swap3A_112 = vector.shape_cast %swap3A_111 : vector<16xi32> to vector<16xi32>
    %swap3A_113 = vector.shape_cast %and3A_109 : vector<16xi32> to vector<16xi32>
    tpu.vector_store %arg9[%swap3A_110], %swap3A_113 {strides = array<i32>} : memref<16xi32, #tpu.memory_space<vmem>>, vector<16xi32>,
    %dma_start3A_114 = arith.constant 0 : i32
    %dma_start3A_115 = arith.constant 0 : i32
    %dma_start3A_116 = tpu.memref_slice %arg4[%dma_start3A_114, %dma_start3A_115] : memref<2048x1024xf32, #tpu.memory_space<hbm>> -> memref<2048x1024xf32, #tpu.memory_space<hbm>>
    tpu.enqueue_indirect_dma source(%dma_start3A_116 : memref<2048x1024xf32, #tpu.memory_space<hbm>>) target(%arg13 : memref<16x1024xf32, #tpu.memory_space<vmem>>) offsets(%arg9 : memref<16xi32, #tpu.memory_space<vmem>>) semaphore(%arg15 : memref<!tpu.dma_semaphore, #tpu.memory_space<semaphore_mem>>)
    %dma_wait3A_117 = arith.constant 0 : i32
    %dma_wait3A_118 = arith.constant 0 : i32
    %dma_wait3A_119 = tpu.memref_slice %arg4[%dma_wait3A_117, %dma_wait3A_118] : memref<2048x1024xf32, #tpu.memory_space<hbm>> -> memref<2048x1024xf32, #tpu.memory_space<hbm>>
    tpu.wait_indirect_dma semaphore(%arg16 : memref<!tpu.dma_semaphore, #tpu.memory_space<semaphore_mem>>) src(%dma_wait3A_119 : memref<2048x1024xf32, #tpu.memory_space<hbm>>) dst(%arg14 : memref<16x1024xf32, #tpu.memory_space<vmem>>)
    %get3A_120 = arith.constant 48 : index
    %get3A_121 = tpu.vector_load %arg7[%get3A_120] {strides = array<i32>} : memref<128xi32, #tpu.memory_space<vmem>>, vector<16xi32>,
    %get3A_122 = vector.shape_cast %get3A_121 : vector<16xi32> to vector<16xi32>
    %swap3A_123 = arith.constant 0 : index
    %swap3A_124 = tpu.vector_load %arg11[%swap3A_123] {strides = array<i32>} : memref<16xi32, #tpu.memory_space<vmem>>, vector<16xi32>,
    %swap3A_125 = vector.shape_cast %swap3A_124 : vector<16xi32> to vector<16xi32>
    %swap3A_126 = vector.shape_cast %get3A_122 : vector<16xi32> to vector<16xi32>
    tpu.vector_store %arg11[%swap3A_123], %swap3A_126 {strides = array<i32>} : memref<16xi32, #tpu.memory_space<vmem>>, vector<16xi32>,
    %get3A_127 = arith.constant 48 : index
    %get3A_128 = tpu.vector_load %arg8[%get3A_127] {strides = array<i32>} : memref<128xf32, #tpu.memory_space<vmem>>, vector<16xf32>,
    %get3A_129 = vector.shape_cast %get3A_128 : vector<16xf32> to vector<16xf32>
    %swap3A_130 = arith.constant 0 : index
    %swap3A_131 = tpu.vector_load %arg12[%swap3A_130] {strides = array<i32>} : memref<16xf32, #tpu.memory_space<vmem>>, vector<16xf32>,
    %swap3A_132 = vector.shape_cast %swap3A_131 : vector<16xf32> to vector<16xf32>
    %swap3A_133 = vector.shape_cast %get3A_129 : vector<16xf32> to vector<16xf32>
    tpu.vector_store %arg12[%swap3A_130], %swap3A_133 {strides = array<i32>} : memref<16xf32, #tpu.memory_space<vmem>>, vector<16xf32>,
    "tpu.region"() ({
      %run_scoped3A = tpu.sem_alloc : memref<!tpu.dma_semaphore, #tpu.memory_space<semaphore_mem>>
      %dma_start3A_244 = arith.constant 0 : i32
      %dma_start3A_245 = arith.constant 0 : i32
      %dma_start3A_246 = tpu.memref_slice %arg5[%dma_start3A_244, %dma_start3A_245] : memref<6144x1024xf32, #tpu.memory_space<hbm>> -> memref<6144x1024xf32, #tpu.memory_space<hbm>>
      tpu.enqueue_indirect_dma source(%arg14 : memref<16x1024xf32, #tpu.memory_space<vmem>>) target(%dma_start3A_246 : memref<6144x1024xf32, #tpu.memory_space<hbm>>) offsets(%arg11 : memref<16xi32, #tpu.memory_space<vmem>>) semaphore(%run_scoped3A : memref<!tpu.dma_semaphore, #tpu.memory_space<semaphore_mem>>)
      %dma_wait3A_247 = arith.constant 0 : i32
      %dma_wait3A_248 = arith.constant 0 : i32
      %dma_wait3A_249 = tpu.memref_slice %arg5[%dma_wait3A_247, %dma_wait3A_248] : memref<6144x1024xf32, #tpu.memory_space<hbm>> -> memref<6144x1024xf32, #tpu.memory_space<hbm>>
      tpu.wait_indirect_dma semaphore(%run_scoped3A : memref<!tpu.dma_semaphore, #tpu.memory_space<semaphore_mem>>) src(%arg14 : memref<16x1024xf32, #tpu.memory_space<vmem>>) dst(%dma_wait3A_249 : memref<6144x1024xf32, #tpu.memory_space<hbm>>)
      tpu.yield
    }) : () -> ()
    "tpu.region"() ({
      %run_scoped3A = tpu.sem_alloc : memref<!tpu.dma_semaphore, #tpu.memory_space<semaphore_mem>>
      %dma_start3A_244 = arith.constant 0 : i32
      %dma_start3A_245 = tpu.memref_slice %arg6[%dma_start3A_244] : memref<6144xf32, #tpu.memory_space<hbm>> -> memref<6144xf32, #tpu.memory_space<hbm>>
      tpu.enqueue_indirect_dma source(%arg12 : memref<16xf32, #tpu.memory_space<vmem>>) target(%dma_start3A_245 : memref<6144xf32, #tpu.memory_space<hbm>>) offsets(%arg11 : memref<16xi32, #tpu.memory_space<vmem>>) semaphore(%run_scoped3A : memref<!tpu.dma_semaphore, #tpu.memory_space<semaphore_mem>>)
      %dma_wait3A_246 = arith.constant 0 : i32
      %dma_wait3A_247 = tpu.memref_slice %arg6[%dma_wait3A_246] : memref<6144xf32, #tpu.memory_space<hbm>> -> memref<6144xf32, #tpu.memory_space<hbm>>
      tpu.wait_indirect_dma semaphore(%run_scoped3A : memref<!tpu.dma_semaphore, #tpu.memory_space<semaphore_mem>>) src(%arg12 : memref<16xf32, #tpu.memory_space<vmem>>) dst(%dma_wait3A_247 : memref<6144xf32, #tpu.memory_space<hbm>>)
      tpu.yield
    }) : () -> ()
    %add3A_134 = arith.constant 80 : i32
    %add3A_135 = arith.addi %mul3A_2, %add3A_134 : i32
    %add3A_136 = vector.broadcast %add3A_135 : i32 to vector<16xi32>
    %add3A_137 = arith.addi %add3A_136, %iota3A : vector<16xi32>
    %and3A_138 = arith.constant 2047 : i32
    %and3A_139 = vector.broadcast %and3A_138 : i32 to vector<16xi32>
    %and3A_140 = arith.andi %add3A_137, %and3A_139 : vector<16xi32>
    %swap3A_141 = arith.constant 0 : index
    %swap3A_142 = tpu.vector_load %arg10[%swap3A_141] {strides = array<i32>} : memref<16xi32, #tpu.memory_space<vmem>>, vector<16xi32>,
    %swap3A_143 = vector.shape_cast %swap3A_142 : vector<16xi32> to vector<16xi32>
    %swap3A_144 = vector.shape_cast %and3A_140 : vector<16xi32> to vector<16xi32>
    tpu.vector_store %arg10[%swap3A_141], %swap3A_144 {strides = array<i32>} : memref<16xi32, #tpu.memory_space<vmem>>, vector<16xi32>,
    %dma_start3A_145 = arith.constant 0 : i32
    %dma_start3A_146 = arith.constant 0 : i32
    %dma_start3A_147 = tpu.memref_slice %arg4[%dma_start3A_145, %dma_start3A_146] : memref<2048x1024xf32, #tpu.memory_space<hbm>> -> memref<2048x1024xf32, #tpu.memory_space<hbm>>
    tpu.enqueue_indirect_dma source(%dma_start3A_147 : memref<2048x1024xf32, #tpu.memory_space<hbm>>) target(%arg14 : memref<16x1024xf32, #tpu.memory_space<vmem>>) offsets(%arg10 : memref<16xi32, #tpu.memory_space<vmem>>) semaphore(%arg16 : memref<!tpu.dma_semaphore, #tpu.memory_space<semaphore_mem>>)
    %dma_wait3A_148 = arith.constant 0 : i32
    %dma_wait3A_149 = arith.constant 0 : i32
    %dma_wait3A_150 = tpu.memref_slice %arg4[%dma_wait3A_148, %dma_wait3A_149] : memref<2048x1024xf32, #tpu.memory_space<hbm>> -> memref<2048x1024xf32, #tpu.memory_space<hbm>>
    tpu.wait_indirect_dma semaphore(%arg15 : memref<!tpu.dma_semaphore, #tpu.memory_space<semaphore_mem>>) src(%dma_wait3A_150 : memref<2048x1024xf32, #tpu.memory_space<hbm>>) dst(%arg13 : memref<16x1024xf32, #tpu.memory_space<vmem>>)
    %get3A_151 = arith.constant 64 : index
    %get3A_152 = tpu.vector_load %arg7[%get3A_151] {strides = array<i32>} : memref<128xi32, #tpu.memory_space<vmem>>, vector<16xi32>,
    %get3A_153 = vector.shape_cast %get3A_152 : vector<16xi32> to vector<16xi32>
    %swap3A_154 = arith.constant 0 : index
    %swap3A_155 = tpu.vector_load %arg11[%swap3A_154] {strides = array<i32>} : memref<16xi32, #tpu.memory_space<vmem>>, vector<16xi32>,
    %swap3A_156 = vector.shape_cast %swap3A_155 : vector<16xi32> to vector<16xi32>
    %swap3A_157 = vector.shape_cast %get3A_153 : vector<16xi32> to vector<16xi32>
    tpu.vector_store %arg11[%swap3A_154], %swap3A_157 {strides = array<i32>} : memref<16xi32, #tpu.memory_space<vmem>>, vector<16xi32>,
    %get3A_158 = arith.constant 64 : index
    %get3A_159 = tpu.vector_load %arg8[%get3A_158] {strides = array<i32>} : memref<128xf32, #tpu.memory_space<vmem>>, vector<16xf32>,
    %get3A_160 = vector.shape_cast %get3A_159 : vector<16xf32> to vector<16xf32>
    %swap3A_161 = arith.constant 0 : index
    %swap3A_162 = tpu.vector_load %arg12[%swap3A_161] {strides = array<i32>} : memref<16xf32, #tpu.memory_space<vmem>>, vector<16xf32>,
    %swap3A_163 = vector.shape_cast %swap3A_162 : vector<16xf32> to vector<16xf32>
    %swap3A_164 = vector.shape_cast %get3A_160 : vector<16xf32> to vector<16xf32>
    tpu.vector_store %arg12[%swap3A_161], %swap3A_164 {strides = array<i32>} : memref<16xf32, #tpu.memory_space<vmem>>, vector<16xf32>,
    "tpu.region"() ({
      %run_scoped3A = tpu.sem_alloc : memref<!tpu.dma_semaphore, #tpu.memory_space<semaphore_mem>>
      %dma_start3A_244 = arith.constant 0 : i32
      %dma_start3A_245 = arith.constant 0 : i32
      %dma_start3A_246 = tpu.memref_slice %arg5[%dma_start3A_244, %dma_start3A_245] : memref<6144x1024xf32, #tpu.memory_space<hbm>> -> memref<6144x1024xf32, #tpu.memory_space<hbm>>
      tpu.enqueue_indirect_dma source(%arg13 : memref<16x1024xf32, #tpu.memory_space<vmem>>) target(%dma_start3A_246 : memref<6144x1024xf32, #tpu.memory_space<hbm>>) offsets(%arg11 : memref<16xi32, #tpu.memory_space<vmem>>) semaphore(%run_scoped3A : memref<!tpu.dma_semaphore, #tpu.memory_space<semaphore_mem>>)
      %dma_wait3A_247 = arith.constant 0 : i32
      %dma_wait3A_248 = arith.constant 0 : i32
      %dma_wait3A_249 = tpu.memref_slice %arg5[%dma_wait3A_247, %dma_wait3A_248] : memref<6144x1024xf32, #tpu.memory_space<hbm>> -> memref<6144x1024xf32, #tpu.memory_space<hbm>>
      tpu.wait_indirect_dma semaphore(%run_scoped3A : memref<!tpu.dma_semaphore, #tpu.memory_space<semaphore_mem>>) src(%arg13 : memref<16x1024xf32, #tpu.memory_space<vmem>>) dst(%dma_wait3A_249 : memref<6144x1024xf32, #tpu.memory_space<hbm>>)
      tpu.yield
    }) : () -> ()
    "tpu.region"() ({
      %run_scoped3A = tpu.sem_alloc : memref<!tpu.dma_semaphore, #tpu.memory_space<semaphore_mem>>
      %dma_start3A_244 = arith.constant 0 : i32
      %dma_start3A_245 = tpu.memref_slice %arg6[%dma_start3A_244] : memref<6144xf32, #tpu.memory_space<hbm>> -> memref<6144xf32, #tpu.memory_space<hbm>>
      tpu.enqueue_indirect_dma source(%arg12 : memref<16xf32, #tpu.memory_space<vmem>>) target(%dma_start3A_245 : memref<6144xf32, #tpu.memory_space<hbm>>) offsets(%arg11 : memref<16xi32, #tpu.memory_space<vmem>>) semaphore(%run_scoped3A : memref<!tpu.dma_semaphore, #tpu.memory_space<semaphore_mem>>)
      %dma_wait3A_246 = arith.constant 0 : i32
      %dma_wait3A_247 = tpu.memref_slice %arg6[%dma_wait3A_246] : memref<6144xf32, #tpu.memory_space<hbm>> -> memref<6144xf32, #tpu.memory_space<hbm>>
      tpu.wait_indirect_dma semaphore(%run_scoped3A : memref<!tpu.dma_semaphore, #tpu.memory_space<semaphore_mem>>) src(%arg12 : memref<16xf32, #tpu.memory_space<vmem>>) dst(%dma_wait3A_247 : memref<6144xf32, #tpu.memory_space<hbm>>)
      tpu.yield
    }) : () -> ()
    %add3A_165 = arith.constant 96 : i32
    %add3A_166 = arith.addi %mul3A_2, %add3A_165 : i32
    %add3A_167 = vector.broadcast %add3A_166 : i32 to vector<16xi32>
    %add3A_168 = arith.addi %add3A_167, %iota3A : vector<16xi32>
    %and3A_169 = arith.constant 2047 : i32
    %and3A_170 = vector.broadcast %and3A_169 : i32 to vector<16xi32>
    %and3A_171 = arith.andi %add3A_168, %and3A_170 : vector<16xi32>
    %swap3A_172 = arith.constant 0 : index
    %swap3A_173 = tpu.vector_load %arg9[%swap3A_172] {strides = array<i32>} : memref<16xi32, #tpu.memory_space<vmem>>, vector<16xi32>,
    %swap3A_174 = vector.shape_cast %swap3A_173 : vector<16xi32> to vector<16xi32>
    %swap3A_175 = vector.shape_cast %and3A_171 : vector<16xi32> to vector<16xi32>
    tpu.vector_store %arg9[%swap3A_172], %swap3A_175 {strides = array<i32>} : memref<16xi32, #tpu.memory_space<vmem>>, vector<16xi32>,
    %dma_start3A_176 = arith.constant 0 : i32
    %dma_start3A_177 = arith.constant 0 : i32
    %dma_start3A_178 = tpu.memref_slice %arg4[%dma_start3A_176, %dma_start3A_177] : memref<2048x1024xf32, #tpu.memory_space<hbm>> -> memref<2048x1024xf32, #tpu.memory_space<hbm>>
    tpu.enqueue_indirect_dma source(%dma_start3A_178 : memref<2048x1024xf32, #tpu.memory_space<hbm>>) target(%arg13 : memref<16x1024xf32, #tpu.memory_space<vmem>>) offsets(%arg9 : memref<16xi32, #tpu.memory_space<vmem>>) semaphore(%arg15 : memref<!tpu.dma_semaphore, #tpu.memory_space<semaphore_mem>>)
    %dma_wait3A_179 = arith.constant 0 : i32
    %dma_wait3A_180 = arith.constant 0 : i32
    %dma_wait3A_181 = tpu.memref_slice %arg4[%dma_wait3A_179, %dma_wait3A_180] : memref<2048x1024xf32, #tpu.memory_space<hbm>> -> memref<2048x1024xf32, #tpu.memory_space<hbm>>
    tpu.wait_indirect_dma semaphore(%arg16 : memref<!tpu.dma_semaphore, #tpu.memory_space<semaphore_mem>>) src(%dma_wait3A_181 : memref<2048x1024xf32, #tpu.memory_space<hbm>>) dst(%arg14 : memref<16x1024xf32, #tpu.memory_space<vmem>>)
    %get3A_182 = arith.constant 80 : index
    %get3A_183 = tpu.vector_load %arg7[%get3A_182] {strides = array<i32>} : memref<128xi32, #tpu.memory_space<vmem>>, vector<16xi32>,
    %get3A_184 = vector.shape_cast %get3A_183 : vector<16xi32> to vector<16xi32>
    %swap3A_185 = arith.constant 0 : index
    %swap3A_186 = tpu.vector_load %arg11[%swap3A_185] {strides = array<i32>} : memref<16xi32, #tpu.memory_space<vmem>>, vector<16xi32>,
    %swap3A_187 = vector.shape_cast %swap3A_186 : vector<16xi32> to vector<16xi32>
    %swap3A_188 = vector.shape_cast %get3A_184 : vector<16xi32> to vector<16xi32>
    tpu.vector_store %arg11[%swap3A_185], %swap3A_188 {strides = array<i32>} : memref<16xi32, #tpu.memory_space<vmem>>, vector<16xi32>,
    %get3A_189 = arith.constant 80 : index
    %get3A_190 = tpu.vector_load %arg8[%get3A_189] {strides = array<i32>} : memref<128xf32, #tpu.memory_space<vmem>>, vector<16xf32>,
    %get3A_191 = vector.shape_cast %get3A_190 : vector<16xf32> to vector<16xf32>
    %swap3A_192 = arith.constant 0 : index
    %swap3A_193 = tpu.vector_load %arg12[%swap3A_192] {strides = array<i32>} : memref<16xf32, #tpu.memory_space<vmem>>, vector<16xf32>,
    %swap3A_194 = vector.shape_cast %swap3A_193 : vector<16xf32> to vector<16xf32>
    %swap3A_195 = vector.shape_cast %get3A_191 : vector<16xf32> to vector<16xf32>
    tpu.vector_store %arg12[%swap3A_192], %swap3A_195 {strides = array<i32>} : memref<16xf32, #tpu.memory_space<vmem>>, vector<16xf32>,
    "tpu.region"() ({
      %run_scoped3A = tpu.sem_alloc : memref<!tpu.dma_semaphore, #tpu.memory_space<semaphore_mem>>
      %dma_start3A_244 = arith.constant 0 : i32
      %dma_start3A_245 = arith.constant 0 : i32
      %dma_start3A_246 = tpu.memref_slice %arg5[%dma_start3A_244, %dma_start3A_245] : memref<6144x1024xf32, #tpu.memory_space<hbm>> -> memref<6144x1024xf32, #tpu.memory_space<hbm>>
      tpu.enqueue_indirect_dma source(%arg14 : memref<16x1024xf32, #tpu.memory_space<vmem>>) target(%dma_start3A_246 : memref<6144x1024xf32, #tpu.memory_space<hbm>>) offsets(%arg11 : memref<16xi32, #tpu.memory_space<vmem>>) semaphore(%run_scoped3A : memref<!tpu.dma_semaphore, #tpu.memory_space<semaphore_mem>>)
      %dma_wait3A_247 = arith.constant 0 : i32
      %dma_wait3A_248 = arith.constant 0 : i32
      %dma_wait3A_249 = tpu.memref_slice %arg5[%dma_wait3A_247, %dma_wait3A_248] : memref<6144x1024xf32, #tpu.memory_space<hbm>> -> memref<6144x1024xf32, #tpu.memory_space<hbm>>
      tpu.wait_indirect_dma semaphore(%run_scoped3A : memref<!tpu.dma_semaphore, #tpu.memory_space<semaphore_mem>>) src(%arg14 : memref<16x1024xf32, #tpu.memory_space<vmem>>) dst(%dma_wait3A_249 : memref<6144x1024xf32, #tpu.memory_space<hbm>>)
      tpu.yield
    }) : () -> ()
    "tpu.region"() ({
      %run_scoped3A = tpu.sem_alloc : memref<!tpu.dma_semaphore, #tpu.memory_space<semaphore_mem>>
      %dma_start3A_244 = arith.constant 0 : i32
      %dma_start3A_245 = tpu.memref_slice %arg6[%dma_start3A_244] : memref<6144xf32, #tpu.memory_space<hbm>> -> memref<6144xf32, #tpu.memory_space<hbm>>
      tpu.enqueue_indirect_dma source(%arg12 : memref<16xf32, #tpu.memory_space<vmem>>) target(%dma_start3A_245 : memref<6144xf32, #tpu.memory_space<hbm>>) offsets(%arg11 : memref<16xi32, #tpu.memory_space<vmem>>) semaphore(%run_scoped3A : memref<!tpu.dma_semaphore, #tpu.memory_space<semaphore_mem>>)
      %dma_wait3A_246 = arith.constant 0 : i32
      %dma_wait3A_247 = tpu.memref_slice %arg6[%dma_wait3A_246] : memref<6144xf32, #tpu.memory_space<hbm>> -> memref<6144xf32, #tpu.memory_space<hbm>>
      tpu.wait_indirect_dma semaphore(%run_scoped3A : memref<!tpu.dma_semaphore, #tpu.memory_space<semaphore_mem>>) src(%arg12 : memref<16xf32, #tpu.memory_space<vmem>>) dst(%dma_wait3A_247 : memref<6144xf32, #tpu.memory_space<hbm>>)
      tpu.yield
    }) : () -> ()
    %add3A_196 = arith.constant 112 : i32
    %add3A_197 = arith.addi %mul3A_2, %add3A_196 : i32
    %add3A_198 = vector.broadcast %add3A_197 : i32 to vector<16xi32>
    %add3A_199 = arith.addi %add3A_198, %iota3A : vector<16xi32>
    %and3A_200 = arith.constant 2047 : i32
    %and3A_201 = vector.broadcast %and3A_200 : i32 to vector<16xi32>
    %and3A_202 = arith.andi %add3A_199, %and3A_201 : vector<16xi32>
    %swap3A_203 = arith.constant 0 : index
    %swap3A_204 = tpu.vector_load %arg10[%swap3A_203] {strides = array<i32>} : memref<16xi32, #tpu.memory_space<vmem>>, vector<16xi32>,
    %swap3A_205 = vector.shape_cast %swap3A_204 : vector<16xi32> to vector<16xi32>
    %swap3A_206 = vector.shape_cast %and3A_202 : vector<16xi32> to vector<16xi32>
    tpu.vector_store %arg10[%swap3A_203], %swap3A_206 {strides = array<i32>} : memref<16xi32, #tpu.memory_space<vmem>>, vector<16xi32>,
    %dma_start3A_207 = arith.constant 0 : i32
    %dma_start3A_208 = arith.constant 0 : i32
    %dma_start3A_209 = tpu.memref_slice %arg4[%dma_start3A_207, %dma_start3A_208] : memref<2048x1024xf32, #tpu.memory_space<hbm>> -> memref<2048x1024xf32, #tpu.memory_space<hbm>>
    tpu.enqueue_indirect_dma source(%dma_start3A_209 : memref<2048x1024xf32, #tpu.memory_space<hbm>>) target(%arg14 : memref<16x1024xf32, #tpu.memory_space<vmem>>) offsets(%arg10 : memref<16xi32, #tpu.memory_space<vmem>>) semaphore(%arg16 : memref<!tpu.dma_semaphore, #tpu.memory_space<semaphore_mem>>)
    %dma_wait3A_210 = arith.constant 0 : i32
    %dma_wait3A_211 = arith.constant 0 : i32
    %dma_wait3A_212 = tpu.memref_slice %arg4[%dma_wait3A_210, %dma_wait3A_211] : memref<2048x1024xf32, #tpu.memory_space<hbm>> -> memref<2048x1024xf32, #tpu.memory_space<hbm>>
    tpu.wait_indirect_dma semaphore(%arg15 : memref<!tpu.dma_semaphore, #tpu.memory_space<semaphore_mem>>) src(%dma_wait3A_212 : memref<2048x1024xf32, #tpu.memory_space<hbm>>) dst(%arg13 : memref<16x1024xf32, #tpu.memory_space<vmem>>)
    %get3A_213 = arith.constant 96 : index
    %get3A_214 = tpu.vector_load %arg7[%get3A_213] {strides = array<i32>} : memref<128xi32, #tpu.memory_space<vmem>>, vector<16xi32>,
    %get3A_215 = vector.shape_cast %get3A_214 : vector<16xi32> to vector<16xi32>
    %swap3A_216 = arith.constant 0 : index
    %swap3A_217 = tpu.vector_load %arg11[%swap3A_216] {strides = array<i32>} : memref<16xi32, #tpu.memory_space<vmem>>, vector<16xi32>,
    %swap3A_218 = vector.shape_cast %swap3A_217 : vector<16xi32> to vector<16xi32>
    %swap3A_219 = vector.shape_cast %get3A_215 : vector<16xi32> to vector<16xi32>
    tpu.vector_store %arg11[%swap3A_216], %swap3A_219 {strides = array<i32>} : memref<16xi32, #tpu.memory_space<vmem>>, vector<16xi32>,
    %get3A_220 = arith.constant 96 : index
    %get3A_221 = tpu.vector_load %arg8[%get3A_220] {strides = array<i32>} : memref<128xf32, #tpu.memory_space<vmem>>, vector<16xf32>,
    %get3A_222 = vector.shape_cast %get3A_221 : vector<16xf32> to vector<16xf32>
    %swap3A_223 = arith.constant 0 : index
    %swap3A_224 = tpu.vector_load %arg12[%swap3A_223] {strides = array<i32>} : memref<16xf32, #tpu.memory_space<vmem>>, vector<16xf32>,
    %swap3A_225 = vector.shape_cast %swap3A_224 : vector<16xf32> to vector<16xf32>
    %swap3A_226 = vector.shape_cast %get3A_222 : vector<16xf32> to vector<16xf32>
    tpu.vector_store %arg12[%swap3A_223], %swap3A_226 {strides = array<i32>} : memref<16xf32, #tpu.memory_space<vmem>>, vector<16xf32>,
    "tpu.region"() ({
      %run_scoped3A = tpu.sem_alloc : memref<!tpu.dma_semaphore, #tpu.memory_space<semaphore_mem>>
      %dma_start3A_244 = arith.constant 0 : i32
      %dma_start3A_245 = arith.constant 0 : i32
      %dma_start3A_246 = tpu.memref_slice %arg5[%dma_start3A_244, %dma_start3A_245] : memref<6144x1024xf32, #tpu.memory_space<hbm>> -> memref<6144x1024xf32, #tpu.memory_space<hbm>>
      tpu.enqueue_indirect_dma source(%arg13 : memref<16x1024xf32, #tpu.memory_space<vmem>>) target(%dma_start3A_246 : memref<6144x1024xf32, #tpu.memory_space<hbm>>) offsets(%arg11 : memref<16xi32, #tpu.memory_space<vmem>>) semaphore(%run_scoped3A : memref<!tpu.dma_semaphore, #tpu.memory_space<semaphore_mem>>)
      %dma_wait3A_247 = arith.constant 0 : i32
      %dma_wait3A_248 = arith.constant 0 : i32
      %dma_wait3A_249 = tpu.memref_slice %arg5[%dma_wait3A_247, %dma_wait3A_248] : memref<6144x1024xf32, #tpu.memory_space<hbm>> -> memref<6144x1024xf32, #tpu.memory_space<hbm>>
      tpu.wait_indirect_dma semaphore(%run_scoped3A : memref<!tpu.dma_semaphore, #tpu.memory_space<semaphore_mem>>) src(%arg13 : memref<16x1024xf32, #tpu.memory_space<vmem>>) dst(%dma_wait3A_249 : memref<6144x1024xf32, #tpu.memory_space<hbm>>)
      tpu.yield
    }) : () -> ()
    "tpu.region"() ({
      %run_scoped3A = tpu.sem_alloc : memref<!tpu.dma_semaphore, #tpu.memory_space<semaphore_mem>>
      %dma_start3A_244 = arith.constant 0 : i32
      %dma_start3A_245 = tpu.memref_slice %arg6[%dma_start3A_244] : memref<6144xf32, #tpu.memory_space<hbm>> -> memref<6144xf32, #tpu.memory_space<hbm>>
      tpu.enqueue_indirect_dma source(%arg12 : memref<16xf32, #tpu.memory_space<vmem>>) target(%dma_start3A_245 : memref<6144xf32, #tpu.memory_space<hbm>>) offsets(%arg11 : memref<16xi32, #tpu.memory_space<vmem>>) semaphore(%run_scoped3A : memref<!tpu.dma_semaphore, #tpu.memory_space<semaphore_mem>>)
      %dma_wait3A_246 = arith.constant 0 : i32
      %dma_wait3A_247 = tpu.memref_slice %arg6[%dma_wait3A_246] : memref<6144xf32, #tpu.memory_space<hbm>> -> memref<6144xf32, #tpu.memory_space<hbm>>
      tpu.wait_indirect_dma semaphore(%run_scoped3A : memref<!tpu.dma_semaphore, #tpu.memory_space<semaphore_mem>>) src(%arg12 : memref<16xf32, #tpu.memory_space<vmem>>) dst(%dma_wait3A_247 : memref<6144xf32, #tpu.memory_space<hbm>>)
      tpu.yield
    }) : () -> ()
    %dma_wait3A_227 = arith.constant 0 : i32
    %dma_wait3A_228 = arith.constant 0 : i32
    %dma_wait3A_229 = tpu.memref_slice %arg4[%dma_wait3A_227, %dma_wait3A_228] : memref<2048x1024xf32, #tpu.memory_space<hbm>> -> memref<2048x1024xf32, #tpu.memory_space<hbm>>
    tpu.wait_indirect_dma semaphore(%arg16 : memref<!tpu.dma_semaphore, #tpu.memory_space<semaphore_mem>>) src(%dma_wait3A_229 : memref<2048x1024xf32, #tpu.memory_space<hbm>>) dst(%arg14 : memref<16x1024xf32, #tpu.memory_space<vmem>>)
    %get3A_230 = arith.constant 112 : index
    %get3A_231 = tpu.vector_load %arg7[%get3A_230] {strides = array<i32>} : memref<128xi32, #tpu.memory_space<vmem>>, vector<16xi32>,
    %get3A_232 = vector.shape_cast %get3A_231 : vector<16xi32> to vector<16xi32>
    %swap3A_233 = arith.constant 0 : index
    %swap3A_234 = tpu.vector_load %arg11[%swap3A_233] {strides = array<i32>} : memref<16xi32, #tpu.memory_space<vmem>>, vector<16xi32>,
    %swap3A_235 = vector.shape_cast %swap3A_234 : vector<16xi32> to vector<16xi32>
    %swap3A_236 = vector.shape_cast %get3A_232 : vector<16xi32> to vector<16xi32>
    tpu.vector_store %arg11[%swap3A_233], %swap3A_236 {strides = array<i32>} : memref<16xi32, #tpu.memory_space<vmem>>, vector<16xi32>,
    %get3A_237 = arith.constant 112 : index
    %get3A_238 = tpu.vector_load %arg8[%get3A_237] {strides = array<i32>} : memref<128xf32, #tpu.memory_space<vmem>>, vector<16xf32>,
    %get3A_239 = vector.shape_cast %get3A_238 : vector<16xf32> to vector<16xf32>
    %swap3A_240 = arith.constant 0 : index
    %swap3A_241 = tpu.vector_load %arg12[%swap3A_240] {strides = array<i32>} : memref<16xf32, #tpu.memory_space<vmem>>, vector<16xf32>,
    %swap3A_242 = vector.shape_cast %swap3A_241 : vector<16xf32> to vector<16xf32>
    %swap3A_243 = vector.shape_cast %get3A_239 : vector<16xf32> to vector<16xf32>
    tpu.vector_store %arg12[%swap3A_240], %swap3A_243 {strides = array<i32>} : memref<16xf32, #tpu.memory_space<vmem>>, vector<16xf32>,
    "tpu.region"() ({
      %run_scoped3A = tpu.sem_alloc : memref<!tpu.dma_semaphore, #tpu.memory_space<semaphore_mem>>
      %dma_start3A_244 = arith.constant 0 : i32
      %dma_start3A_245 = arith.constant 0 : i32
      %dma_start3A_246 = tpu.memref_slice %arg5[%dma_start3A_244, %dma_start3A_245] : memref<6144x1024xf32, #tpu.memory_space<hbm>> -> memref<6144x1024xf32, #tpu.memory_space<hbm>>
      tpu.enqueue_indirect_dma source(%arg14 : memref<16x1024xf32, #tpu.memory_space<vmem>>) target(%dma_start3A_246 : memref<6144x1024xf32, #tpu.memory_space<hbm>>) offsets(%arg11 : memref<16xi32, #tpu.memory_space<vmem>>) semaphore(%run_scoped3A : memref<!tpu.dma_semaphore, #tpu.memory_space<semaphore_mem>>)
      %dma_wait3A_247 = arith.constant 0 : i32
      %dma_wait3A_248 = arith.constant 0 : i32
      %dma_wait3A_249 = tpu.memref_slice %arg5[%dma_wait3A_247, %dma_wait3A_248] : memref<6144x1024xf32, #tpu.memory_space<hbm>> -> memref<6144x1024xf32, #tpu.memory_space<hbm>>
      tpu.wait_indirect_dma semaphore(%run_scoped3A : memref<!tpu.dma_semaphore, #tpu.memory_space<semaphore_mem>>) src(%arg14 : memref<16x1024xf32, #tpu.memory_space<vmem>>) dst(%dma_wait3A_249 : memref<6144x1024xf32, #tpu.memory_space<hbm>>)
      tpu.yield
    }) : () -> ()
    "tpu.region"() ({
      %run_scoped3A = tpu.sem_alloc : memref<!tpu.dma_semaphore, #tpu.memory_space<semaphore_mem>>
      %dma_start3A_244 = arith.constant 0 : i32
      %dma_start3A_245 = tpu.memref_slice %arg6[%dma_start3A_244] : memref<6144xf32, #tpu.memory_space<hbm>> -> memref<6144xf32, #tpu.memory_space<hbm>>
      tpu.enqueue_indirect_dma source(%arg12 : memref<16xf32, #tpu.memory_space<vmem>>) target(%dma_start3A_245 : memref<6144xf32, #tpu.memory_space<hbm>>) offsets(%arg11 : memref<16xi32, #tpu.memory_space<vmem>>) semaphore(%run_scoped3A : memref<!tpu.dma_semaphore, #tpu.memory_space<semaphore_mem>>)
      %dma_wait3A_246 = arith.constant 0 : i32
      %dma_wait3A_247 = tpu.memref_slice %arg6[%dma_wait3A_246] : memref<6144xf32, #tpu.memory_space<hbm>> -> memref<6144xf32, #tpu.memory_space<hbm>>
      tpu.wait_indirect_dma semaphore(%run_scoped3A : memref<!tpu.dma_semaphore, #tpu.memory_space<semaphore_mem>>) src(%arg12 : memref<16xf32, #tpu.memory_space<vmem>>) dst(%dma_wait3A_247 : memref<6144xf32, #tpu.memory_space<hbm>>)
      tpu.yield
    }) : () -> ()
    return
  }
}

module attributes {stable_mosaic.version = 14 : i64} {
  func.func @_rs_kernel(%arg0: i32, %arg1: i32, %arg2: memref<256x1024xf32, #tpu.memory_space<vmem>>, %arg3: memref<1024x8xf32, #tpu.memory_space<vmem>>, %arg4: memref<1x8xf32, #tpu.memory_space<vmem>>, %arg5: memref<256x1xf32, #tpu.memory_space<vmem>>, %arg6: memref<256x1xf32, #tpu.memory_space<vmem>>, %arg7: memref<256x1xi32, #tpu.memory_space<vmem>>, %arg8: memref<1x32xi32, #tpu.memory_space<vmem>>, %arg9: memref<16x256x8xf32, #tpu.memory_space<vmem>>, %arg10: memref<1x8xf32, #tpu.memory_space<vmem>>, %arg11: memref<1x8xf32, #tpu.memory_space<vmem>>, %arg12: memref<1x8xf32, #tpu.memory_space<vmem>>) attributes {dimension_semantics = [#tpu.dimension_semantics<arbitrary>, #tpu.dimension_semantics<arbitrary>], iteration_bounds = array<i64: 2, 16>, scalar_prefetch = 0 : i64, scratch_operands = 4 : i64, tpu.core_type = #tpu.core_type<tc>, window_params = [{transform_indices = @transform_0, window_bounds = array<i64: 256, 1024>}, {pipeline_mode = #tpu.pipeline_mode<synchronous>, transform_indices = @transform_1, window_bounds = array<i64: 1024, 8>}, {pipeline_mode = #tpu.pipeline_mode<synchronous>, transform_indices = @transform_2, window_bounds = array<i64: 1, 8>}, {transform_indices = @transform_3, window_bounds = array<i64: 256, 1>}, {transform_indices = @transform_4, window_bounds = array<i64: 256, 1>}, {transform_indices = @transform_5, window_bounds = array<i64: 256, 1>}, {pipeline_mode = #tpu.pipeline_mode<synchronous>, transform_indices = @transform_6, window_bounds = array<i64: 1, 32>}]} {
    %eq3A = arith.constant 0 : i32
    %eq3A_0 = arith.cmpi eq, %arg0, %eq3A : i32
    %lt3A = arith.constant 8 : i32
    %lt3A_1 = arith.cmpi slt, %arg1, %lt3A : i32
    %and3A = arith.andi %eq3A_0, %lt3A_1 : i1
    %convert_element_type3A = arith.extui %and3A : i1 to i32
    %cond3A = arith.constant 0 : i32
    %cond3A_2 = arith.cmpi ne, %convert_element_type3A, %cond3A : i32
    scf.if %cond3A_2 {
      %get3A = arith.constant 0 : index
      %get3A_13 = arith.constant 0 : index
      %get3A_14 = vector.load %arg2[%get3A, %get3A_13] : memref<256x1024xf32, #tpu.memory_space<vmem>>, vector<256x1024xf32>
      %get3A_15 = arith.constant 0 : index
      %get3A_16 = arith.constant 0 : index
      %get3A_17 = vector.load %arg3[%get3A_15, %get3A_16] : memref<1024x8xf32, #tpu.memory_space<vmem>>, vector<1024x8xf32>
      %dot_general3A = arith.constant dense<0.000000e+00> : vector<256x8xf32>
      %dot_general3A_18 = tpu.matmul %get3A_14, %get3A_17, %dot_general3A {dimension_numbers = #tpu.dot_dimension_numbers<[1], [0], [0], [1], [0, 0, 1, 1], [], []>, transpose_lhs_hint = false} : vector<256x1024xf32>, vector<1024x8xf32>, vector<256x8xf32> -> vector<256x8xf32>
      %get3A_19 = arith.constant 0 : index
      %get3A_20 = arith.constant 0 : index
      %get3A_21 = vector.load %arg4[%get3A_19, %get3A_20] : memref<1x8xf32, #tpu.memory_space<vmem>>, vector<1x8xf32>
      %add3A = vector.broadcast %get3A_21 : vector<1x8xf32> to vector<256x8xf32>
      %add3A_22 = arith.addf %dot_general3A_18, %add3A : vector<256x8xf32>
      %reduce_max3A = arith.constant dense<0xFF800000> : vector<256xf32>
      %reduce_max3A_23 = vector.multi_reduction <maximumf>, %add3A_22, %reduce_max3A [1] : vector<256x8xf32> to vector<256xf32>
      %broadcast_in_dim3A = vector.shape_cast %reduce_max3A_23 : vector<256xf32> to vector<256x1xf32>
      %iota3A = tpu.iota {dimensions = array<i32: 0>} : vector<8x8xi32>
      %iota3A_24 = tpu.iota {dimensions = array<i32: 1>} : vector<8x8xi32>
      %le3A = arith.cmpi sle, %iota3A, %iota3A_24 : vector<8x8xi32>
      %convert_element_type3A_25 = arith.extui %le3A : vector<8x8xi1> to vector<8x8xi32>
      %convert_element_type3A_26 = arith.sitofp %convert_element_type3A_25 : vector<8x8xi32> to vector<8x8xf32>
      %eq3A_27 = vector.broadcast %broadcast_in_dim3A : vector<256x1xf32> to vector<256x8xf32>
      %eq3A_28 = arith.cmpf oeq, %add3A_22, %eq3A_27 : vector<256x8xf32>
      %convert_element_type3A_29 = arith.extui %eq3A_28 : vector<256x8xi1> to vector<256x8xi32>
      %convert_element_type3A_30 = arith.sitofp %convert_element_type3A_29 : vector<256x8xi32> to vector<256x8xf32>
      %dot_general3A_31 = arith.constant dense<0.000000e+00> : vector<256x8xf32>
      %dot_general3A_32 = tpu.matmul %convert_element_type3A_30, %convert_element_type3A_26, %dot_general3A_31 {dimension_numbers = #tpu.dot_dimension_numbers<[1], [0], [0], [1], [0, 0, 1, 1], [], []>, transpose_lhs_hint = false} : vector<256x8xf32>, vector<8x8xf32>, vector<256x8xf32> -> vector<256x8xf32>
      %eq3A_33 = arith.constant 1.000000e+00 : f32
      %eq3A_34 = vector.broadcast %eq3A_33 : f32 to vector<256x8xf32>
      %eq3A_35 = arith.cmpf oeq, %dot_general3A_32, %eq3A_34 : vector<256x8xf32>
      %convert_element_type3A_36 = arith.extui %eq3A_35 : vector<256x8xi1> to vector<256x8xi32>
      %convert_element_type3A_37 = arith.sitofp %convert_element_type3A_36 : vector<256x8xi32> to vector<256x8xf32>
      %mul3A = arith.mulf %convert_element_type3A_30, %convert_element_type3A_37 : vector<256x8xf32>
      %gt3A = arith.constant 0.000000e+00 : f32
      %gt3A_38 = vector.broadcast %gt3A : f32 to vector<256x8xf32>
      %gt3A_39 = arith.cmpf ogt, %mul3A, %gt3A_38 : vector<256x8xf32>
      %jit3A = arith.constant 0xFF800000 : f32
      %broadcast_in_dim3A_40 = vector.broadcast %jit3A : f32 to vector<256x8xf32>
      %select_n3A = arith.select %gt3A_39, %broadcast_in_dim3A_40, %add3A_22 : vector<256x8xi1>, vector<256x8xf32>
      %reduce_max3A_41 = arith.constant dense<0xFF800000> : vector<256xf32>
      %reduce_max3A_42 = vector.multi_reduction <maximumf>, %select_n3A, %reduce_max3A_41 [1] : vector<256x8xf32> to vector<256xf32>
      %broadcast_in_dim3A_43 = vector.shape_cast %reduce_max3A_42 : vector<256xf32> to vector<256x1xf32>
      %eq3A_44 = vector.broadcast %broadcast_in_dim3A_43 : vector<256x1xf32> to vector<256x8xf32>
      %eq3A_45 = arith.cmpf oeq, %select_n3A, %eq3A_44 : vector<256x8xf32>
      %convert_element_type3A_46 = arith.extui %eq3A_45 : vector<256x8xi1> to vector<256x8xi32>
      %convert_element_type3A_47 = arith.sitofp %convert_element_type3A_46 : vector<256x8xi32> to vector<256x8xf32>
      %dot_general3A_48 = arith.constant dense<0.000000e+00> : vector<256x8xf32>
      %dot_general3A_49 = tpu.matmul %convert_element_type3A_47, %convert_element_type3A_26, %dot_general3A_48 {dimension_numbers = #tpu.dot_dimension_numbers<[1], [0], [0], [1], [0, 0, 1, 1], [], []>, transpose_lhs_hint = false} : vector<256x8xf32>, vector<8x8xf32>, vector<256x8xf32> -> vector<256x8xf32>
      %eq3A_50 = arith.constant 1.000000e+00 : f32
      %eq3A_51 = vector.broadcast %eq3A_50 : f32 to vector<256x8xf32>
      %eq3A_52 = arith.cmpf oeq, %dot_general3A_49, %eq3A_51 : vector<256x8xf32>
      %convert_element_type3A_53 = arith.extui %eq3A_52 : vector<256x8xi1> to vector<256x8xi32>
      %convert_element_type3A_54 = arith.sitofp %convert_element_type3A_53 : vector<256x8xi32> to vector<256x8xf32>
      %mul3A_55 = arith.mulf %convert_element_type3A_47, %convert_element_type3A_54 : vector<256x8xf32>
      %sub3A = arith.subf %broadcast_in_dim3A_43, %broadcast_in_dim3A : vector<256x1xf32>
      %exp3A = math.exp %sub3A : vector<256x1xf32>
      %add3A_56 = arith.constant 1.000000e+00 : f32
      %add3A_57 = vector.broadcast %add3A_56 : f32 to vector<256x1xf32>
      %add3A_58 = arith.addf %add3A_57, %exp3A : vector<256x1xf32>
      %div3A = arith.constant 1.000000e+00 : f32
      %div3A_59 = vector.broadcast %div3A : f32 to vector<256x1xf32>
      %div3A_60 = arith.divf %div3A_59, %add3A_58 : vector<256x1xf32>
      %add3A_61 = arith.constant 1.000000e+00 : f32
      %add3A_62 = vector.broadcast %add3A_61 : f32 to vector<256x1xf32>
      %add3A_63 = arith.addf %add3A_62, %exp3A : vector<256x1xf32>
      %div3A_64 = arith.divf %exp3A, %add3A_63 : vector<256x1xf32>
      %reshape3A = vector.shape_cast %mul3A : vector<256x8xf32> to vector<1x256x8xf32>
      %swap3A = arith.index_cast %arg1 : i32 to index
      %swap3A_65 = arith.constant 0 : index
      %swap3A_66 = arith.constant 0 : index
      %swap3A_67 = vector.load %arg9[%swap3A, %swap3A_65, %swap3A_66] : memref<16x256x8xf32, #tpu.memory_space<vmem>>, vector<1x256x8xf32>
      tpu.vector_store %arg9[%swap3A, %swap3A_65, %swap3A_66], %reshape3A {strides = array<i32>} : memref<16x256x8xf32, #tpu.memory_space<vmem>>, vector<1x256x8xf32>,
      %reshape3A_68 = vector.shape_cast %mul3A_55 : vector<256x8xf32> to vector<1x256x8xf32>
      %add3A_69 = arith.constant 8 : i32
      %add3A_70 = arith.addi %arg1, %add3A_69 : i32
      %swap3A_71 = arith.index_cast %add3A_70 : i32 to index
      %swap3A_72 = arith.constant 0 : index
      %swap3A_73 = arith.constant 0 : index
      %swap3A_74 = vector.load %arg9[%swap3A_71, %swap3A_72, %swap3A_73] : memref<16x256x8xf32, #tpu.memory_space<vmem>>, vector<1x256x8xf32>
      tpu.vector_store %arg9[%swap3A_71, %swap3A_72, %swap3A_73], %reshape3A_68 {strides = array<i32>} : memref<16x256x8xf32, #tpu.memory_space<vmem>>, vector<1x256x8xf32>,
      %swap3A_75 = arith.constant 0 : index
      %swap3A_76 = arith.constant 0 : index
      %swap3A_77 = vector.load %arg5[%swap3A_75, %swap3A_76] : memref<256x1xf32, #tpu.memory_space<vmem>>, vector<256x1xf32>
      tpu.vector_store %arg5[%swap3A_75, %swap3A_76], %div3A_60 {strides = array<i32>} : memref<256x1xf32, #tpu.memory_space<vmem>>, vector<256x1xf32>,
      %swap3A_78 = arith.constant 0 : index
      %swap3A_79 = arith.constant 0 : index
      %swap3A_80 = vector.load %arg6[%swap3A_78, %swap3A_79] : memref<256x1xf32, #tpu.memory_space<vmem>>, vector<256x1xf32>
      tpu.vector_store %arg6[%swap3A_78, %swap3A_79], %div3A_64 {strides = array<i32>} : memref<256x1xf32, #tpu.memory_space<vmem>>, vector<256x1xf32>,
    } else {
    }
    %eq3A_3 = arith.constant 0 : i32
    %eq3A_4 = arith.cmpi eq, %arg0, %eq3A_3 : i32
    %convert_element_type3A_5 = arith.extui %eq3A_4 : i1 to i32
    %cond3A_6 = arith.constant 0 : i32
    %cond3A_7 = arith.cmpi ne, %convert_element_type3A_5, %cond3A_6 : i32
    scf.if %cond3A_7 {
      %eq3A_13 = arith.constant 0 : i32
      %eq3A_14 = arith.cmpi eq, %arg1, %eq3A_13 : i32
      %convert_element_type3A_15 = arith.extui %eq3A_14 : i1 to i32
      %cond3A_16 = arith.constant 0 : i32
      %cond3A_17 = arith.cmpi ne, %convert_element_type3A_15, %cond3A_16 : i32
      scf.if %cond3A_17 {
        %broadcast_in_dim3A_27 = arith.constant 0.000000e+00 : f32
        %broadcast_in_dim3A_28 = vector.broadcast %broadcast_in_dim3A_27 : f32 to vector<1x8xf32>
        %swap3A_29 = arith.constant 0 : index
        %swap3A_30 = arith.constant 0 : index
        %swap3A_31 = vector.load %arg10[%swap3A_29, %swap3A_30] : memref<1x8xf32, #tpu.memory_space<vmem>>, vector<1x8xf32>
        tpu.vector_store %arg10[%swap3A_29, %swap3A_30], %broadcast_in_dim3A_28 {strides = array<i32>} : memref<1x8xf32, #tpu.memory_space<vmem>>, vector<1x8xf32>,
      } else {
      }
      %get3A = arith.index_cast %arg1 : i32 to index
      %get3A_18 = arith.constant 0 : index
      %get3A_19 = arith.constant 0 : index
      %get3A_20 = vector.load %arg9[%get3A, %get3A_18, %get3A_19] : memref<16x256x8xf32, #tpu.memory_space<vmem>>, vector<1x256x8xf32>
      %reshape3A = vector.shape_cast %get3A_20 : vector<1x256x8xf32> to vector<256x8xf32>
      %get3A_21 = arith.constant 0 : index
      %get3A_22 = arith.constant 0 : index
      %get3A_23 = vector.load %arg10[%get3A_21, %get3A_22] : memref<1x8xf32, #tpu.memory_space<vmem>>, vector<1x8xf32>
      %reduce_sum3A = arith.constant dense<0.000000e+00> : vector<8xf32>
      %reduce_sum3A_24 = vector.multi_reduction <add>, %reshape3A, %reduce_sum3A [0] : vector<256x8xf32> to vector<8xf32>
      %broadcast_in_dim3A = vector.shape_cast %reduce_sum3A_24 : vector<8xf32> to vector<1x8xf32>
      %add3A = arith.addf %get3A_23, %broadcast_in_dim3A : vector<1x8xf32>
      %swap3A = arith.constant 0 : index
      %swap3A_25 = arith.constant 0 : index
      %swap3A_26 = vector.load %arg10[%swap3A, %swap3A_25] : memref<1x8xf32, #tpu.memory_space<vmem>>, vector<1x8xf32>
      tpu.vector_store %arg10[%swap3A, %swap3A_25], %add3A {strides = array<i32>} : memref<1x8xf32, #tpu.memory_space<vmem>>, vector<1x8xf32>,
    } else {
    }
    %eq3A_8 = arith.constant 1 : i32
    %eq3A_9 = arith.cmpi eq, %arg0, %eq3A_8 : i32
    %convert_element_type3A_10 = arith.extui %eq3A_9 : i1 to i32
    %cond3A_11 = arith.constant 0 : i32
    %cond3A_12 = arith.cmpi ne, %convert_element_type3A_10, %cond3A_11 : i32
    scf.if %cond3A_12 {
      %eq3A_13 = arith.constant 0 : i32
      %eq3A_14 = arith.cmpi eq, %arg1, %eq3A_13 : i32
      %convert_element_type3A_15 = arith.extui %eq3A_14 : i1 to i32
      %cond3A_16 = arith.constant 0 : i32
      %cond3A_17 = arith.cmpi ne, %convert_element_type3A_15, %cond3A_16 : i32
      scf.if %cond3A_17 {
        %broadcast_in_dim3A_49 = arith.constant 0.000000e+00 : f32
        %broadcast_in_dim3A_50 = vector.broadcast %broadcast_in_dim3A_49 : f32 to vector<1x8xf32>
        %swap3A_51 = arith.constant 0 : index
        %swap3A_52 = arith.constant 0 : index
        %swap3A_53 = vector.load %arg11[%swap3A_51, %swap3A_52] : memref<1x8xf32, #tpu.memory_space<vmem>>, vector<1x8xf32>
        tpu.vector_store %arg11[%swap3A_51, %swap3A_52], %broadcast_in_dim3A_50 {strides = array<i32>} : memref<1x8xf32, #tpu.memory_space<vmem>>, vector<1x8xf32>,
        %get3A_54 = arith.constant 0 : index
        %get3A_55 = arith.constant 0 : index
        %get3A_56 = vector.load %arg10[%get3A_54, %get3A_55] : memref<1x8xf32, #tpu.memory_space<vmem>>, vector<1x8xf32>
        %add3A_57 = arith.constant 2.550000e+02 : f32
        %add3A_58 = vector.broadcast %add3A_57 : f32 to vector<1x8xf32>
        %add3A_59 = arith.addf %get3A_56, %add3A_58 : vector<1x8xf32>
        %mul3A_60 = arith.constant 3.906250e-03 : f32
        %mul3A_61 = vector.broadcast %mul3A_60 : f32 to vector<1x8xf32>
        %mul3A_62 = arith.mulf %add3A_59, %mul3A_61 : vector<1x8xf32>
        %floor3A = math.floor %mul3A_62 : vector<1x8xf32>
        %mul3A_63 = arith.constant 2.560000e+02 : f32
        %mul3A_64 = vector.broadcast %mul3A_63 : f32 to vector<1x8xf32>
        %mul3A_65 = arith.mulf %floor3A, %mul3A_64 : vector<1x8xf32>
        %iota3A_66 = tpu.iota {dimensions = array<i32: 0>} : vector<8x8xi32>
        %iota3A_67 = tpu.iota {dimensions = array<i32: 1>} : vector<8x8xi32>
        %lt3A_68 = arith.cmpi slt, %iota3A_66, %iota3A_67 : vector<8x8xi32>
        %convert_element_type3A_69 = arith.extui %lt3A_68 : vector<8x8xi1> to vector<8x8xi32>
        %convert_element_type3A_70 = arith.sitofp %convert_element_type3A_69 : vector<8x8xi32> to vector<8x8xf32>
        %dot_general3A_71 = arith.constant dense<0.000000e+00> : vector<1x8xf32>
        %dot_general3A_72 = tpu.matmul %mul3A_65, %convert_element_type3A_70, %dot_general3A_71 {dimension_numbers = #tpu.dot_dimension_numbers<[1], [0], [0], [1], [0, 0, 1, 1], [], []>, transpose_lhs_hint = false} : vector<1x8xf32>, vector<8x8xf32>, vector<1x8xf32> -> vector<1x8xf32>
        %swap3A_73 = arith.constant 0 : index
        %swap3A_74 = arith.constant 0 : index
        %swap3A_75 = vector.load %arg12[%swap3A_73, %swap3A_74] : memref<1x8xf32, #tpu.memory_space<vmem>>, vector<1x8xf32>
        tpu.vector_store %arg12[%swap3A_73, %swap3A_74], %dot_general3A_72 {strides = array<i32>} : memref<1x8xf32, #tpu.memory_space<vmem>>, vector<1x8xf32>,
        %iota3A_76 = tpu.iota {dimensions = array<i32: 1>} : vector<1x32xi32>
        %convert_element_type3A_77 = arith.sitofp %iota3A_76 : vector<1x32xi32> to vector<1x32xf32>
        %mul3A_78 = arith.constant 2.560000e+02 : f32
        %mul3A_79 = vector.broadcast %mul3A_78 : f32 to vector<1x32xf32>
        %mul3A_80 = arith.mulf %convert_element_type3A_77, %mul3A_79 : vector<1x32xf32>
        %broadcast_in_dim3A_81 = arith.constant -1 : i32
        %broadcast_in_dim3A_82 = vector.broadcast %broadcast_in_dim3A_81 : i32 to vector<1x32xi32>
        %iota3A_83 = tpu.iota {dimensions = array<i32: 0>} : vector<8x32xi32>
        %eq3A_84 = arith.constant 0 : i32
        %eq3A_85 = vector.broadcast %eq3A_84 : i32 to vector<8x32xi32>
        %eq3A_86 = arith.cmpi eq, %iota3A_83, %eq3A_85 : vector<8x32xi32>
        %convert_element_type3A_87 = arith.extui %eq3A_86 : vector<8x32xi1> to vector<8x32xi32>
        %convert_element_type3A_88 = arith.sitofp %convert_element_type3A_87 : vector<8x32xi32> to vector<8x32xf32>
        %dot_general3A_89 = arith.constant dense<0.000000e+00> : vector<1x32xf32>
        %dot_general3A_90 = tpu.matmul %dot_general3A_72, %convert_element_type3A_88, %dot_general3A_89 {dimension_numbers = #tpu.dot_dimension_numbers<[1], [0], [0], [1], [0, 0, 1, 1], [], []>, transpose_lhs_hint = false} : vector<1x8xf32>, vector<8x32xf32>, vector<1x32xf32> -> vector<1x32xf32>
        %dot_general3A_91 = arith.constant dense<0.000000e+00> : vector<1x32xf32>
        %dot_general3A_92 = tpu.matmul %mul3A_65, %convert_element_type3A_88, %dot_general3A_91 {dimension_numbers = #tpu.dot_dimension_numbers<[1], [0], [0], [1], [0, 0, 1, 1], [], []>, transpose_lhs_hint = false} : vector<1x8xf32>, vector<8x32xf32>, vector<1x32xf32> -> vector<1x32xf32>
        %ge3A = arith.cmpf oge, %mul3A_80, %dot_general3A_90 : vector<1x32xf32>
        %add3A_93 = arith.addf %dot_general3A_90, %dot_general3A_92 : vector<1x32xf32>
        %lt3A_94 = arith.cmpf olt, %mul3A_80, %add3A_93 : vector<1x32xf32>
        %and3A_95 = arith.andi %ge3A, %lt3A_94 : vector<1x32xi1>
        %jit3A = arith.constant 0 : i32
        %broadcast_in_dim3A_96 = vector.broadcast %jit3A : i32 to vector<1x32xi32>
        %select_n3A = arith.select %and3A_95, %broadcast_in_dim3A_96, %broadcast_in_dim3A_82 : vector<1x32xi1>, vector<1x32xi32>
        %iota3A_97 = tpu.iota {dimensions = array<i32: 0>} : vector<8x32xi32>
        %eq3A_98 = arith.constant 1 : i32
        %eq3A_99 = vector.broadcast %eq3A_98 : i32 to vector<8x32xi32>
        %eq3A_100 = arith.cmpi eq, %iota3A_97, %eq3A_99 : vector<8x32xi32>
        %convert_element_type3A_101 = arith.extui %eq3A_100 : vector<8x32xi1> to vector<8x32xi32>
        %convert_element_type3A_102 = arith.sitofp %convert_element_type3A_101 : vector<8x32xi32> to vector<8x32xf32>
        %dot_general3A_103 = arith.constant dense<0.000000e+00> : vector<1x32xf32>
        %dot_general3A_104 = tpu.matmul %dot_general3A_72, %convert_element_type3A_102, %dot_general3A_103 {dimension_numbers = #tpu.dot_dimension_numbers<[1], [0], [0], [1], [0, 0, 1, 1], [], []>, transpose_lhs_hint = false} : vector<1x8xf32>, vector<8x32xf32>, vector<1x32xf32> -> vector<1x32xf32>
        %dot_general3A_105 = arith.constant dense<0.000000e+00> : vector<1x32xf32>
        %dot_general3A_106 = tpu.matmul %mul3A_65, %convert_element_type3A_102, %dot_general3A_105 {dimension_numbers = #tpu.dot_dimension_numbers<[1], [0], [0], [1], [0, 0, 1, 1], [], []>, transpose_lhs_hint = false} : vector<1x8xf32>, vector<8x32xf32>, vector<1x32xf32> -> vector<1x32xf32>
        %ge3A_107 = arith.cmpf oge, %mul3A_80, %dot_general3A_104 : vector<1x32xf32>
        %add3A_108 = arith.addf %dot_general3A_104, %dot_general3A_106 : vector<1x32xf32>
        %lt3A_109 = arith.cmpf olt, %mul3A_80, %add3A_108 : vector<1x32xf32>
        %and3A_110 = arith.andi %ge3A_107, %lt3A_109 : vector<1x32xi1>
        %jit3A_111 = arith.constant 1 : i32
        %broadcast_in_dim3A_112 = vector.broadcast %jit3A_111 : i32 to vector<1x32xi32>
        %select_n3A_113 = arith.select %and3A_110, %broadcast_in_dim3A_112, %select_n3A : vector<1x32xi1>, vector<1x32xi32>
        %iota3A_114 = tpu.iota {dimensions = array<i32: 0>} : vector<8x32xi32>
        %eq3A_115 = arith.constant 2 : i32
        %eq3A_116 = vector.broadcast %eq3A_115 : i32 to vector<8x32xi32>
        %eq3A_117 = arith.cmpi eq, %iota3A_114, %eq3A_116 : vector<8x32xi32>
        %convert_element_type3A_118 = arith.extui %eq3A_117 : vector<8x32xi1> to vector<8x32xi32>
        %convert_element_type3A_119 = arith.sitofp %convert_element_type3A_118 : vector<8x32xi32> to vector<8x32xf32>
        %dot_general3A_120 = arith.constant dense<0.000000e+00> : vector<1x32xf32>
        %dot_general3A_121 = tpu.matmul %dot_general3A_72, %convert_element_type3A_119, %dot_general3A_120 {dimension_numbers = #tpu.dot_dimension_numbers<[1], [0], [0], [1], [0, 0, 1, 1], [], []>, transpose_lhs_hint = false} : vector<1x8xf32>, vector<8x32xf32>, vector<1x32xf32> -> vector<1x32xf32>
        %dot_general3A_122 = arith.constant dense<0.000000e+00> : vector<1x32xf32>
        %dot_general3A_123 = tpu.matmul %mul3A_65, %convert_element_type3A_119, %dot_general3A_122 {dimension_numbers = #tpu.dot_dimension_numbers<[1], [0], [0], [1], [0, 0, 1, 1], [], []>, transpose_lhs_hint = false} : vector<1x8xf32>, vector<8x32xf32>, vector<1x32xf32> -> vector<1x32xf32>
        %ge3A_124 = arith.cmpf oge, %mul3A_80, %dot_general3A_121 : vector<1x32xf32>
        %add3A_125 = arith.addf %dot_general3A_121, %dot_general3A_123 : vector<1x32xf32>
        %lt3A_126 = arith.cmpf olt, %mul3A_80, %add3A_125 : vector<1x32xf32>
        %and3A_127 = arith.andi %ge3A_124, %lt3A_126 : vector<1x32xi1>
        %jit3A_128 = arith.constant 2 : i32
        %broadcast_in_dim3A_129 = vector.broadcast %jit3A_128 : i32 to vector<1x32xi32>
        %select_n3A_130 = arith.select %and3A_127, %broadcast_in_dim3A_129, %select_n3A_113 : vector<1x32xi1>, vector<1x32xi32>
        %iota3A_131 = tpu.iota {dimensions = array<i32: 0>} : vector<8x32xi32>
        %eq3A_132 = arith.constant 3 : i32
        %eq3A_133 = vector.broadcast %eq3A_132 : i32 to vector<8x32xi32>
        %eq3A_134 = arith.cmpi eq, %iota3A_131, %eq3A_133 : vector<8x32xi32>
        %convert_element_type3A_135 = arith.extui %eq3A_134 : vector<8x32xi1> to vector<8x32xi32>
        %convert_element_type3A_136 = arith.sitofp %convert_element_type3A_135 : vector<8x32xi32> to vector<8x32xf32>
        %dot_general3A_137 = arith.constant dense<0.000000e+00> : vector<1x32xf32>
        %dot_general3A_138 = tpu.matmul %dot_general3A_72, %convert_element_type3A_136, %dot_general3A_137 {dimension_numbers = #tpu.dot_dimension_numbers<[1], [0], [0], [1], [0, 0, 1, 1], [], []>, transpose_lhs_hint = false} : vector<1x8xf32>, vector<8x32xf32>, vector<1x32xf32> -> vector<1x32xf32>
        %dot_general3A_139 = arith.constant dense<0.000000e+00> : vector<1x32xf32>
        %dot_general3A_140 = tpu.matmul %mul3A_65, %convert_element_type3A_136, %dot_general3A_139 {dimension_numbers = #tpu.dot_dimension_numbers<[1], [0], [0], [1], [0, 0, 1, 1], [], []>, transpose_lhs_hint = false} : vector<1x8xf32>, vector<8x32xf32>, vector<1x32xf32> -> vector<1x32xf32>
        %ge3A_141 = arith.cmpf oge, %mul3A_80, %dot_general3A_138 : vector<1x32xf32>
        %add3A_142 = arith.addf %dot_general3A_138, %dot_general3A_140 : vector<1x32xf32>
        %lt3A_143 = arith.cmpf olt, %mul3A_80, %add3A_142 : vector<1x32xf32>
        %and3A_144 = arith.andi %ge3A_141, %lt3A_143 : vector<1x32xi1>
        %jit3A_145 = arith.constant 3 : i32
        %broadcast_in_dim3A_146 = vector.broadcast %jit3A_145 : i32 to vector<1x32xi32>
        %select_n3A_147 = arith.select %and3A_144, %broadcast_in_dim3A_146, %select_n3A_130 : vector<1x32xi1>, vector<1x32xi32>
        %iota3A_148 = tpu.iota {dimensions = array<i32: 0>} : vector<8x32xi32>
        %eq3A_149 = arith.constant 4 : i32
        %eq3A_150 = vector.broadcast %eq3A_149 : i32 to vector<8x32xi32>
        %eq3A_151 = arith.cmpi eq, %iota3A_148, %eq3A_150 : vector<8x32xi32>
        %convert_element_type3A_152 = arith.extui %eq3A_151 : vector<8x32xi1> to vector<8x32xi32>
        %convert_element_type3A_153 = arith.sitofp %convert_element_type3A_152 : vector<8x32xi32> to vector<8x32xf32>
        %dot_general3A_154 = arith.constant dense<0.000000e+00> : vector<1x32xf32>
        %dot_general3A_155 = tpu.matmul %dot_general3A_72, %convert_element_type3A_153, %dot_general3A_154 {dimension_numbers = #tpu.dot_dimension_numbers<[1], [0], [0], [1], [0, 0, 1, 1], [], []>, transpose_lhs_hint = false} : vector<1x8xf32>, vector<8x32xf32>, vector<1x32xf32> -> vector<1x32xf32>
        %dot_general3A_156 = arith.constant dense<0.000000e+00> : vector<1x32xf32>
        %dot_general3A_157 = tpu.matmul %mul3A_65, %convert_element_type3A_153, %dot_general3A_156 {dimension_numbers = #tpu.dot_dimension_numbers<[1], [0], [0], [1], [0, 0, 1, 1], [], []>, transpose_lhs_hint = false} : vector<1x8xf32>, vector<8x32xf32>, vector<1x32xf32> -> vector<1x32xf32>
        %ge3A_158 = arith.cmpf oge, %mul3A_80, %dot_general3A_155 : vector<1x32xf32>
        %add3A_159 = arith.addf %dot_general3A_155, %dot_general3A_157 : vector<1x32xf32>
        %lt3A_160 = arith.cmpf olt, %mul3A_80, %add3A_159 : vector<1x32xf32>
        %and3A_161 = arith.andi %ge3A_158, %lt3A_160 : vector<1x32xi1>
        %jit3A_162 = arith.constant 4 : i32
        %broadcast_in_dim3A_163 = vector.broadcast %jit3A_162 : i32 to vector<1x32xi32>
        %select_n3A_164 = arith.select %and3A_161, %broadcast_in_dim3A_163, %select_n3A_147 : vector<1x32xi1>, vector<1x32xi32>
        %iota3A_165 = tpu.iota {dimensions = array<i32: 0>} : vector<8x32xi32>
        %eq3A_166 = arith.constant 5 : i32
        %eq3A_167 = vector.broadcast %eq3A_166 : i32 to vector<8x32xi32>
        %eq3A_168 = arith.cmpi eq, %iota3A_165, %eq3A_167 : vector<8x32xi32>
        %convert_element_type3A_169 = arith.extui %eq3A_168 : vector<8x32xi1> to vector<8x32xi32>
        %convert_element_type3A_170 = arith.sitofp %convert_element_type3A_169 : vector<8x32xi32> to vector<8x32xf32>
        %dot_general3A_171 = arith.constant dense<0.000000e+00> : vector<1x32xf32>
        %dot_general3A_172 = tpu.matmul %dot_general3A_72, %convert_element_type3A_170, %dot_general3A_171 {dimension_numbers = #tpu.dot_dimension_numbers<[1], [0], [0], [1], [0, 0, 1, 1], [], []>, transpose_lhs_hint = false} : vector<1x8xf32>, vector<8x32xf32>, vector<1x32xf32> -> vector<1x32xf32>
        %dot_general3A_173 = arith.constant dense<0.000000e+00> : vector<1x32xf32>
        %dot_general3A_174 = tpu.matmul %mul3A_65, %convert_element_type3A_170, %dot_general3A_173 {dimension_numbers = #tpu.dot_dimension_numbers<[1], [0], [0], [1], [0, 0, 1, 1], [], []>, transpose_lhs_hint = false} : vector<1x8xf32>, vector<8x32xf32>, vector<1x32xf32> -> vector<1x32xf32>
        %ge3A_175 = arith.cmpf oge, %mul3A_80, %dot_general3A_172 : vector<1x32xf32>
        %add3A_176 = arith.addf %dot_general3A_172, %dot_general3A_174 : vector<1x32xf32>
        %lt3A_177 = arith.cmpf olt, %mul3A_80, %add3A_176 : vector<1x32xf32>
        %and3A_178 = arith.andi %ge3A_175, %lt3A_177 : vector<1x32xi1>
        %jit3A_179 = arith.constant 5 : i32
        %broadcast_in_dim3A_180 = vector.broadcast %jit3A_179 : i32 to vector<1x32xi32>
        %select_n3A_181 = arith.select %and3A_178, %broadcast_in_dim3A_180, %select_n3A_164 : vector<1x32xi1>, vector<1x32xi32>
        %iota3A_182 = tpu.iota {dimensions = array<i32: 0>} : vector<8x32xi32>
        %eq3A_183 = arith.constant 6 : i32
        %eq3A_184 = vector.broadcast %eq3A_183 : i32 to vector<8x32xi32>
        %eq3A_185 = arith.cmpi eq, %iota3A_182, %eq3A_184 : vector<8x32xi32>
        %convert_element_type3A_186 = arith.extui %eq3A_185 : vector<8x32xi1> to vector<8x32xi32>
        %convert_element_type3A_187 = arith.sitofp %convert_element_type3A_186 : vector<8x32xi32> to vector<8x32xf32>
        %dot_general3A_188 = arith.constant dense<0.000000e+00> : vector<1x32xf32>
        %dot_general3A_189 = tpu.matmul %dot_general3A_72, %convert_element_type3A_187, %dot_general3A_188 {dimension_numbers = #tpu.dot_dimension_numbers<[1], [0], [0], [1], [0, 0, 1, 1], [], []>, transpose_lhs_hint = false} : vector<1x8xf32>, vector<8x32xf32>, vector<1x32xf32> -> vector<1x32xf32>
        %dot_general3A_190 = arith.constant dense<0.000000e+00> : vector<1x32xf32>
        %dot_general3A_191 = tpu.matmul %mul3A_65, %convert_element_type3A_187, %dot_general3A_190 {dimension_numbers = #tpu.dot_dimension_numbers<[1], [0], [0], [1], [0, 0, 1, 1], [], []>, transpose_lhs_hint = false} : vector<1x8xf32>, vector<8x32xf32>, vector<1x32xf32> -> vector<1x32xf32>
        %ge3A_192 = arith.cmpf oge, %mul3A_80, %dot_general3A_189 : vector<1x32xf32>
        %add3A_193 = arith.addf %dot_general3A_189, %dot_general3A_191 : vector<1x32xf32>
        %lt3A_194 = arith.cmpf olt, %mul3A_80, %add3A_193 : vector<1x32xf32>
        %and3A_195 = arith.andi %ge3A_192, %lt3A_194 : vector<1x32xi1>
        %jit3A_196 = arith.constant 6 : i32
        %broadcast_in_dim3A_197 = vector.broadcast %jit3A_196 : i32 to vector<1x32xi32>
        %select_n3A_198 = arith.select %and3A_195, %broadcast_in_dim3A_197, %select_n3A_181 : vector<1x32xi1>, vector<1x32xi32>
        %iota3A_199 = tpu.iota {dimensions = array<i32: 0>} : vector<8x32xi32>
        %eq3A_200 = arith.constant 7 : i32
        %eq3A_201 = vector.broadcast %eq3A_200 : i32 to vector<8x32xi32>
        %eq3A_202 = arith.cmpi eq, %iota3A_199, %eq3A_201 : vector<8x32xi32>
        %convert_element_type3A_203 = arith.extui %eq3A_202 : vector<8x32xi1> to vector<8x32xi32>
        %convert_element_type3A_204 = arith.sitofp %convert_element_type3A_203 : vector<8x32xi32> to vector<8x32xf32>
        %dot_general3A_205 = arith.constant dense<0.000000e+00> : vector<1x32xf32>
        %dot_general3A_206 = tpu.matmul %dot_general3A_72, %convert_element_type3A_204, %dot_general3A_205 {dimension_numbers = #tpu.dot_dimension_numbers<[1], [0], [0], [1], [0, 0, 1, 1], [], []>, transpose_lhs_hint = false} : vector<1x8xf32>, vector<8x32xf32>, vector<1x32xf32> -> vector<1x32xf32>
        %dot_general3A_207 = arith.constant dense<0.000000e+00> : vector<1x32xf32>
        %dot_general3A_208 = tpu.matmul %mul3A_65, %convert_element_type3A_204, %dot_general3A_207 {dimension_numbers = #tpu.dot_dimension_numbers<[1], [0], [0], [1], [0, 0, 1, 1], [], []>, transpose_lhs_hint = false} : vector<1x8xf32>, vector<8x32xf32>, vector<1x32xf32> -> vector<1x32xf32>
        %ge3A_209 = arith.cmpf oge, %mul3A_80, %dot_general3A_206 : vector<1x32xf32>
        %add3A_210 = arith.addf %dot_general3A_206, %dot_general3A_208 : vector<1x32xf32>
        %lt3A_211 = arith.cmpf olt, %mul3A_80, %add3A_210 : vector<1x32xf32>
        %and3A_212 = arith.andi %ge3A_209, %lt3A_211 : vector<1x32xi1>
        %jit3A_213 = arith.constant 7 : i32
        %broadcast_in_dim3A_214 = vector.broadcast %jit3A_213 : i32 to vector<1x32xi32>
        %select_n3A_215 = arith.select %and3A_212, %broadcast_in_dim3A_214, %select_n3A_198 : vector<1x32xi1>, vector<1x32xi32>
        %swap3A_216 = arith.constant 0 : index
        %swap3A_217 = arith.constant 0 : index
        %swap3A_218 = vector.load %arg8[%swap3A_216, %swap3A_217] : memref<1x32xi32, #tpu.memory_space<vmem>>, vector<1x32xi32>
        tpu.vector_store %arg8[%swap3A_216, %swap3A_217], %select_n3A_215 {strides = array<i32>} : memref<1x32xi32, #tpu.memory_space<vmem>>, vector<1x32xi32>,
      } else {
      }
      %get3A = arith.index_cast %arg1 : i32 to index
      %get3A_18 = arith.constant 0 : index
      %get3A_19 = arith.constant 0 : index
      %get3A_20 = vector.load %arg9[%get3A, %get3A_18, %get3A_19] : memref<16x256x8xf32, #tpu.memory_space<vmem>>, vector<1x256x8xf32>
      %reshape3A = vector.shape_cast %get3A_20 : vector<1x256x8xf32> to vector<256x8xf32>
      %iota3A = tpu.iota {dimensions = array<i32: 0>} : vector<256x256xi32>
      %iota3A_21 = tpu.iota {dimensions = array<i32: 1>} : vector<256x256xi32>
      %gt3A = arith.cmpi sgt, %iota3A, %iota3A_21 : vector<256x256xi32>
      %convert_element_type3A_22 = arith.extui %gt3A : vector<256x256xi1> to vector<256x256xi32>
      %convert_element_type3A_23 = arith.sitofp %convert_element_type3A_22 : vector<256x256xi32> to vector<256x256xf32>
      %dot_general3A = arith.constant dense<0.000000e+00> : vector<256x8xf32>
      %dot_general3A_24 = tpu.matmul %convert_element_type3A_23, %reshape3A, %dot_general3A {dimension_numbers = #tpu.dot_dimension_numbers<[1], [0], [0], [1], [0, 0, 1, 1], [], []>, transpose_lhs_hint = false} : vector<256x256xf32>, vector<256x8xf32>, vector<256x8xf32> -> vector<256x8xf32>
      %get3A_25 = arith.constant 0 : index
      %get3A_26 = arith.constant 0 : index
      %get3A_27 = vector.load %arg11[%get3A_25, %get3A_26] : memref<1x8xf32, #tpu.memory_space<vmem>>, vector<1x8xf32>
      %add3A = vector.broadcast %get3A_27 : vector<1x8xf32> to vector<256x8xf32>
      %add3A_28 = arith.addf %dot_general3A_24, %add3A : vector<256x8xf32>
      %mul3A = arith.mulf %reshape3A, %add3A_28 : vector<256x8xf32>
      %reduce_sum3A = arith.constant dense<0.000000e+00> : vector<256xf32>
      %reduce_sum3A_29 = vector.multi_reduction <add>, %mul3A, %reduce_sum3A [1] : vector<256x8xf32> to vector<256xf32>
      %broadcast_in_dim3A = vector.shape_cast %reduce_sum3A_29 : vector<256xf32> to vector<256x1xf32>
      %get3A_30 = arith.constant 0 : index
      %get3A_31 = arith.constant 0 : index
      %get3A_32 = vector.load %arg11[%get3A_30, %get3A_31] : memref<1x8xf32, #tpu.memory_space<vmem>>, vector<1x8xf32>
      %reduce_sum3A_33 = arith.constant dense<0.000000e+00> : vector<8xf32>
      %reduce_sum3A_34 = vector.multi_reduction <add>, %reshape3A, %reduce_sum3A_33 [0] : vector<256x8xf32> to vector<8xf32>
      %broadcast_in_dim3A_35 = vector.shape_cast %reduce_sum3A_34 : vector<8xf32> to vector<1x8xf32>
      %add3A_36 = arith.addf %get3A_32, %broadcast_in_dim3A_35 : vector<1x8xf32>
      %swap3A = arith.constant 0 : index
      %swap3A_37 = arith.constant 0 : index
      %swap3A_38 = vector.load %arg11[%swap3A, %swap3A_37] : memref<1x8xf32, #tpu.memory_space<vmem>>, vector<1x8xf32>
      tpu.vector_store %arg11[%swap3A, %swap3A_37], %add3A_36 {strides = array<i32>} : memref<1x8xf32, #tpu.memory_space<vmem>>, vector<1x8xf32>,
      %get3A_39 = arith.constant 0 : index
      %get3A_40 = arith.constant 0 : index
      %get3A_41 = vector.load %arg12[%get3A_39, %get3A_40] : memref<1x8xf32, #tpu.memory_space<vmem>>, vector<1x8xf32>
      %dot_general3A_42 = arith.constant dense<0.000000e+00> : vector<256x1xf32>
      %dot_general3A_43 = tpu.matmul %reshape3A, %get3A_41, %dot_general3A_42 {dimension_numbers = #tpu.dot_dimension_numbers<[1], [1], [0], [0], [0, 0, 1, 0], [], []>, transpose_lhs_hint = false} : vector<256x8xf32>, vector<1x8xf32>, vector<256x1xf32> -> vector<256x1xf32>
      %add3A_44 = arith.addf %dot_general3A_43, %broadcast_in_dim3A : vector<256x1xf32>
      %convert_element_type3A_45 = arith.fptosi %add3A_44 : vector<256x1xf32> to vector<256x1xi32>
      %swap3A_46 = arith.constant 0 : index
      %swap3A_47 = arith.constant 0 : index
      %swap3A_48 = vector.load %arg7[%swap3A_46, %swap3A_47] : memref<256x1xi32, #tpu.memory_space<vmem>>, vector<256x1xi32>
      tpu.vector_store %arg7[%swap3A_46, %swap3A_47], %convert_element_type3A_45 {strides = array<i32>} : memref<256x1xi32, #tpu.memory_space<vmem>>, vector<256x1xi32>,
    } else {
    }
    return
  }
  func.func @transform_0(%arg0: i32, %arg1: i32) -> (i32, i32) {
    %eq3A = arith.constant 0 : i32
    %eq3A_0 = arith.cmpi eq, %arg0, %eq3A : i32
    %min3A = arith.constant 7 : i32
    %min3A_1 = arith.minsi %arg1, %min3A : i32
    %jit3A = arith.constant 7 : i32
    %select_n3A = arith.select %eq3A_0, %min3A_1, %jit3A : i32
    %c0_i32 = arith.constant 0 : i32
    %c0_i32_2 = arith.constant 0 : i32
    return %select_n3A, %c0_i32 : i32, i32
  }
  func.func @transform_1(%arg0: i32, %arg1: i32) -> (i32, i32) {
    %c0_i32 = arith.constant 0 : i32
    %c0_i32_0 = arith.constant 0 : i32
    %c0_i32_1 = arith.constant 0 : i32
    return %c0_i32, %c0_i32_0 : i32, i32
  }
  func.func @transform_2(%arg0: i32, %arg1: i32) -> (i32, i32) {
    %c0_i32 = arith.constant 0 : i32
    %c0_i32_0 = arith.constant 0 : i32
    %c0_i32_1 = arith.constant 0 : i32
    return %c0_i32, %c0_i32_0 : i32, i32
  }
  func.func @transform_3(%arg0: i32, %arg1: i32) -> (i32, i32) {
    %eq3A = arith.constant 0 : i32
    %eq3A_0 = arith.cmpi eq, %arg0, %eq3A : i32
    %min3A = arith.constant 7 : i32
    %min3A_1 = arith.minsi %arg1, %min3A : i32
    %jit3A = arith.constant 7 : i32
    %select_n3A = arith.select %eq3A_0, %min3A_1, %jit3A : i32
    %c0_i32 = arith.constant 0 : i32
    %c0_i32_2 = arith.constant 0 : i32
    return %select_n3A, %c0_i32 : i32, i32
  }
  func.func @transform_4(%arg0: i32, %arg1: i32) -> (i32, i32) {
    %eq3A = arith.constant 0 : i32
    %eq3A_0 = arith.cmpi eq, %arg0, %eq3A : i32
    %min3A = arith.constant 7 : i32
    %min3A_1 = arith.minsi %arg1, %min3A : i32
    %jit3A = arith.constant 7 : i32
    %select_n3A = arith.select %eq3A_0, %min3A_1, %jit3A : i32
    %c0_i32 = arith.constant 0 : i32
    %c0_i32_2 = arith.constant 0 : i32
    return %select_n3A, %c0_i32 : i32, i32
  }
  func.func @transform_5(%arg0: i32, %arg1: i32) -> (i32, i32) {
    %eq3A = arith.constant 1 : i32
    %eq3A_0 = arith.cmpi eq, %arg0, %eq3A : i32
    %jit3A = arith.constant 16 : i32
    %select_n3A = arith.select %eq3A_0, %arg1, %jit3A : i32
    %c0_i32 = arith.constant 0 : i32
    %c0_i32_1 = arith.constant 0 : i32
    return %select_n3A, %c0_i32 : i32, i32
  }
  func.func @transform_6(%arg0: i32, %arg1: i32) -> (i32, i32) {
    %c0_i32 = arith.constant 0 : i32
    %c0_i32_0 = arith.constant 0 : i32
    %c0_i32_1 = arith.constant 0 : i32
    return %c0_i32, %c0_i32_0 : i32, i32
  }
}

module attributes {stable_mosaic.version = 14 : i64} {
  func.func @_gmm_kernel(%arg0: i32, %arg1: memref<32xi32, #tpu.memory_space<smem>>, %arg2: memref<256x1024xf32, #tpu.memory_space<vmem>>, %arg3: memref<1x1x256xf32, #tpu.memory_space<vmem>>, %arg4: memref<1x1024x1024xf32, #tpu.memory_space<vmem>>, %arg5: memref<1x1x512xf32, #tpu.memory_space<vmem>>, %arg6: memref<1x1x512xf32, #tpu.memory_space<vmem>>, %arg7: memref<1x512x1024xf32, #tpu.memory_space<vmem>>, %arg8: memref<1x1x1024xf32, #tpu.memory_space<vmem>>, %arg9: memref<256x1024xf32, #tpu.memory_space<vmem>>, %arg10: memref<1024x512xbf16, #tpu.memory_space<vmem>>, %arg11: memref<1024x512xbf16, #tpu.memory_space<vmem>>, %arg12: memref<1024x512xbf16, #tpu.memory_space<vmem>>, %arg13: memref<1024x512xbf16, #tpu.memory_space<vmem>>, %arg14: memref<1xi32, #tpu.memory_space<smem>>) attributes {dimension_semantics = [#tpu.dimension_semantics<arbitrary>], iteration_bounds = array<i64: 24>, scalar_prefetch = 1 : i64, scratch_operands = 5 : i64, tpu.core_type = #tpu.core_type<tc>, window_params = [{transform_indices = @transform_0, window_bounds = array<i64: 256, 1024>}, {transform_indices = @transform_1, window_bounds = array<i64: 1, 1, 256>}, {transform_indices = @transform_2, window_bounds = array<i64: 1, 1024, 1024>}, {transform_indices = @transform_3, window_bounds = array<i64: 1, 1, 512>}, {transform_indices = @transform_4, window_bounds = array<i64: 1, 1, 512>}, {transform_indices = @transform_5, window_bounds = array<i64: 1, 512, 1024>}, {transform_indices = @transform_6, window_bounds = array<i64: 1, 1, 1024>}, {transform_indices = @transform_7, window_bounds = array<i64: 256, 1024>}]} {
    %get3A = arith.index_cast %arg0 : i32 to index
    %get3A_0 = memref.load %arg1[%get3A] : memref<32xi32, #tpu.memory_space<smem>>
    %eq3A = arith.constant 0 : i32
    %eq3A_1 = arith.cmpi eq, %arg0, %eq3A : i32
    %convert_element_type3A = arith.extui %eq3A_1 : i1 to i32
    %cond3A = arith.constant 0 : i32
    %cond3A_2 = arith.cmpi ne, %convert_element_type3A, %cond3A : i32
    scf.if %cond3A_2 {
      %swap3A = arith.constant -1 : i32
      %swap3A_7 = arith.constant 0 : index
      %swap3A_8 = memref.load %arg14[%swap3A_7] : memref<1xi32, #tpu.memory_space<smem>>
      memref.store %swap3A, %arg14[%swap3A_7] : memref<1xi32, #tpu.memory_space<smem>>
      %iota3A = tpu.iota {dimensions = array<i32: 0>} : vector<1024x512xi32>
      %iota3A_9 = tpu.iota {dimensions = array<i32: 1>} : vector<1024x512xi32>
      %mul3A = arith.constant 2 : i32
      %mul3A_10 = vector.broadcast %mul3A : i32 to vector<1024x512xi32>
      %mul3A_11 = arith.muli %mul3A_10, %iota3A_9 : vector<1024x512xi32>
      %eq3A_12 = arith.cmpi eq, %iota3A, %mul3A_11 : vector<1024x512xi32>
      %convert_element_type3A_13 = arith.extui %eq3A_12 : vector<1024x512xi1> to vector<1024x512xi32>
      %convert_element_type3A_14 = arith.sitofp %convert_element_type3A_13 : vector<1024x512xi32> to vector<1024x512xf32>
      %convert_element_type3A_15 = arith.truncf %convert_element_type3A_14 : vector<1024x512xf32> to vector<1024x512xbf16>
      %swap3A_16 = arith.constant 0 : index
      %swap3A_17 = arith.constant 0 : index
      %swap3A_18 = vector.load %arg10[%swap3A_16, %swap3A_17] : memref<1024x512xbf16, #tpu.memory_space<vmem>>, vector<1024x512xbf16>
      tpu.vector_store %arg10[%swap3A_16, %swap3A_17], %convert_element_type3A_15 {strides = array<i32>} : memref<1024x512xbf16, #tpu.memory_space<vmem>>, vector<1024x512xbf16>,
      %mul3A_19 = arith.constant 2 : i32
      %mul3A_20 = vector.broadcast %mul3A_19 : i32 to vector<1024x512xi32>
      %mul3A_21 = arith.muli %mul3A_20, %iota3A_9 : vector<1024x512xi32>
      %add3A = arith.constant 1 : i32
      %add3A_22 = vector.broadcast %add3A : i32 to vector<1024x512xi32>
      %add3A_23 = arith.addi %mul3A_21, %add3A_22 : vector<1024x512xi32>
      %eq3A_24 = arith.cmpi eq, %iota3A, %add3A_23 : vector<1024x512xi32>
      %convert_element_type3A_25 = arith.extui %eq3A_24 : vector<1024x512xi1> to vector<1024x512xi32>
      %convert_element_type3A_26 = arith.sitofp %convert_element_type3A_25 : vector<1024x512xi32> to vector<1024x512xf32>
      %convert_element_type3A_27 = arith.truncf %convert_element_type3A_26 : vector<1024x512xf32> to vector<1024x512xbf16>
      %swap3A_28 = arith.constant 0 : index
      %swap3A_29 = arith.constant 0 : index
      %swap3A_30 = vector.load %arg11[%swap3A_28, %swap3A_29] : memref<1024x512xbf16, #tpu.memory_space<vmem>>, vector<1024x512xbf16>
      tpu.vector_store %arg11[%swap3A_28, %swap3A_29], %convert_element_type3A_27 {strides = array<i32>} : memref<1024x512xbf16, #tpu.memory_space<vmem>>, vector<1024x512xbf16>,
    } else {
    }
    %ge3A = arith.constant 0 : i32
    %ge3A_3 = arith.cmpi sge, %get3A_0, %ge3A : i32
    %convert_element_type3A_4 = arith.extui %ge3A_3 : i1 to i32
    %cond3A_5 = arith.constant 0 : i32
    %cond3A_6 = arith.cmpi ne, %convert_element_type3A_4, %cond3A_5 : i32
    scf.if %cond3A_6 {
      %get3A_7 = arith.constant 0 : index
      %get3A_8 = memref.load %arg14[%get3A_7] : memref<1xi32, #tpu.memory_space<smem>>
      %ne3A = arith.cmpi ne, %get3A_0, %get3A_8 : i32
      %convert_element_type3A_9 = arith.extui %ne3A : i1 to i32
      %cond3A_10 = arith.constant 0 : i32
      %cond3A_11 = arith.cmpi ne, %convert_element_type3A_9, %cond3A_10 : i32
      scf.if %cond3A_11 {
        %get3A_90 = arith.constant 0 : index
        %get3A_91 = arith.constant 0 : index
        %get3A_92 = arith.constant 0 : index
        %get3A_93 = vector.load %arg4[%get3A_90, %get3A_91, %get3A_92] : memref<1x1024x1024xf32, #tpu.memory_space<vmem>>, vector<1x1024x1024xf32>
        %get3A_94 = vector.shape_cast %get3A_93 : vector<1x1024x1024xf32> to vector<1024x1024xf32>
        %convert_element_type3A_95 = arith.truncf %get3A_94 : vector<1024x1024xf32> to vector<1024x1024xbf16>
        %get3A_96 = arith.constant 0 : index
        %get3A_97 = arith.constant 0 : index
        %get3A_98 = vector.load %arg10[%get3A_96, %get3A_97] : memref<1024x512xbf16, #tpu.memory_space<vmem>>, vector<1024x512xbf16>
        %dot_general3A_99 = arith.constant dense<0.000000e+00> : vector<1024x512xf32>
        %dot_general3A_100 = tpu.matmul %convert_element_type3A_95, %get3A_98, %dot_general3A_99 {dimension_numbers = #tpu.dot_dimension_numbers<[1], [0], [0], [1], [0, 0, 1, 1], [], []>, transpose_lhs_hint = false} : vector<1024x1024xbf16>, vector<1024x512xbf16>, vector<1024x512xf32> -> vector<1024x512xf32>
        %convert_element_type3A_101 = arith.truncf %dot_general3A_100 : vector<1024x512xf32> to vector<1024x512xbf16>
        %swap3A_102 = arith.constant 0 : index
        %swap3A_103 = arith.constant 0 : index
        %swap3A_104 = vector.load %arg12[%swap3A_102, %swap3A_103] : memref<1024x512xbf16, #tpu.memory_space<vmem>>, vector<1024x512xbf16>
        tpu.vector_store %arg12[%swap3A_102, %swap3A_103], %convert_element_type3A_101 {strides = array<i32>} : memref<1024x512xbf16, #tpu.memory_space<vmem>>, vector<1024x512xbf16>,
        %get3A_105 = arith.constant 0 : index
        %get3A_106 = arith.constant 0 : index
        %get3A_107 = vector.load %arg11[%get3A_105, %get3A_106] : memref<1024x512xbf16, #tpu.memory_space<vmem>>, vector<1024x512xbf16>
        %dot_general3A_108 = arith.constant dense<0.000000e+00> : vector<1024x512xf32>
        %dot_general3A_109 = tpu.matmul %convert_element_type3A_95, %get3A_107, %dot_general3A_108 {dimension_numbers = #tpu.dot_dimension_numbers<[1], [0], [0], [1], [0, 0, 1, 1], [], []>, transpose_lhs_hint = false} : vector<1024x1024xbf16>, vector<1024x512xbf16>, vector<1024x512xf32> -> vector<1024x512xf32>
        %convert_element_type3A_110 = arith.truncf %dot_general3A_109 : vector<1024x512xf32> to vector<1024x512xbf16>
        %swap3A_111 = arith.constant 0 : index
        %swap3A_112 = arith.constant 0 : index
        %swap3A_113 = vector.load %arg13[%swap3A_111, %swap3A_112] : memref<1024x512xbf16, #tpu.memory_space<vmem>>, vector<1024x512xbf16>
        tpu.vector_store %arg13[%swap3A_111, %swap3A_112], %convert_element_type3A_110 {strides = array<i32>} : memref<1024x512xbf16, #tpu.memory_space<vmem>>, vector<1024x512xbf16>,
        %swap3A_114 = arith.constant 0 : index
        %swap3A_115 = memref.load %arg14[%swap3A_114] : memref<1xi32, #tpu.memory_space<smem>>
        memref.store %get3A_0, %arg14[%swap3A_114] : memref<1xi32, #tpu.memory_space<smem>>
      } else {
      }
      %get3A_12 = arith.constant 0 : index
      %get3A_13 = arith.constant 0 : index
      %get3A_14 = vector.load %arg2[%get3A_12, %get3A_13] : memref<256x1024xf32, #tpu.memory_space<vmem>>, vector<256x1024xf32>
      %convert_element_type3A_15 = arith.truncf %get3A_14 : vector<256x1024xf32> to vector<256x1024xbf16>
      %get3A_16 = arith.constant 0 : index
      %get3A_17 = arith.constant 0 : index
      %get3A_18 = vector.load %arg12[%get3A_16, %get3A_17] : memref<1024x512xbf16, #tpu.memory_space<vmem>>, vector<1024x512xbf16>
      %dot_general3A = arith.constant dense<0.000000e+00> : vector<256x512xf32>
      %dot_general3A_19 = tpu.matmul %convert_element_type3A_15, %get3A_18, %dot_general3A {dimension_numbers = #tpu.dot_dimension_numbers<[1], [0], [0], [1], [0, 0, 1, 1], [], []>, transpose_lhs_hint = false} : vector<256x1024xbf16>, vector<1024x512xbf16>, vector<256x512xf32> -> vector<256x512xf32>
      %get3A_20 = arith.constant 0 : index
      %get3A_21 = arith.constant 0 : index
      %get3A_22 = arith.constant 0 : index
      %get3A_23 = vector.load %arg5[%get3A_20, %get3A_21, %get3A_22] : memref<1x1x512xf32, #tpu.memory_space<vmem>>, vector<1x1x512xf32>
      %get3A_24 = vector.shape_cast %get3A_23 : vector<1x1x512xf32> to vector<1x512xf32>
      %add3A = vector.broadcast %get3A_24 : vector<1x512xf32> to vector<256x512xf32>
      %add3A_25 = arith.addf %dot_general3A_19, %add3A : vector<256x512xf32>
      %get3A_26 = arith.constant 0 : index
      %get3A_27 = arith.constant 0 : index
      %get3A_28 = vector.load %arg13[%get3A_26, %get3A_27] : memref<1024x512xbf16, #tpu.memory_space<vmem>>, vector<1024x512xbf16>
      %dot_general3A_29 = arith.constant dense<0.000000e+00> : vector<256x512xf32>
      %dot_general3A_30 = tpu.matmul %convert_element_type3A_15, %get3A_28, %dot_general3A_29 {dimension_numbers = #tpu.dot_dimension_numbers<[1], [0], [0], [1], [0, 0, 1, 1], [], []>, transpose_lhs_hint = false} : vector<256x1024xbf16>, vector<1024x512xbf16>, vector<256x512xf32> -> vector<256x512xf32>
      %get3A_31 = arith.constant 0 : index
      %get3A_32 = arith.constant 0 : index
      %get3A_33 = arith.constant 0 : index
      %get3A_34 = vector.load %arg6[%get3A_31, %get3A_32, %get3A_33] : memref<1x1x512xf32, #tpu.memory_space<vmem>>, vector<1x1x512xf32>
      %get3A_35 = vector.shape_cast %get3A_34 : vector<1x1x512xf32> to vector<1x512xf32>
      %add3A_36 = vector.broadcast %get3A_35 : vector<1x512xf32> to vector<256x512xf32>
      %add3A_37 = arith.addf %dot_general3A_30, %add3A_36 : vector<256x512xf32>
      %min3A = arith.constant 7.000000e+00 : f32
      %min3A_38 = vector.broadcast %min3A : f32 to vector<256x512xf32>
      %min3A_39 = arith.minimumf %add3A_25, %min3A_38 : vector<256x512xf32>
      %mul3A = arith.constant 1.702000e+00 : f32
      %mul3A_40 = vector.broadcast %mul3A : f32 to vector<256x512xf32>
      %mul3A_41 = arith.mulf %min3A_39, %mul3A_40 : vector<256x512xf32>
      %logistic3A = arith.negf %mul3A_41 : vector<256x512xf32>
      %logistic3A_42 = math.exp %logistic3A : vector<256x512xf32>
      %logistic3A_43 = arith.constant 1.000000e+00 : f32
      %logistic3A_44 = vector.broadcast %logistic3A_43 : f32 to vector<256x512xf32>
      %logistic3A_45 = arith.addf %logistic3A_44, %logistic3A_42 : vector<256x512xf32>
      %logistic3A_46 = arith.divf %logistic3A_44, %logistic3A_45 : vector<256x512xf32>
      %mul3A_47 = arith.mulf %min3A_39, %logistic3A_46 : vector<256x512xf32>
      %jit3A = arith.constant -7.000000e+00 : f32
      %jit3A_48 = arith.constant 7.000000e+00 : f32
      %max3A = vector.broadcast %jit3A : f32 to vector<256x512xf32>
      %max3A_49 = arith.maximumf %max3A, %add3A_37 : vector<256x512xf32>
      %min3A_50 = vector.broadcast %jit3A_48 : f32 to vector<256x512xf32>
      %min3A_51 = arith.minimumf %min3A_50, %max3A_49 : vector<256x512xf32>
      %add3A_52 = arith.constant 1.000000e+00 : f32
      %add3A_53 = vector.broadcast %add3A_52 : f32 to vector<256x512xf32>
      %add3A_54 = arith.addf %min3A_51, %add3A_53 : vector<256x512xf32>
      %mul3A_55 = arith.mulf %add3A_54, %mul3A_47 : vector<256x512xf32>
      %get3A_56 = arith.constant 0 : index
      %get3A_57 = arith.constant 0 : index
      %get3A_58 = arith.constant 0 : index
      %get3A_59 = vector.load %arg3[%get3A_56, %get3A_57, %get3A_58] : memref<1x1x256xf32, #tpu.memory_space<vmem>>, vector<1x1x256xf32>
      %get3A_60 = vector.shape_cast %get3A_59 : vector<1x1x256xf32> to vector<1x256xf32>
      %broadcast_in_dim3A = vector.shape_cast %get3A_60 : vector<1x256xf32> to vector<1x256xf32>
      %broadcast_in_dim3A_61 = vector.broadcast %broadcast_in_dim3A : vector<1x256xf32> to vector<256x256xf32>
      %iota3A = tpu.iota {dimensions = array<i32: 0>} : vector<256x256xi32>
      %iota3A_62 = tpu.iota {dimensions = array<i32: 1>} : vector<256x256xi32>
      %eq3A_63 = arith.cmpi eq, %iota3A, %iota3A_62 : vector<256x256xi32>
      %jit3A_64 = arith.constant 0.000000e+00 : f32
      %broadcast_in_dim3A_65 = vector.broadcast %jit3A_64 : f32 to vector<256x256xf32>
      %select_n3A = arith.select %eq3A_63, %broadcast_in_dim3A_61, %broadcast_in_dim3A_65 : vector<256x256xi1>, vector<256x256xf32>
      %broadcast_in_dim3A_66 = arith.constant 1.000000e+00 : f32
      %broadcast_in_dim3A_67 = vector.broadcast %broadcast_in_dim3A_66 : f32 to vector<256x1xf32>
      %dot_general3A_68 = arith.constant dense<0.000000e+00> : vector<256x1xf32>
      %dot_general3A_69 = tpu.matmul %select_n3A, %broadcast_in_dim3A_67, %dot_general3A_68 {dimension_numbers = #tpu.dot_dimension_numbers<[1], [0], [0], [1], [0, 0, 1, 1], [], []>, precision = #tpu.contract_precision<fp32>, transpose_lhs_hint = false} : vector<256x256xf32>, vector<256x1xf32>, vector<256x1xf32> -> vector<256x1xf32>
      %convert_element_type3A_70 = arith.truncf %mul3A_55 : vector<256x512xf32> to vector<256x512xbf16>
      %get3A_71 = arith.constant 0 : index
      %get3A_72 = arith.constant 0 : index
      %get3A_73 = arith.constant 0 : index
      %get3A_74 = vector.load %arg7[%get3A_71, %get3A_72, %get3A_73] : memref<1x512x1024xf32, #tpu.memory_space<vmem>>, vector<1x512x1024xf32>
      %get3A_75 = vector.shape_cast %get3A_74 : vector<1x512x1024xf32> to vector<512x1024xf32>
      %convert_element_type3A_76 = arith.truncf %get3A_75 : vector<512x1024xf32> to vector<512x1024xbf16>
      %dot_general3A_77 = arith.constant dense<0.000000e+00> : vector<256x1024xf32>
      %dot_general3A_78 = tpu.matmul %convert_element_type3A_70, %convert_element_type3A_76, %dot_general3A_77 {dimension_numbers = #tpu.dot_dimension_numbers<[1], [0], [0], [1], [0, 0, 1, 1], [], []>, transpose_lhs_hint = false} : vector<256x512xbf16>, vector<512x1024xbf16>, vector<256x1024xf32> -> vector<256x1024xf32>
      %get3A_79 = arith.constant 0 : index
      %get3A_80 = arith.constant 0 : index
      %get3A_81 = arith.constant 0 : index
      %get3A_82 = vector.load %arg8[%get3A_79, %get3A_80, %get3A_81] : memref<1x1x1024xf32, #tpu.memory_space<vmem>>, vector<1x1x1024xf32>
      %get3A_83 = vector.shape_cast %get3A_82 : vector<1x1x1024xf32> to vector<1x1024xf32>
      %add3A_84 = vector.broadcast %get3A_83 : vector<1x1024xf32> to vector<256x1024xf32>
      %add3A_85 = arith.addf %dot_general3A_78, %add3A_84 : vector<256x1024xf32>
      %mul3A_86 = vector.broadcast %dot_general3A_69 : vector<256x1xf32> to vector<256x1024xf32>
      %mul3A_87 = arith.mulf %add3A_85, %mul3A_86 : vector<256x1024xf32>
      %swap3A = arith.constant 0 : index
      %swap3A_88 = arith.constant 0 : index
      %swap3A_89 = vector.load %arg9[%swap3A, %swap3A_88] : memref<256x1024xf32, #tpu.memory_space<vmem>>, vector<256x1024xf32>
      tpu.vector_store %arg9[%swap3A, %swap3A_88], %mul3A_87 {strides = array<i32>} : memref<256x1024xf32, #tpu.memory_space<vmem>>, vector<256x1024xf32>,
    } else {
    }
    return
  }
  func.func @transform_0(%arg0: i32, %arg1: memref<32xi32, #tpu.memory_space<smem>>) -> (i32, i32) {
    %get3A = arith.index_cast %arg0 : i32 to index
    %get3A_0 = memref.load %arg1[%get3A] : memref<32xi32, #tpu.memory_space<smem>>
    %lt3A = arith.constant 0 : i32
    %lt3A_1 = arith.cmpi slt, %get3A_0, %lt3A : i32
    %jit3A = arith.constant 0 : i32
    %select_n3A = arith.select %lt3A_1, %jit3A, %arg0 : i32
    %c0_i32 = arith.constant 0 : i32
    %c0_i32_2 = arith.constant 0 : i32
    return %select_n3A, %c0_i32 : i32, i32
  }
  func.func @transform_1(%arg0: i32, %arg1: memref<32xi32, #tpu.memory_space<smem>>) -> (i32, i32, i32) {
    %get3A = arith.index_cast %arg0 : i32 to index
    %get3A_0 = memref.load %arg1[%get3A] : memref<32xi32, #tpu.memory_space<smem>>
    %lt3A = arith.constant 0 : i32
    %lt3A_1 = arith.cmpi slt, %get3A_0, %lt3A : i32
    %jit3A = arith.constant 0 : i32
    %select_n3A = arith.select %lt3A_1, %jit3A, %arg0 : i32
    %c0_i32 = arith.constant 0 : i32
    %c0_i32_2 = arith.constant 0 : i32
    %c0_i32_3 = arith.constant 0 : i32
    return %select_n3A, %c0_i32, %c0_i32_2 : i32, i32, i32
  }
  func.func @transform_2(%arg0: i32, %arg1: memref<32xi32, #tpu.memory_space<smem>>) -> (i32, i32, i32) {
    %get3A = arith.index_cast %arg0 : i32 to index
    %get3A_0 = memref.load %arg1[%get3A] : memref<32xi32, #tpu.memory_space<smem>>
    %max3A = arith.constant 0 : i32
    %max3A_1 = arith.maxsi %get3A_0, %max3A : i32
    %c0_i32 = arith.constant 0 : i32
    %c0_i32_2 = arith.constant 0 : i32
    %c0_i32_3 = arith.constant 0 : i32
    return %max3A_1, %c0_i32, %c0_i32_2 : i32, i32, i32
  }
  func.func @transform_3(%arg0: i32, %arg1: memref<32xi32, #tpu.memory_space<smem>>) -> (i32, i32, i32) {
    %get3A = arith.index_cast %arg0 : i32 to index
    %get3A_0 = memref.load %arg1[%get3A] : memref<32xi32, #tpu.memory_space<smem>>
    %max3A = arith.constant 0 : i32
    %max3A_1 = arith.maxsi %get3A_0, %max3A : i32
    %c0_i32 = arith.constant 0 : i32
    %c0_i32_2 = arith.constant 0 : i32
    %c0_i32_3 = arith.constant 0 : i32
    return %max3A_1, %c0_i32, %c0_i32_2 : i32, i32, i32
  }
  func.func @transform_4(%arg0: i32, %arg1: memref<32xi32, #tpu.memory_space<smem>>) -> (i32, i32, i32) {
    %get3A = arith.index_cast %arg0 : i32 to index
    %get3A_0 = memref.load %arg1[%get3A] : memref<32xi32, #tpu.memory_space<smem>>
    %max3A = arith.constant 0 : i32
    %max3A_1 = arith.maxsi %get3A_0, %max3A : i32
    %c0_i32 = arith.constant 0 : i32
    %c0_i32_2 = arith.constant 0 : i32
    %c0_i32_3 = arith.constant 0 : i32
    return %max3A_1, %c0_i32, %c0_i32_2 : i32, i32, i32
  }
  func.func @transform_5(%arg0: i32, %arg1: memref<32xi32, #tpu.memory_space<smem>>) -> (i32, i32, i32) {
    %get3A = arith.index_cast %arg0 : i32 to index
    %get3A_0 = memref.load %arg1[%get3A] : memref<32xi32, #tpu.memory_space<smem>>
    %max3A = arith.constant 0 : i32
    %max3A_1 = arith.maxsi %get3A_0, %max3A : i32
    %c0_i32 = arith.constant 0 : i32
    %c0_i32_2 = arith.constant 0 : i32
    %c0_i32_3 = arith.constant 0 : i32
    return %max3A_1, %c0_i32, %c0_i32_2 : i32, i32, i32
  }
  func.func @transform_6(%arg0: i32, %arg1: memref<32xi32, #tpu.memory_space<smem>>) -> (i32, i32, i32) {
    %get3A = arith.index_cast %arg0 : i32 to index
    %get3A_0 = memref.load %arg1[%get3A] : memref<32xi32, #tpu.memory_space<smem>>
    %max3A = arith.constant 0 : i32
    %max3A_1 = arith.maxsi %get3A_0, %max3A : i32
    %c0_i32 = arith.constant 0 : i32
    %c0_i32_2 = arith.constant 0 : i32
    %c0_i32_3 = arith.constant 0 : i32
    return %max3A_1, %c0_i32, %c0_i32_2 : i32, i32, i32
  }
  func.func @transform_7(%arg0: i32, %arg1: memref<32xi32, #tpu.memory_space<smem>>) -> (i32, i32) {
    %get3A = arith.index_cast %arg0 : i32 to index
    %get3A_0 = memref.load %arg1[%get3A] : memref<32xi32, #tpu.memory_space<smem>>
    %lt3A = arith.constant 0 : i32
    %lt3A_1 = arith.cmpi slt, %get3A_0, %lt3A : i32
    %jit3A = arith.constant 24 : i32
    %select_n3A = arith.select %lt3A_1, %jit3A, %arg0 : i32
    %c0_i32 = arith.constant 0 : i32
    %c0_i32_2 = arith.constant 0 : i32
    return %select_n3A, %c0_i32 : i32, i32
  }
}

module attributes {stable_mosaic.version = 14 : i64} {
  func.func @_add_kernel(%arg0: i32, %arg1: memref<256x1024xf32, #tpu.memory_space<vmem>>, %arg2: memref<256x1024xf32, #tpu.memory_space<vmem>>, %arg3: memref<256x1024xf32, #tpu.memory_space<vmem>>) attributes {dimension_semantics = [#tpu.dimension_semantics<arbitrary>], iteration_bounds = array<i64: 8>, scalar_prefetch = 0 : i64, scratch_operands = 0 : i64, tpu.core_type = #tpu.core_type<tc>, window_params = [{transform_indices = @transform_0, window_bounds = array<i64: 256, 1024>}, {transform_indices = @transform_1, window_bounds = array<i64: 256, 1024>}, {transform_indices = @transform_2, window_bounds = array<i64: 256, 1024>}]} {
    %get3A = arith.constant 0 : index
    %get3A_0 = arith.constant 0 : index
    %get3A_1 = vector.load %arg1[%get3A, %get3A_0] : memref<256x1024xf32, #tpu.memory_space<vmem>>, vector<256x1024xf32>
    %get3A_2 = arith.constant 0 : index
    %get3A_3 = arith.constant 0 : index
    %get3A_4 = vector.load %arg2[%get3A_2, %get3A_3] : memref<256x1024xf32, #tpu.memory_space<vmem>>, vector<256x1024xf32>
    %add3A = arith.addf %get3A_1, %get3A_4 : vector<256x1024xf32>
    %swap3A = arith.constant 0 : index
    %swap3A_5 = arith.constant 0 : index
    %swap3A_6 = vector.load %arg3[%swap3A, %swap3A_5] : memref<256x1024xf32, #tpu.memory_space<vmem>>, vector<256x1024xf32>
    tpu.vector_store %arg3[%swap3A, %swap3A_5], %add3A {strides = array<i32>} : memref<256x1024xf32, #tpu.memory_space<vmem>>, vector<256x1024xf32>,
    return
  }
  func.func @transform_0(%arg0: i32) -> (i32, i32) {
    %c0_i32 = arith.constant 0 : i32
    %c0_i32_0 = arith.constant 0 : i32
    return %arg0, %c0_i32 : i32, i32
  }
  func.func @transform_1(%arg0: i32) -> (i32, i32) {
    %c0_i32 = arith.constant 0 : i32
    %c0_i32_0 = arith.constant 0 : i32
    return %arg0, %c0_i32 : i32, i32
  }
  func.func @transform_2(%arg0: i32) -> (i32, i32) {
    %c0_i32 = arith.constant 0 : i32
    %c0_i32_0 = arith.constant 0 : i32
    return %arg0, %c0_i32 : i32, i32
  }
}

</mosaic_0001>

<sc_bundles>
// kernel: kernel.10.cloned.1.call-start
scs
__scs_entry_jumppad:
0x0: {  	(pc) =	sbr.rel $0x88, $3  }
0x1: {  	(tag) =	ssettag $0x0;
	lr =	simm.s32 $0x1  }
0x2: {  	[smem:$0x3F9A] =	sst lr;
	_ =	strace $0xD0000000  }
0x3: {  	_ = 	snop  }
0x4: {  	_ = 	snop  }
0x5: {  	_ = 	snop  }
0x6: {  	_ = 	snop  }
0x7: {  	_ = 	snop  }
__scs_overlays_trampoline_lowered:
0x8: {  	[smem:$0x3FA9] =	sst s0  }
0x9: {  	[smem:$0x3FAA] =	sst s1  }
0xa: {  	[smem:$0x3FAB] =	sst s2  }
0xb: {  	[smem:$0x3FAC] =	sst s3  }
0xc: {  	[smem:$0x3FAD] =	sst s4  }
0xd: {  	[smem:$0x3FAE] =	sst s5  }
0xe: {  	[smem:$0x3FAF] =	sst s6  }
0xf: {  	[smem:$0x3FB0] =	sst s7  }
0x10: {  	[smem:$0x3FB1] =	sst s8  }
0x11: {  	[smem:$0x3FB2] =	sst s9;
	s0 =	simm.s32 @!p0 $0x0  }
0x12: {  	s1 =	sld [smem:$0x3F98];
	s0 =	simm.s32 @p0 $0x1  }
0x13: {  	[smem:$0x3FB3] =	sst s0;
	s0 =	simm.s32 @!p1 $0x0  }
0x14: {  	s2 =	sld [smem:$0x3F97];
	s0 =	simm.s32 @p1 $0x1  }
0x15: {  	[smem:$0x3FB4] =	sst s0;
	s0 =	simm.s32 @!p2 $0x0  }
0x16: {  	s3 =	sld [smem:$0x3FDB];
	s0 =	simm.s32 @p2 $0x1  }
0x17: {  	s4 =	simm.s32 $0x1BF5;
	[smem:$0x3FB6] =	sst s0  }
0x18: {  	s0 =	sld [smem:$0x3F99];
	_ =	swait.ge [sflag:s4], $0x0  }
0x19: {  	s7 =	sld [smem:$0x3F9A]  }
0x1a: {  	s8 =	sadd.s32 $0xFFFFE003, lr  }
0x1b: {  	s9 =	sadd.s32 $0xFFFFFEF7, lr;
	s5 =	simm.s32 $0xFFFFFFFF;
	p2 =	slt.u32 s8, $0xFFFFF086  }
0x1c: {  	p1 =	slt.u32 s9, $0xF7A;
	s5 =	simm.s32 @!p2 $0x0  }
0x1d: {  	s5 =	simm.s32 @p1 $0x1;
	p0 =	seq.s32 s7, s2  }
0x1e: {  	s7 =	smul.u32 @!p0 $0xF7A, s2;
	p2 =	seq.s32 @!p0 s5, $0x0  }
0x1f: {  	s9 =	smul.u32 $0xF7A, s1;
	s8 =	simm.s32 @!p0 $0x1BF5;
	p2 =	por !p2, p0  }
0x20: {  	[sflag:s8] =	ssyncset.s32 @!p0 $0xFFFFF086;
	s6 =	sadd.s32 @!p0 s3, s7;
	s7 =	simm.s32 @!p0 $0x108  }
0x21: {  	s3 =	sadd.s32 s3, s9;
	s6 =	sadd.s32 @!p0 $0x88, s6;
	s7 =	simm.s32 @p2 $0x1082  }
0x22: {  	[simem:s7], [sflag:s8] =	dma.local @!p0 [hbm:s6], $0xF7A  }
0x23: {  	s9 =	sor.u32 $0xD0000000, s2;
	s6 =	simm.s32 $0x108;
	_ =	swait.ge @!p0 [sflag:s8], $0x0  }
0x24: {  	s3 =	sadd.s32 $0x88, s3;
	s6 =	simm.s32 @!p1 $0x1082;
	[sflag:s4] =	ssyncset.s32 $0xFFFFF086  }
0x25: {  	[simem:s6], [sflag:s4] =	dma.local [hbm:s3], $0xF7A  }
0x26: {  	[smem:$0x3F9A] =	sst s1;
	(tag) =	ssettag s2;
	_ =	strace s9  }
0x27: {  	s1 =	sld [smem:$0x3FAA]  }
0x28: {  	s2 =	sld [smem:$0x3FAB]  }
0x29: {  	s4 =	sld [smem:$0x3FAD]  }
0x2a: {  	p0 =	seq.s32 s5, $0x0;
	s5 =	sld [smem:$0x3FAE]  }
0x2b: {  	s6 =	sld [smem:$0x3FAF]  }
0x2c: {  	s7 =	sld [smem:$0x3FB0]  }
0x2d: {  	s3 =	simm.s32 $0x108;
	s8 =	sld [smem:$0x3FB1]  }
0x2e: {  	s3 =	simm.s32 @!p0 $0x1082;
	s9 =	sld [smem:$0x3FB2]  }
0x2f: {  	lr =	sadd.s32 s0, s3;
	s0 =	sld [smem:$0x3FA9]  }
0x30: {  	s3 =	sld [smem:$0x3FAC]  }
0x31: {  	[smem:$0x3FB5] =	sst s10  }
0x32: {  	s10 =	sld [smem:$0x3FB3];
	_ =	sdelay $0x3  }
0x33: {  	p0 =	seq.s32 s10, $0x1;
	s10 =	sld [smem:$0x3FB5];
	_ =	sdelay $0x3  }
0x34: {  	[smem:$0x3FB5] =	sst s10  }
0x35: {  	s10 =	sld [smem:$0x3FB4];
	_ =	sdelay $0x3  }
0x36: {  	p1 =	seq.s32 s10, $0x1;
	s10 =	sld [smem:$0x3FB5];
	_ =	sdelay $0x3  }
0x37: {  	[smem:$0x3FB5] =	sst s10  }
0x38: {  	s10 =	sld [smem:$0x3FB6]  }
0x39: {  	_ = 	snop;
	(pc) =	sbr.ind lr, $3  }
0x3a: {  	_ = 	snop  }
0x3b: {  	_ = 	snop  }
0x3c: {  	p2 =	seq.s32 s10, $0x1;
	s10 =	sld [smem:$0x3FB5]  }
0x3d: {  	_ =	shalt  }
0x3e: {  	_ =	shalt  }
0x3f: {  	_ =	shalt  }
0x40: {  	_ =	shalt  }
0x41: {  	_ =	shalt  }
0x42: {  	_ =	shalt  }
0x43: {  	_ =	shalt  }
0x44: {  	_ =	shalt  }
0x45: {  	_ =	shalt  }
0x46: {  	_ =	shalt  }
0x47: {  	_ =	shalt  }
0x48: {  	_ =	shalt  }
0x49: {  	_ =	shalt  }
0x4a: {  	_ =	shalt  }
0x4b: {  	_ =	shalt  }
0x4c: {  	_ =	shalt  }
0x4d: {  	_ =	shalt  }
0x4e: {  	_ =	shalt  }
0x4f: {  	_ =	shalt  }
0x50: {  	_ =	shalt  }
0x51: {  	_ =	shalt  }
0x52: {  	_ =	shalt  }
0x53: {  	_ =	shalt  }
0x54: {  	_ =	shalt  }
0x55: {  	_ =	shalt  }
0x56: {  	_ =	shalt  }
0x57: {  	_ =	shalt  }
0x58: {  	_ =	shalt  }
0x59: {  	_ =	shalt  }
0x5a: {  	_ =	shalt  }
0x5b: {  	_ =	shalt  }
0x5c: {  	_ =	shalt  }
0x5d: {  	_ =	shalt  }
0x5e: {  	_ =	shalt  }
0x5f: {  	_ =	shalt  }
0x60: {  	_ =	shalt  }
0x61: {  	_ =	shalt  }
0x62: {  	_ =	shalt  }
0x63: {  	_ =	shalt  }
0x64: {  	_ =	shalt  }
0x65: {  	_ =	shalt  }
0x66: {  	_ =	shalt  }
0x67: {  	_ =	shalt  }
0x68: {  	_ =	shalt  }
0x69: {  	_ =	shalt  }
0x6a: {  	_ =	shalt  }
0x6b: {  	_ =	shalt  }
0x6c: {  	_ =	shalt  }
0x6d: {  	_ =	shalt  }
0x6e: {  	_ =	shalt  }
0x6f: {  	_ =	shalt  }
0x70: {  	_ =	shalt  }
0x71: {  	_ =	shalt  }
0x72: {  	_ =	shalt  }
0x73: {  	_ =	shalt  }
0x74: {  	_ =	shalt  }
0x75: {  	_ =	shalt  }
0x76: {  	_ =	shalt  }
0x77: {  	_ =	shalt  }
0x78: {  	_ =	shalt  }
0x79: {  	_ =	shalt  }
0x7a: {  	_ =	shalt  }
0x7b: {  	_ =	shalt  }
0x7c: {  	_ =	shalt  }
0x7d: {  	_ =	shalt  }
0x7e: {  	_ =	shalt  }
0x7f: {  	_ =	shalt  }
0x80: {  	_ =	shalt  }
0x81: {  	_ =	shalt  }
0x82: {  	_ =	shalt  }
0x83: {  	_ =	shalt  }
0x84: {  	_ =	shalt  }
0x85: {  	_ =	shalt  }
0x86: {  	_ =	shalt  }
0x87: {  	_ =	shalt  }
.Lfunc_end0:
.L_simem_size_0:
called_computation.1_lowered:
.L_overlay_start_0:
0x88: {  	s2 =	sld [smem:$0x3FD9]  }
0x89: {  	s3 =	sld [smem:$0x3FFE];
	_ =	sdelay $0x1  }
0x8a: {  	s1 =	srdreg.scid  }
0x8b: {  	s0 =	sand.u32 $0x1, s1  }
0x8c: {  	s17 =	sshll.u32 s0, $0xA;
	s2 =	sadd.s32 s3, s2  }
0x8d: {  	s2 =	sadd.s32 s2, s17  }
0x8e: {  	[smem:$0x3FC1] =	sst s2  }
0x8f: {  	_ = 	snop  }
0x90: {  	s2 =	sld [smem:$0x3FD0];
	(tm) =	ssettm $0x1  }
0x91: {  	s18 =	sld [smem:$0x3FFB];
	_ =	sdelay $0x3  }
0x92: {  	_ =	strace s18  }
0x93: {  	s3 =	sld [smem:$0x3FFC];
	_ =	sdelay $0x3  }
0x94: {  	_ =	strace s3  }
0x95: {  	s3 =	sld [smem:$0x3FFD];
	_ =	sdelay $0x3  }
0x96: {  	_ =	strace s3  }
0x97: {  	_ =	strace $0x8FFFFFFF  }
0x98: {  	s19 =	sld [smem:$0x3FDB];
	_ =	sdelay $0x1  }
0x99: {  	s4 =	simm.s32 $_scs_section_size  }
0x9a: {  	s5 =	simm.s32 $_size__tile_overlayer_lowered;
	s6 =	simm.s32 $_tile_overlayer_lowered  }
0x9b: {  	s22 =	simm.s32 $0x1BFF;
	s21 =	sshll.u32 s6, $0x1;
	s3 =	sadd.s32 s4, s19  }
0x9c: {  	s7 =	simm.s32 $0x0;
	s20 =	sshll.u32 s5, $0x1;
	s5 =	sadd.s32 s21, s3  }
0x9d: {  	[timem:s7], [sflag:s22] =	dma.local [hbm:s5], s20  }
0x9e: {  	_ =	swait.ge [sflag:s22], s20  }
0x9f: {  	s4 =	ssub.s32 $0x0, s20;
	[sflag:s22] =	ssyncset.done $0x0  }
0xa0: {  	[sflag:s22] =	ssyncadd.s32 s4;
	_ =	sdelay $0x1  }
0xa1: {  	s23 =	simm.s32 $0x1B8B  }
0xa2: {  	_ =	swait.ge [sflag:s23], $0x1  }
0xa3: {  	[sflag:s23] =	ssyncset.done $0x0  }
0xa4: {  	s25 =	simm.s32 $0x1B8E;
	s24 =	sld [smem:$0x3FFE];
	[sflag:s23] =	ssyncadd.s32 $0xFFFFFFFF  }
0xa5: {  	s26 =	simm.s32 $execute0_lowered;
	[smem:$0x3FD2] =	sst s25  }
0xa6: {  	s5 =	sshll.u32 s26, $0x1;
	_ =	strace $0x80000049;
	[dreg:$0x1] =	wrdreg $0xFFFFFFFF  }
0xa7: {  	s28 =	simm.s32 $_size_execute0_lowered;
	s3 =	sadd.s32 s3, s5;
	[dreg:$0x0] =	wrdreg $0x0  }
0xa8: {  	s5 =	sshll.u32 s28, $0x1;
	[dreg:$0x2] =	wrdreg s3  }
0xa9: {  	[dreg:$0x3] =	wrdreg s5  }
0xaa: {  	[dreg:$0x4] =	wrdreg $0xC0  }
0xab: {  	_ =	task [dreg:s7], $0x5FFFF  }
0xac: {  	[dreg:$0x1] =	wrdreg $0xFFFFFFFF  }
0xad: {  	[dreg:$0x0] =	wrdreg $0x60  }
0xae: {  	[dreg:$0x2] =	wrdreg s24  }
0xaf: {  	[dreg:$0x3] =	wrdreg s2  }
0xb0: {  	[dreg:$0x4] =	wrdreg $0x9  }
0xb1: {  	_ =	task.clear_ibuf [dreg:s7], $0x5FFFF;
	_ =	strace $0x90000049  }
0xb2: {  	s29 =	simm.s32 $0x9;
	_ =	strace $0x8000004B  }
0xb3: {  	_ =	swait.ge [sflag:s29], $0x1  }
0xb4: {  	[sflag:s29] =	ssyncadd.s32 $0xFFFFFFFF  }
0xb5: {  	_ =	strace $0x9000004B  }
0xb6: {  	_ =	sfence  }
0xb7: {  	s30 =	sld [smem:$0x0];
	_ =	sdelay $0x2  }
0xb8: {  	s31 =	sshll.u32 s1, $0xD;
	s1 =	sshrl.u32 s1, $0x2  }
0xb9: {  	s3 =	sand.u32 $0x4000, s31;
	s1 =	sadd.s32 s1, s30  }
0xba: {  	s0 =	sor.u32 s3, s0;
	s1 =	sshll.u32 s1, $0x11  }
0xbb: {  	s0 =	sor.u32 s1, s0  }
0xbc: {  	s0 =	sadd.s32 $0x8F2B, s0  }
0xbd: {  	[sflag:s0] =	ssyncadd.remote.s32 $0x1  }
0xbe: {  	_ =	sfence.sel $0xFFFF  }
0xbf: {  	[dreg:$0x0] =	wrdreg $0xFFFFFFFF;
	(pc) =	sbr.abs _section_cstart, $3  }
0xc0: {  	[dreg:$0x1] =	wrdreg $0xFFFFFFFF  }
0xc1: {  	_ =	task.clear_ibuf [dreg:s7], $0x2FFFF;
	_ =	strace $0x9FFFFFFF  }
0xc2: {  	(tm) =	ssettm $0x7FFFFFFF  }
0xc3: {  	_ =	shalt  }
tec
execute0_lowered:
.L_overlay_start_1:
0x0: {  	(tag) =	ssettag $0x1  }
0x1: {  	s1 =	srdreg.scid;
	s6 =	rddreg [dreg:$0x0]  }
0x2: {  	s0 =	stileid.u32;
	s7 =	rddreg [dreg:$0x1];
	s2 =	simm.s32 $0x0  }
0x3: {  	s14 =	simm.s32 $0x200;
	s15 =	simm.s32 $0xA00;
	s16 =	simm.s32 $0x1200  }
0x4: {  	s17 =	simm.s32 $0x1A00;
	s18 =	simm.s32 $0x2200;
	s19 =	simm.s32 $0x2A00  }
0x5: {  	s20 =	simm.s32 $0x3200;
	s21 =	simm.s32 $0x3A00;
	s22 =	simm.s32 $0x4200  }
0x6: {  	s28 =	simm.s32 $0x6A00;
	s29 =	simm.s32 $0x7200;
	s30 =	simm.s32 $0x7A00  }
0x7: {  	s31 =	simm.s32 $0x1;
	s1 =	sand.u32 $0x1, s1;
	s4 =	sshll.u32 s0, $0x6  }
0x8: {  	[smem:$0x7FF] =	sst s2;
	s3 =	sshll.u32 s1, $0xA;
	s1 =	ssub.s32 $0x2, s1  }
0x9: {  	s10 =	sadd.s32 $0x1600, s6;
	s4 =	sor.u32 s4, s3;
	s9 =	sshrl.u32 s1, $0x1  }
0xa: {  	_ =	strace $0x8000004A;
	s3 =	sshrl.u32 s4, $0x3;
	s1 =	ssub.s32 s1, s9  }
0xb: {  	s23 =	sshll.u32 s4, $0x7;
	s4 =	sadd.s32 $0xC2100, s6;
	s5 =	sadd.s32 s3, s6  }
0xc: {  	s3 =	sadd.s32 $0xC2000, s6;
	s24 =	sadd.s32 s7, s23;
	s25 =	sor.u32 $0x800, s23  }
0xd: {  	s11 =	sor.u32 $0x1000, s23;
	s13 =	sor.u32 $0x1800, s23;
	s8 =	sadd.s32 $0x1200, s5  }
0xe: {  	s5 =	sadd.s32 $0x1300, s5;
	[dreg:$0x5] =	wrdreg s24;
	s26 =	sadd.s32 s7, s25  }
0xf: {  	s12 =	sadd.s32 s7, s11;
	s7 =	sadd.s32 s7, s13;
	[dreg:$0x3] =	wrdreg s8  }
0x10: {  	s9 =	sadd.s32 s10, s11;
	s11 =	smax.u32 s1, $0x1;
	[dreg:$0x4] =	wrdreg s5  }
0x11: {  	s24 =	simm.s32 $0x5200;
	s1 =	simm.s32 $0x2;
	[dreg:$0x6] =	wrdreg s26  }
0x12: {  	s5 =	sadd.s32 $0xC2200, s6;
	[dreg:$0x7] =	wrdreg s12;
	s6 =	sadd.s32 $0xC2300, s6  }
0x13: {  	v2 =	vlaneseq.u32;
	[dreg:$0x8] =	wrdreg s7;
	s7 =	sadd.s32 s10, s23;
	s8 =	sadd.s32 s10, s25  }
0x14: {  	vm0 =	vmmov $0xffff;
	v1 =	vshrl.u32 v2, $0x3;
	s10 =	sadd.s32 s10, s13;
	s12 =	simm.s32 $0x3;
	s13 =	simm.s32 $0x80  }
0x15: {  	v0 =	vand.u32 $0x7, v2;
	v2 =	vor.u32 $0x8, v2;
	v1 =	vmul.u32 $0x8, v1;
	s23 =	simm.s32 $0x4A00;
	s25 =	simm.s32 $0x5A00;
	s26 =	simm.s32 $0x6200  }
.LBB2_1:
0x16: {  	s0 =	rddreg [dreg:$0x3]  }
0x17: {  	[tilespmem:s2], [sflag:$0x3] =	stream.linear.gather [hbm4b:s0+s2], $0x40, $0x38;
	[tilespmem:$0x8200] =	vst v63  }
0x18: {  	_ =	swait.ge [sflag:s12], $0x40  }
0x19: {  	[sflag:s12] =	ssyncset.done $0x0  }
0x1a: {  	s0 =	rddreg [dreg:$0x4];
	[sflag:s12] =	ssyncadd.s32 $0xFFFFFFC0  }
0x1b: {  	[tilespmem:s13], [sflag:$0x3] =	stream.linear.gather [hbm4b:s0+s2], $0x40, $0x38;
	[tilespmem:$0x8200] =	vst v63  }
0x1c: {  	_ =	swait.ge [sflag:s12], $0x40  }
0x1d: {  	[sflag:s12] =	ssyncset.done $0x0  }
0x1e: {  	[sflag:s12] =	ssyncadd.s32 $0xFFFFFFC0  }
0x1f: {  	v3 =	vld [tilespmem:$0x0];
	_ =	sdelay $0x4  }
0x20: {  	v4 =	vshll.u32 v3, $0x3  }
0x21: {  	v5 =	vand.u32 $0x7, v3;
	v4 =	vand.u32 $0xFFFFFFC0, v4  }
0x22: {  	v4 =	vor.u32 v5, v4  }
0x23: {  	v5 =	vperm.xlane v4, v0;
	_ =	sdelay $0x1  }
0x24: {  	v5 =	vadd.s32 v1, v5;
	_ =	sdelay $0x3  }
0x25: {  	[tilespmem:$0x100] =	vst v3  }
0x26: {  	[tilespmem:s14], [sflag:$0x1] =	stream.indirect_vreg.gather [hbm4b:s3+s2], $0x80, v5, vm0, $0xb8;
	[tilespmem:$0x8200] =	vst v63  }
0x27: {  	v3 =	vperm.xlane v4, v2  }
0x28: {  	[tilespmem:s15], [sflag:$0x1] =	stream.indirect_vreg.gather [hbm4b:s4+s2], $0x80, v5, vm0, $0xb8;
	[tilespmem:$0x8200] =	vst v63  }
0x29: {  	v3 =	vadd.s32 v1, v3  }
0x2a: {  	[tilespmem:s16], [sflag:$0x1] =	stream.indirect_vreg.gather [hbm4b:s5+s2], $0x80, v5, vm0, $0xb8;
	[tilespmem:$0x8200] =	vst v63  }
0x2b: {  	_ = 	snop  }
0x2c: {  	[tilespmem:s17], [sflag:$0x1] =	stream.indirect_vreg.gather [hbm4b:s6+s2], $0x80, v5, vm0, $0xb8;
	[tilespmem:$0x8200] =	vst v63  }
0x2d: {  	_ = 	snop  }
0x2e: {  	[tilespmem:s18], [sflag:$0x1] =	stream.indirect_vreg.gather [hbm4b:s3+s2], $0x80, v3, vm0, $0xb8;
	[tilespmem:$0x8200] =	vst v63  }
0x2f: {  	_ = 	snop  }
0x30: {  	[tilespmem:s19], [sflag:$0x1] =	stream.indirect_vreg.gather [hbm4b:s4+s2], $0x80, v3, vm0, $0xb8;
	[tilespmem:$0x8200] =	vst v63  }
0x31: {  	_ = 	snop  }
0x32: {  	[tilespmem:s20], [sflag:$0x1] =	stream.indirect_vreg.gather [hbm4b:s5+s2], $0x80, v3, vm0, $0xb8;
	[tilespmem:$0x8200] =	vst v63  }
0x33: {  	_ = 	snop  }
0x34: {  	[tilespmem:s21], [sflag:$0x1] =	stream.indirect_vreg.gather [hbm4b:s6+s2], $0x80, v3, vm0, $0xb8;
	[tilespmem:$0x8200] =	vst v63  }
0x35: {  	v3 =	vld [tilespmem:$0x10];
	_ =	sdelay $0x4  }
0x36: {  	v50 =	vshll.u32 v3, $0x3  }
0x37: {  	v51 =	vand.u32 $0x7, v3;
	v4 =	vand.u32 $0xFFFFFFC0, v50  }
0x38: {  	v4 =	vor.u32 v51, v4  }
0x39: {  	v5 =	vperm.xlane v4, v0;
	_ =	sdelay $0x1  }
0x3a: {  	v5 =	vadd.s32 v1, v5;
	_ =	sdelay $0x3  }
0x3b: {  	[tilespmem:$0x180] =	vst v3  }
0x3c: {  	[tilespmem:s22], [sflag:$0x2] =	stream.indirect_vreg.gather [hbm4b:s3+s2], $0x80, v5, vm0, $0xb8;
	[tilespmem:$0x8200] =	vst v63  }
0x3d: {  	v3 =	vperm.xlane v4, v2  }
0x3e: {  	[tilespmem:s23], [sflag:$0x2] =	stream.indirect_vreg.gather [hbm4b:s4+s2], $0x80, v5, vm0, $0xb8;
	[tilespmem:$0x8200] =	vst v63  }
0x3f: {  	v3 =	vadd.s32 v1, v3  }
0x40: {  	[tilespmem:s24], [sflag:$0x2] =	stream.indirect_vreg.gather [hbm4b:s5+s2], $0x80, v5, vm0, $0xb8;
	[tilespmem:$0x8200] =	vst v63  }
0x41: {  	_ = 	snop  }
0x42: {  	[tilespmem:s25], [sflag:$0x2] =	stream.indirect_vreg.gather [hbm4b:s6+s2], $0x80, v5, vm0, $0xb8;
	[tilespmem:$0x8200] =	vst v63  }
0x43: {  	_ = 	snop  }
0x44: {  	[tilespmem:s26], [sflag:$0x2] =	stream.indirect_vreg.gather [hbm4b:s3+s2], $0x80, v3, vm0, $0xb8;
	[tilespmem:$0x8200] =	vst v63  }
0x45: {  	_ = 	snop  }
0x46: {  	[tilespmem:s28], [sflag:$0x2] =	stream.indirect_vreg.gather [hbm4b:s4+s2], $0x80, v3, vm0, $0xb8;
	[tilespmem:$0x8200] =	vst v63  }
0x47: {  	_ = 	snop  }
0x48: {  	[tilespmem:s29], [sflag:$0x2] =	stream.indirect_vreg.gather [hbm4b:s5+s2], $0x80, v3, vm0, $0xb8;
	[tilespmem:$0x8200] =	vst v63  }
0x49: {  	_ = 	snop  }
0x4a: {  	[tilespmem:s30], [sflag:$0x2] =	stream.indirect_vreg.gather [hbm4b:s6+s2], $0x80, v3, vm0, $0xb8;
	[tilespmem:$0x8200] =	vst v63  }
0x4b: {  	_ =	swait.ge [sflag:s31], $0x4000  }
0x4c: {  	[sflag:s31] =	ssyncset.done $0x0  }
0x4d: {  	s0 =	rddreg [dreg:$0x5];
	[sflag:s31] =	ssyncadd.s32 $0xFFFFC000  }
0x4e: {  	[hbm4b:s0+s2] =	stream.linear.scatter [tilespmem:s14], [sflag:$0x3], $0x4000, $0x38;
	[tilespmem:$0x8200] =	vst v63  }
0x4f: {  	_ =	swait.ge [sflag:s12], $0x4000  }
0x50: {  	[sflag:s12] =	ssyncset.done $0x0  }
0x51: {  	[sflag:s12] =	ssyncadd.s32 $0xFFFFC000  }
0x52: {  	v3 =	vld [tilespmem:$0x20];
	_ =	sdelay $0x4  }
0x53: {  	v52 =	vshll.u32 v3, $0x3  }
0x54: {  	v53 =	vand.u32 $0x7, v3;
	v4 =	vand.u32 $0xFFFFFFC0, v52  }
0x55: {  	v4 =	vor.u32 v53, v4  }
0x56: {  	v5 =	vperm.xlane v4, v0;
	_ =	sdelay $0x1  }
0x57: {  	v5 =	vadd.s32 v1, v5;
	_ =	sdelay $0x3  }
0x58: {  	[tilespmem:$0x100] =	vst v3  }
0x59: {  	[tilespmem:s14], [sflag:$0x1] =	stream.indirect_vreg.gather [hbm4b:s3+s2], $0x80, v5, vm0, $0xb8;
	[tilespmem:$0x8200] =	vst v63  }
0x5a: {  	v3 =	vperm.xlane v4, v2  }
0x5b: {  	[tilespmem:s15], [sflag:$0x1] =	stream.indirect_vreg.gather [hbm4b:s4+s2], $0x80, v5, vm0, $0xb8;
	[tilespmem:$0x8200] =	vst v63  }
0x5c: {  	v3 =	vadd.s32 v1, v3  }
0x5d: {  	[tilespmem:s16], [sflag:$0x1] =	stream.indirect_vreg.gather [hbm4b:s5+s2], $0x80, v5, vm0, $0xb8;
	[tilespmem:$0x8200] =	vst v63  }
0x5e: {  	_ = 	snop  }
0x5f: {  	[tilespmem:s17], [sflag:$0x1] =	stream.indirect_vreg.gather [hbm4b:s6+s2], $0x80, v5, vm0, $0xb8;
	[tilespmem:$0x8200] =	vst v63  }
0x60: {  	_ = 	snop  }
0x61: {  	[tilespmem:s18], [sflag:$0x1] =	stream.indirect_vreg.gather [hbm4b:s3+s2], $0x80, v3, vm0, $0xb8;
	[tilespmem:$0x8200] =	vst v63  }
0x62: {  	_ = 	snop  }
0x63: {  	[tilespmem:s19], [sflag:$0x1] =	stream.indirect_vreg.gather [hbm4b:s4+s2], $0x80, v3, vm0, $0xb8;
	[tilespmem:$0x8200] =	vst v63  }
0x64: {  	_ = 	snop  }
0x65: {  	[tilespmem:s20], [sflag:$0x1] =	stream.indirect_vreg.gather [hbm4b:s5+s2], $0x80, v3, vm0, $0xb8;
	[tilespmem:$0x8200] =	vst v63  }
0x66: {  	_ = 	snop  }
0x67: {  	[tilespmem:s21], [sflag:$0x1] =	stream.indirect_vreg.gather [hbm4b:s6+s2], $0x80, v3, vm0, $0xb8;
	[tilespmem:$0x8200] =	vst v63  }
0x68: {  	_ =	swait.ge [sflag:s1], $0x4000  }
0x69: {  	[sflag:s1] =	ssyncset.done $0x0  }
0x6a: {  	s0 =	rddreg [dreg:$0x6];
	[sflag:s1] =	ssyncadd.s32 $0xFFFFC000  }
0x6b: {  	[hbm4b:s0+s2] =	stream.linear.scatter [tilespmem:s22], [sflag:$0x3], $0x4000, $0x38;
	[tilespmem:$0x8200] =	vst v63  }
0x6c: {  	_ =	swait.ge [sflag:s12], $0x4000  }
0x6d: {  	[sflag:s12] =	ssyncset.done $0x0  }
0x6e: {  	[sflag:s12] =	ssyncadd.s32 $0xFFFFC000  }
0x6f: {  	v3 =	vld [tilespmem:$0x30];
	_ =	sdelay $0x4  }
0x70: {  	v54 =	vshll.u32 v3, $0x3  }
0x71: {  	v55 =	vand.u32 $0x7, v3;
	v4 =	vand.u32 $0xFFFFFFC0, v54  }
0x72: {  	v4 =	vor.u32 v55, v4  }
0x73: {  	v5 =	vperm.xlane v4, v0;
	_ =	sdelay $0x1  }
0x74: {  	v5 =	vadd.s32 v1, v5;
	_ =	sdelay $0x3  }
0x75: {  	[tilespmem:$0x180] =	vst v3  }
0x76: {  	[tilespmem:s22], [sflag:$0x2] =	stream.indirect_vreg.gather [hbm4b:s3+s2], $0x80, v5, vm0, $0xb8;
	[tilespmem:$0x8200] =	vst v63  }
0x77: {  	v3 =	vperm.xlane v4, v2  }
0x78: {  	[tilespmem:s23], [sflag:$0x2] =	stream.indirect_vreg.gather [hbm4b:s4+s2], $0x80, v5, vm0, $0xb8;
	[tilespmem:$0x8200] =	vst v63  }
0x79: {  	v3 =	vadd.s32 v1, v3  }
0x7a: {  	[tilespmem:s24], [sflag:$0x2] =	stream.indirect_vreg.gather [hbm4b:s5+s2], $0x80, v5, vm0, $0xb8;
	[tilespmem:$0x8200] =	vst v63  }
0x7b: {  	_ = 	snop  }
0x7c: {  	[tilespmem:s25], [sflag:$0x2] =	stream.indirect_vreg.gather [hbm4b:s6+s2], $0x80, v5, vm0, $0xb8;
	[tilespmem:$0x8200] =	vst v63  }
0x7d: {  	_ = 	snop  }
0x7e: {  	[tilespmem:s26], [sflag:$0x2] =	stream.indirect_vreg.gather [hbm4b:s3+s2], $0x80, v3, vm0, $0xb8;
	[tilespmem:$0x8200] =	vst v63  }
0x7f: {  	_ = 	snop  }
0x80: {  	[tilespmem:s28], [sflag:$0x2] =	stream.indirect_vreg.gather [hbm4b:s4+s2], $0x80, v3, vm0, $0xb8;
	[tilespmem:$0x8200] =	vst v63  }
0x81: {  	_ = 	snop  }
0x82: {  	[tilespmem:s29], [sflag:$0x2] =	stream.indirect_vreg.gather [hbm4b:s5+s2], $0x80, v3, vm0, $0xb8;
	[tilespmem:$0x8200] =	vst v63  }
0x83: {  	_ = 	snop  }
0x84: {  	[tilespmem:s30], [sflag:$0x2] =	stream.indirect_vreg.gather [hbm4b:s6+s2], $0x80, v3, vm0, $0xb8;
	[tilespmem:$0x8200] =	vst v63  }
0x85: {  	_ =	swait.ge [sflag:s31], $0x4000  }
0x86: {  	[sflag:s31] =	ssyncset.done $0x0  }
0x87: {  	s0 =	rddreg [dreg:$0x7];
	[sflag:s31] =	ssyncadd.s32 $0xFFFFC000  }
0x88: {  	[hbm4b:s0+s2] =	stream.linear.scatter [tilespmem:s14], [sflag:$0x3], $0x4000, $0x38;
	[tilespmem:$0x8200] =	vst v63  }
0x89: {  	_ =	swait.ge [sflag:s12], $0x4000  }
0x8a: {  	[sflag:s12] =	ssyncset.done $0x0  }
0x8b: {  	[sflag:s12] =	ssyncadd.s32 $0xFFFFC000  }
0x8c: {  	v3 =	vld [tilespmem:$0x80];
	_ =	sdelay $0x4  }
0x8d: {  	v56 =	vshll.u32 v3, $0x3  }
0x8e: {  	v57 =	vand.u32 $0x7, v3;
	v4 =	vand.u32 $0xFFFFFFC0, v56  }
0x8f: {  	v4 =	vor.u32 v57, v4  }
0x90: {  	v5 =	vperm.xlane v4, v0;
	_ =	sdelay $0x1  }
0x91: {  	v5 =	vadd.s32 v1, v5;
	_ =	sdelay $0x3  }
0x92: {  	[tilespmem:$0x100] =	vst v3  }
0x93: {  	[tilespmem:s14], [sflag:$0x1] =	stream.indirect_vreg.gather [hbm4b:s3+s2], $0x80, v5, vm0, $0xb8;
	[tilespmem:$0x8200] =	vst v63  }
0x94: {  	v3 =	vperm.xlane v4, v2  }
0x95: {  	[tilespmem:s15], [sflag:$0x1] =	stream.indirect_vreg.gather [hbm4b:s4+s2], $0x80, v5, vm0, $0xb8;
	[tilespmem:$0x8200] =	vst v63  }
0x96: {  	v3 =	vadd.s32 v1, v3  }
0x97: {  	[tilespmem:s16], [sflag:$0x1] =	stream.indirect_vreg.gather [hbm4b:s5+s2], $0x80, v5, vm0, $0xb8;
	[tilespmem:$0x8200] =	vst v63  }
0x98: {  	_ = 	snop  }
0x99: {  	[tilespmem:s17], [sflag:$0x1] =	stream.indirect_vreg.gather [hbm4b:s6+s2], $0x80, v5, vm0, $0xb8;
	[tilespmem:$0x8200] =	vst v63  }
0x9a: {  	_ = 	snop  }
0x9b: {  	[tilespmem:s18], [sflag:$0x1] =	stream.indirect_vreg.gather [hbm4b:s3+s2], $0x80, v3, vm0, $0xb8;
	[tilespmem:$0x8200] =	vst v63  }
0x9c: {  	_ = 	snop  }
0x9d: {  	[tilespmem:s19], [sflag:$0x1] =	stream.indirect_vreg.gather [hbm4b:s4+s2], $0x80, v3, vm0, $0xb8;
	[tilespmem:$0x8200] =	vst v63  }
0x9e: {  	_ = 	snop  }
0x9f: {  	[tilespmem:s20], [sflag:$0x1] =	stream.indirect_vreg.gather [hbm4b:s5+s2], $0x80, v3, vm0, $0xb8;
	[tilespmem:$0x8200] =	vst v63  }
0xa0: {  	_ = 	snop  }
0xa1: {  	[tilespmem:s21], [sflag:$0x1] =	stream.indirect_vreg.gather [hbm4b:s6+s2], $0x80, v3, vm0, $0xb8;
	[tilespmem:$0x8200] =	vst v63  }
0xa2: {  	_ =	swait.ge [sflag:s1], $0x4000  }
0xa3: {  	[sflag:s1] =	ssyncset.done $0x0  }
0xa4: {  	s0 =	rddreg [dreg:$0x8];
	[sflag:s1] =	ssyncadd.s32 $0xFFFFC000  }
0xa5: {  	[hbm4b:s0+s2] =	stream.linear.scatter [tilespmem:s22], [sflag:$0x3], $0x4000, $0x38;
	[tilespmem:$0x8200] =	vst v63  }
0xa6: {  	_ =	swait.ge [sflag:s12], $0x4000  }
0xa7: {  	[sflag:s12] =	ssyncset.done $0x0  }
0xa8: {  	[sflag:s12] =	ssyncadd.s32 $0xFFFFC000  }
0xa9: {  	v3 =	vld [tilespmem:$0x90];
	_ =	sdelay $0x4  }
0xaa: {  	v58 =	vshll.u32 v3, $0x3  }
0xab: {  	v59 =	vand.u32 $0x7, v3;
	v4 =	vand.u32 $0xFFFFFFC0, v58  }
0xac: {  	v4 =	vor.u32 v59, v4  }
0xad: {  	v5 =	vperm.xlane v4, v0;
	_ =	sdelay $0x1  }
0xae: {  	v5 =	vadd.s32 v1, v5;
	_ =	sdelay $0x3  }
0xaf: {  	[tilespmem:$0x180] =	vst v3  }
0xb0: {  	[tilespmem:s22], [sflag:$0x2] =	stream.indirect_vreg.gather [hbm4b:s3+s2], $0x80, v5, vm0, $0xb8;
	[tilespmem:$0x8200] =	vst v63  }
0xb1: {  	v3 =	vperm.xlane v4, v2  }
0xb2: {  	[tilespmem:s23], [sflag:$0x2] =	stream.indirect_vreg.gather [hbm4b:s4+s2], $0x80, v5, vm0, $0xb8;
	[tilespmem:$0x8200] =	vst v63  }
0xb3: {  	v3 =	vadd.s32 v1, v3  }
0xb4: {  	[tilespmem:s24], [sflag:$0x2] =	stream.indirect_vreg.gather [hbm4b:s5+s2], $0x80, v5, vm0, $0xb8;
	[tilespmem:$0x8200] =	vst v63  }
0xb5: {  	_ = 	snop  }
0xb6: {  	[tilespmem:s25], [sflag:$0x2] =	stream.indirect_vreg.gather [hbm4b:s6+s2], $0x80, v5, vm0, $0xb8;
	[tilespmem:$0x8200] =	vst v63  }
0xb7: {  	_ = 	snop  }
0xb8: {  	[tilespmem:s26], [sflag:$0x2] =	stream.indirect_vreg.gather [hbm4b:s3+s2], $0x80, v3, vm0, $0xb8;
	[tilespmem:$0x8200] =	vst v63  }
0xb9: {  	_ = 	snop  }
0xba: {  	[tilespmem:s28], [sflag:$0x2] =	stream.indirect_vreg.gather [hbm4b:s4+s2], $0x80, v3, vm0, $0xb8;
	[tilespmem:$0x8200] =	vst v63  }
0xbb: {  	_ = 	snop  }
0xbc: {  	[tilespmem:s29], [sflag:$0x2] =	stream.indirect_vreg.gather [hbm4b:s5+s2], $0x80, v3, vm0, $0xb8;
	[tilespmem:$0x8200] =	vst v63  }
0xbd: {  	_ = 	snop  }
0xbe: {  	[tilespmem:s30], [sflag:$0x2] =	stream.indirect_vreg.gather [hbm4b:s6+s2], $0x80, v3, vm0, $0xb8;
	[tilespmem:$0x8200] =	vst v63  }
0xbf: {  	_ =	swait.ge [sflag:s31], $0x4000  }
0xc0: {  	[sflag:s31] =	ssyncset.done $0x0  }
0xc1: {  	[sflag:s31] =	ssyncadd.s32 $0xFFFFC000  }
0xc2: {  	[hbm4b:s7+s2] =	stream.linear.scatter [tilespmem:s14], [sflag:$0x3], $0x4000, $0x38;
	[tilespmem:$0x8200] =	vst v63  }
0xc3: {  	_ =	swait.ge [sflag:s12], $0x4000  }
0xc4: {  	[sflag:s12] =	ssyncset.done $0x0  }
0xc5: {  	[sflag:s12] =	ssyncadd.s32 $0xFFFFC000  }
0xc6: {  	v3 =	vld [tilespmem:$0xA0];
	_ =	sdelay $0x4  }
0xc7: {  	v60 =	vshll.u32 v3, $0x3  }
0xc8: {  	v61 =	vand.u32 $0x7, v3;
	v4 =	vand.u32 $0xFFFFFFC0, v60  }
0xc9: {  	v4 =	vor.u32 v61, v4  }
0xca: {  	v5 =	vperm.xlane v4, v0;
	_ =	sdelay $0x1  }
0xcb: {  	v5 =	vadd.s32 v1, v5;
	_ =	sdelay $0x3  }
0xcc: {  	[tilespmem:$0x100] =	vst v3  }
0xcd: {  	[tilespmem:s14], [sflag:$0x1] =	stream.indirect_vreg.gather [hbm4b:s3+s2], $0x80, v5, vm0, $0xb8;
	[tilespmem:$0x8200] =	vst v63  }
0xce: {  	v3 =	vperm.xlane v4, v2  }
0xcf: {  	[tilespmem:s15], [sflag:$0x1] =	stream.indirect_vreg.gather [hbm4b:s4+s2], $0x80, v5, vm0, $0xb8;
	[tilespmem:$0x8200] =	vst v63  }
0xd0: {  	v3 =	vadd.s32 v1, v3  }
0xd1: {  	[tilespmem:s16], [sflag:$0x1] =	stream.indirect_vreg.gather [hbm4b:s5+s2], $0x80, v5, vm0, $0xb8;
	[tilespmem:$0x8200] =	vst v63  }
0xd2: {  	_ = 	snop  }
0xd3: {  	[tilespmem:s17], [sflag:$0x1] =	stream.indirect_vreg.gather [hbm4b:s6+s2], $0x80, v5, vm0, $0xb8;
	[tilespmem:$0x8200] =	vst v63  }
0xd4: {  	_ = 	snop  }
0xd5: {  	[tilespmem:s18], [sflag:$0x1] =	stream.indirect_vreg.gather [hbm4b:s3+s2], $0x80, v3, vm0, $0xb8;
	[tilespmem:$0x8200] =	vst v63  }
0xd6: {  	_ = 	snop  }
0xd7: {  	[tilespmem:s19], [sflag:$0x1] =	stream.indirect_vreg.gather [hbm4b:s4+s2], $0x80, v3, vm0, $0xb8;
	[tilespmem:$0x8200] =	vst v63  }
0xd8: {  	_ = 	snop  }
0xd9: {  	[tilespmem:s20], [sflag:$0x1] =	stream.indirect_vreg.gather [hbm4b:s5+s2], $0x80, v3, vm0, $0xb8;
	[tilespmem:$0x8200] =	vst v63  }
0xda: {  	_ = 	snop  }
0xdb: {  	[tilespmem:s21], [sflag:$0x1] =	stream.indirect_vreg.gather [hbm4b:s6+s2], $0x80, v3, vm0, $0xb8;
	[tilespmem:$0x8200] =	vst v63  }
0xdc: {  	_ =	swait.ge [sflag:s1], $0x4000  }
0xdd: {  	[sflag:s1] =	ssyncset.done $0x0  }
0xde: {  	[sflag:s1] =	ssyncadd.s32 $0xFFFFC000  }
0xdf: {  	[hbm4b:s8+s2] =	stream.linear.scatter [tilespmem:s22], [sflag:$0x3], $0x4000, $0x38;
	[tilespmem:$0x8200] =	vst v63  }
0xe0: {  	_ =	swait.ge [sflag:s12], $0x4000  }
0xe1: {  	[sflag:s12] =	ssyncset.done $0x0  }
0xe2: {  	[sflag:s12] =	ssyncadd.s32 $0xFFFFC000  }
0xe3: {  	v3 =	vld [tilespmem:$0xB0];
	_ =	sdelay $0x4  }
0xe4: {  	v62 =	vshll.u32 v3, $0x3  }
0xe5: {  	v63 =	vand.u32 $0x7, v3;
	v4 =	vand.u32 $0xFFFFFFC0, v62  }
0xe6: {  	v4 =	vor.u32 v63, v4  }
0xe7: {  	v5 =	vperm.xlane v4, v0;
	_ =	sdelay $0x1  }
0xe8: {  	v5 =	vadd.s32 v1, v5;
	_ =	sdelay $0x3  }
0xe9: {  	[tilespmem:$0x180] =	vst v3  }
0xea: {  	[tilespmem:s22], [sflag:$0x2] =	stream.indirect_vreg.gather [hbm4b:s3+s2], $0x80, v5, vm0, $0xb8;
	[tilespmem:$0x8200] =	vst v63  }
0xeb: {  	v3 =	vperm.xlane v4, v2  }
0xec: {  	[tilespmem:s23], [sflag:$0x2] =	stream.indirect_vreg.gather [hbm4b:s4+s2], $0x80, v5, vm0, $0xb8;
	[tilespmem:$0x8200] =	vst v63  }
0xed: {  	v3 =	vadd.s32 v1, v3  }
0xee: {  	[tilespmem:s24], [sflag:$0x2] =	stream.indirect_vreg.gather [hbm4b:s5+s2], $0x80, v5, vm0, $0xb8;
	[tilespmem:$0x8200] =	vst v63  }
0xef: {  	_ = 	snop  }
0xf0: {  	[tilespmem:s25], [sflag:$0x2] =	stream.indirect_vreg.gather [hbm4b:s6+s2], $0x80, v5, vm0, $0xb8;
	[tilespmem:$0x8200] =	vst v63  }
0xf1: {  	_ = 	snop  }
0xf2: {  	[tilespmem:s26], [sflag:$0x2] =	stream.indirect_vreg.gather [hbm4b:s3+s2], $0x80, v3, vm0, $0xb8;
	[tilespmem:$0x8200] =	vst v63  }
0xf3: {  	_ = 	snop  }
0xf4: {  	[tilespmem:s28], [sflag:$0x2] =	stream.indirect_vreg.gather [hbm4b:s4+s2], $0x80, v3, vm0, $0xb8;
	[tilespmem:$0x8200] =	vst v63  }
0xf5: {  	_ = 	snop  }
0xf6: {  	[tilespmem:s29], [sflag:$0x2] =	stream.indirect_vreg.gather [hbm4b:s5+s2], $0x80, v3, vm0, $0xb8;
	[tilespmem:$0x8200] =	vst v63  }
0xf7: {  	_ = 	snop  }
0xf8: {  	[tilespmem:s30], [sflag:$0x2] =	stream.indirect_vreg.gather [hbm4b:s6+s2], $0x80, v3, vm0, $0xb8;
	[tilespmem:$0x8200] =	vst v63  }
0xf9: {  	_ =	swait.ge [sflag:s31], $0x4000  }
0xfa: {  	[sflag:s31] =	ssyncset.done $0x0  }
0xfb: {  	[sflag:s31] =	ssyncadd.s32 $0xFFFFC000  }
0xfc: {  	[hbm4b:s9+s2] =	stream.linear.scatter [tilespmem:s14], [sflag:$0x3], $0x4000, $0x38;
	[tilespmem:$0x8200] =	vst v63  }
0xfd: {  	_ =	swait.ge [sflag:s12], $0x4000  }
0xfe: {  	[sflag:s12] =	ssyncset.done $0x0  }
0xff: {  	[sflag:s12] =	ssyncadd.s32 $0xFFFFC000  }
0x100: {  	_ =	swait.ge [sflag:s1], $0x4000  }
0x101: {  	p0 =	sne.s32 s11, $0x1;
	[sflag:s1] =	ssyncset.done $0x0  }
.Ltmp0:
0x102: {  	[sflag:s1] =	ssyncadd.s32 $0xFFFFC000;
	(pc) =	sbr.rel @p0 .LBB2_1-.Ltmp0, $4  }
0x103: {  	[hbm4b:s10+s2] =	stream.linear.scatter [tilespmem:s22], [sflag:$0x3], $0x4000, $0x38;
	[tilespmem:$0x8200] =	vst v63  }
0x104: {  	_ =	swait.ge [sflag:s12], $0x4000  }
0x105: {  	[sflag:s12] =	ssyncset.done $0x0  }
0x106: {  	s11 =	sadd.s32 $0xFFFFFFFF, s11;
	[sflag:s12] =	ssyncadd.s32 $0xFFFFC000  }
0x107: {  	_ =	sfence.sel $0x180000  }
0x108: {  	[bflag:$0x0] =	sbarrier.arrive $0xFFFF  }
0x109: {  	_ =	strace $0x9000004A  }
0x10a: {  	s0 =	stileid.u32;
	[bflag:$0x2] =	sbarrier.arrive $0xFFFF  }
0x10b: {  	p0 =	sne.s32 s0, $0x0;
	s0 =	rddreg [dreg:$0x2]  }
0x10c: {  	s0 =	sadd.s32 @!p0 $0x100000, s0  }
0x10d: {  	[sflag:s0] =	ssyncadd.tile.s32 @!p0 $0x1;
	_ =	shalt  }
.Lfunc_end2:
_tile_overlayer_lowered:
.L_overlay_start_2:
0x10e: {  	(tag) =	ssettag $0x2  }
0x10f: {  	s0 =	rddreg [dreg:$0x0];
	s2 =	stileid.u32  }
0x110: {  	s1 =	rddreg [dreg:$0x1];
	p0 =	sne.s32 s2, $0x0  }
0x111: {  	s3 =	rddreg [dreg:$0x2];
	[bflag:$0x3] =	sbarrier.arrive $0xFFFF;
	s2 =	simm.s32 @!p0 $0x1C03  }
0x112: {  	[timem:s3], [sflag:s2] =	dma.local @!p0 [hbm:s0], s1  }
0x113: {  	s0 =	simm.s32 @!p0 $0x3  }
0x114: {  	_ =	swait.ge @!p0 [sflag:s0], s1  }
0x115: {  	s1 =	ssub.s32 @!p0 $0x0, s1;
	[sflag:s0] =	ssyncset.done @!p0 $0x0  }
0x116: {  	[sflag:s0] =	ssyncadd.s32 @!p0 s1  }
0x117: {  	[bflag:$0x3] =	sbarrier.arrive $0xFFFF  }
0x118: {  	_ =	shalt  }

// kernel: kernel.7.cloned.1.call-start
scs
__scs_entry_jumppad:
0x0: {  	(pc) =	sbr.rel $0x88, $3  }
0x1: {  	(tag) =	ssettag $0x0;
	lr =	simm.s32 $0x1  }
0x2: {  	[smem:$0x3F9A] =	sst lr;
	_ =	strace $0xD0000000  }
0x3: {  	_ = 	snop  }
0x4: {  	_ = 	snop  }
0x5: {  	_ = 	snop  }
0x6: {  	_ = 	snop  }
0x7: {  	_ = 	snop  }
__scs_overlays_trampoline_lowered:
0x8: {  	[smem:$0x3FA9] =	sst s0  }
0x9: {  	[smem:$0x3FAA] =	sst s1  }
0xa: {  	[smem:$0x3FAB] =	sst s2  }
0xb: {  	[smem:$0x3FAC] =	sst s3  }
0xc: {  	[smem:$0x3FAD] =	sst s4  }
0xd: {  	[smem:$0x3FAE] =	sst s5  }
0xe: {  	[smem:$0x3FAF] =	sst s6  }
0xf: {  	[smem:$0x3FB0] =	sst s7  }
0x10: {  	[smem:$0x3FB1] =	sst s8  }
0x11: {  	[smem:$0x3FB2] =	sst s9;
	s0 =	simm.s32 @!p0 $0x0  }
0x12: {  	s1 =	sld [smem:$0x3F98];
	s0 =	simm.s32 @p0 $0x1  }
0x13: {  	[smem:$0x3FB3] =	sst s0;
	s0 =	simm.s32 @!p1 $0x0  }
0x14: {  	s2 =	sld [smem:$0x3F97];
	s0 =	simm.s32 @p1 $0x1  }
0x15: {  	[smem:$0x3FB4] =	sst s0;
	s0 =	simm.s32 @!p2 $0x0  }
0x16: {  	s3 =	sld [smem:$0x3FDB];
	s0 =	simm.s32 @p2 $0x1  }
0x17: {  	s4 =	simm.s32 $0x1BF5;
	[smem:$0x3FB6] =	sst s0  }
0x18: {  	s0 =	sld [smem:$0x3F99];
	_ =	swait.ge [sflag:s4], $0x0  }
0x19: {  	s7 =	sld [smem:$0x3F9A]  }
0x1a: {  	s8 =	sadd.s32 $0xFFFFE003, lr  }
0x1b: {  	s9 =	sadd.s32 $0xFFFFFEF7, lr;
	s5 =	simm.s32 $0xFFFFFFFF;
	p2 =	slt.u32 s8, $0xFFFFF086  }
0x1c: {  	p1 =	slt.u32 s9, $0xF7A;
	s5 =	simm.s32 @!p2 $0x0  }
0x1d: {  	s5 =	simm.s32 @p1 $0x1;
	p0 =	seq.s32 s7, s2  }
0x1e: {  	s7 =	smul.u32 @!p0 $0xF7A, s2;
	p2 =	seq.s32 @!p0 s5, $0x0  }
0x1f: {  	s9 =	smul.u32 $0xF7A, s1;
	s8 =	simm.s32 @!p0 $0x1BF5;
	p2 =	por !p2, p0  }
0x20: {  	[sflag:s8] =	ssyncset.s32 @!p0 $0xFFFFF086;
	s6 =	sadd.s32 @!p0 s3, s7;
	s7 =	simm.s32 @!p0 $0x108  }
0x21: {  	s3 =	sadd.s32 s3, s9;
	s6 =	sadd.s32 @!p0 $0x88, s6;
	s7 =	simm.s32 @p2 $0x1082  }
0x22: {  	[simem:s7], [sflag:s8] =	dma.local @!p0 [hbm:s6], $0xF7A  }
0x23: {  	s9 =	sor.u32 $0xD0000000, s2;
	s6 =	simm.s32 $0x108;
	_ =	swait.ge @!p0 [sflag:s8], $0x0  }
0x24: {  	s3 =	sadd.s32 $0x88, s3;
	s6 =	simm.s32 @!p1 $0x1082;
	[sflag:s4] =	ssyncset.s32 $0xFFFFF086  }
0x25: {  	[simem:s6], [sflag:s4] =	dma.local [hbm:s3], $0xF7A  }
0x26: {  	[smem:$0x3F9A] =	sst s1;
	(tag) =	ssettag s2;
	_ =	strace s9  }
0x27: {  	s1 =	sld [smem:$0x3FAA]  }
0x28: {  	s2 =	sld [smem:$0x3FAB]  }
0x29: {  	s4 =	sld [smem:$0x3FAD]  }
0x2a: {  	p0 =	seq.s32 s5, $0x0;
	s5 =	sld [smem:$0x3FAE]  }
0x2b: {  	s6 =	sld [smem:$0x3FAF]  }
0x2c: {  	s7 =	sld [smem:$0x3FB0]  }
0x2d: {  	s3 =	simm.s32 $0x108;
	s8 =	sld [smem:$0x3FB1]  }
0x2e: {  	s3 =	simm.s32 @!p0 $0x1082;
	s9 =	sld [smem:$0x3FB2]  }
0x2f: {  	lr =	sadd.s32 s0, s3;
	s0 =	sld [smem:$0x3FA9]  }
0x30: {  	s3 =	sld [smem:$0x3FAC]  }
0x31: {  	[smem:$0x3FB5] =	sst s10  }
0x32: {  	s10 =	sld [smem:$0x3FB3];
	_ =	sdelay $0x3  }
0x33: {  	p0 =	seq.s32 s10, $0x1;
	s10 =	sld [smem:$0x3FB5];
	_ =	sdelay $0x3  }
0x34: {  	[smem:$0x3FB5] =	sst s10  }
0x35: {  	s10 =	sld [smem:$0x3FB4];
	_ =	sdelay $0x3  }
0x36: {  	p1 =	seq.s32 s10, $0x1;
	s10 =	sld [smem:$0x3FB5];
	_ =	sdelay $0x3  }
0x37: {  	[smem:$0x3FB5] =	sst s10  }
0x38: {  	s10 =	sld [smem:$0x3FB6]  }
0x39: {  	_ = 	snop;
	(pc) =	sbr.ind lr, $3  }
0x3a: {  	_ = 	snop  }
0x3b: {  	_ = 	snop  }
0x3c: {  	p2 =	seq.s32 s10, $0x1;
	s10 =	sld [smem:$0x3FB5]  }
0x3d: {  	_ =	shalt  }
0x3e: {  	_ =	shalt  }
0x3f: {  	_ =	shalt  }
0x40: {  	_ =	shalt  }
0x41: {  	_ =	shalt  }
0x42: {  	_ =	shalt  }
0x43: {  	_ =	shalt  }
0x44: {  	_ =	shalt  }
0x45: {  	_ =	shalt  }
0x46: {  	_ =	shalt  }
0x47: {  	_ =	shalt  }
0x48: {  	_ =	shalt  }
0x49: {  	_ =	shalt  }
0x4a: {  	_ =	shalt  }
0x4b: {  	_ =	shalt  }
0x4c: {  	_ =	shalt  }
0x4d: {  	_ =	shalt  }
0x4e: {  	_ =	shalt  }
0x4f: {  	_ =	shalt  }
0x50: {  	_ =	shalt  }
0x51: {  	_ =	shalt  }
0x52: {  	_ =	shalt  }
0x53: {  	_ =	shalt  }
0x54: {  	_ =	shalt  }
0x55: {  	_ =	shalt  }
0x56: {  	_ =	shalt  }
0x57: {  	_ =	shalt  }
0x58: {  	_ =	shalt  }
0x59: {  	_ =	shalt  }
0x5a: {  	_ =	shalt  }
0x5b: {  	_ =	shalt  }
0x5c: {  	_ =	shalt  }
0x5d: {  	_ =	shalt  }
0x5e: {  	_ =	shalt  }
0x5f: {  	_ =	shalt  }
0x60: {  	_ =	shalt  }
0x61: {  	_ =	shalt  }
0x62: {  	_ =	shalt  }
0x63: {  	_ =	shalt  }
0x64: {  	_ =	shalt  }
0x65: {  	_ =	shalt  }
0x66: {  	_ =	shalt  }
0x67: {  	_ =	shalt  }
0x68: {  	_ =	shalt  }
0x69: {  	_ =	shalt  }
0x6a: {  	_ =	shalt  }
0x6b: {  	_ =	shalt  }
0x6c: {  	_ =	shalt  }
0x6d: {  	_ =	shalt  }
0x6e: {  	_ =	shalt  }
0x6f: {  	_ =	shalt  }
0x70: {  	_ =	shalt  }
0x71: {  	_ =	shalt  }
0x72: {  	_ =	shalt  }
0x73: {  	_ =	shalt  }
0x74: {  	_ =	shalt  }
0x75: {  	_ =	shalt  }
0x76: {  	_ =	shalt  }
0x77: {  	_ =	shalt  }
0x78: {  	_ =	shalt  }
0x79: {  	_ =	shalt  }
0x7a: {  	_ =	shalt  }
0x7b: {  	_ =	shalt  }
0x7c: {  	_ =	shalt  }
0x7d: {  	_ =	shalt  }
0x7e: {  	_ =	shalt  }
0x7f: {  	_ =	shalt  }
0x80: {  	_ =	shalt  }
0x81: {  	_ =	shalt  }
0x82: {  	_ =	shalt  }
0x83: {  	_ =	shalt  }
0x84: {  	_ =	shalt  }
0x85: {  	_ =	shalt  }
0x86: {  	_ =	shalt  }
0x87: {  	_ =	shalt  }
.Lfunc_end0:
.L_simem_size_0:
called_computation_lowered:
.L_overlay_start_0:
0x88: {  	s2 =	sld [smem:$0x3FD9]  }
0x89: {  	s3 =	sld [smem:$0x3FFE];
	_ =	sdelay $0x1  }
0x8a: {  	s1 =	srdreg.scid  }
0x8b: {  	s0 =	sand.u32 $0x1, s1  }
0x8c: {  	s17 =	sshll.u32 s0, $0xA;
	s2 =	sadd.s32 s3, s2  }
0x8d: {  	s2 =	sadd.s32 s2, s17  }
0x8e: {  	[smem:$0x3FC1] =	sst s2  }
0x8f: {  	_ = 	snop  }
0x90: {  	s2 =	sld [smem:$0x3FC9];
	(tm) =	ssettm $0x1  }
0x91: {  	s18 =	sld [smem:$0x3FFB];
	_ =	sdelay $0x3  }
0x92: {  	_ =	strace s18  }
0x93: {  	s3 =	sld [smem:$0x3FFC];
	_ =	sdelay $0x3  }
0x94: {  	_ =	strace s3  }
0x95: {  	s3 =	sld [smem:$0x3FFD];
	_ =	sdelay $0x3  }
0x96: {  	_ =	strace s3  }
0x97: {  	_ =	strace $0x8FFFFFFF  }
0x98: {  	s19 =	sld [smem:$0x3FDB];
	_ =	sdelay $0x1  }
0x99: {  	s4 =	simm.s32 $_scs_section_size  }
0x9a: {  	s5 =	simm.s32 $_size__tile_overlayer_lowered;
	s6 =	simm.s32 $_tile_overlayer_lowered  }
0x9b: {  	s22 =	simm.s32 $0x1BFF;
	s21 =	sshll.u32 s6, $0x1;
	s3 =	sadd.s32 s4, s19  }
0x9c: {  	s7 =	simm.s32 $0x0;
	s20 =	sshll.u32 s5, $0x1;
	s5 =	sadd.s32 s21, s3  }
0x9d: {  	[timem:s7], [sflag:s22] =	dma.local [hbm:s5], s20  }
0x9e: {  	_ =	swait.ge [sflag:s22], s20  }
0x9f: {  	s4 =	ssub.s32 $0x0, s20;
	[sflag:s22] =	ssyncset.done $0x0  }
0xa0: {  	[sflag:s22] =	ssyncadd.s32 s4;
	_ =	sdelay $0x1  }
0xa1: {  	s23 =	simm.s32 $0x1B8B  }
0xa2: {  	_ =	swait.ge [sflag:s23], $0x1  }
0xa3: {  	[sflag:s23] =	ssyncset.done $0x0  }
0xa4: {  	s25 =	simm.s32 $0x1B8E;
	s24 =	sld [smem:$0x3FFE];
	[sflag:s23] =	ssyncadd.s32 $0xFFFFFFFF  }
0xa5: {  	s26 =	simm.s32 $execute0_lowered;
	[smem:$0x3FD2] =	sst s25  }
0xa6: {  	s5 =	sshll.u32 s26, $0x1;
	_ =	strace $0x80000046;
	[dreg:$0x1] =	wrdreg $0xFFFFFFFF  }
0xa7: {  	s28 =	simm.s32 $_size_execute0_lowered;
	s3 =	sadd.s32 s3, s5;
	[dreg:$0x0] =	wrdreg $0x0  }
0xa8: {  	s5 =	sshll.u32 s28, $0x1;
	[dreg:$0x2] =	wrdreg s3  }
0xa9: {  	[dreg:$0x3] =	wrdreg s5  }
0xaa: {  	[dreg:$0x4] =	wrdreg $0xC0  }
0xab: {  	_ =	task [dreg:s7], $0x5FFFF  }
0xac: {  	[dreg:$0x1] =	wrdreg $0xFFFFFFFF  }
0xad: {  	[dreg:$0x0] =	wrdreg $0x60  }
0xae: {  	[dreg:$0x2] =	wrdreg s24  }
0xaf: {  	[dreg:$0x3] =	wrdreg s2  }
0xb0: {  	[dreg:$0x4] =	wrdreg $0x9  }
0xb1: {  	_ =	task.clear_ibuf [dreg:s7], $0x5FFFF;
	_ =	strace $0x90000046  }
0xb2: {  	s29 =	simm.s32 $0x9;
	_ =	strace $0x80000048  }
0xb3: {  	_ =	swait.ge [sflag:s29], $0x1  }
0xb4: {  	[sflag:s29] =	ssyncadd.s32 $0xFFFFFFFF  }
0xb5: {  	_ =	strace $0x90000048  }
0xb6: {  	_ =	sfence  }
0xb7: {  	s30 =	sld [smem:$0x0];
	_ =	sdelay $0x2  }
0xb8: {  	s31 =	sshll.u32 s1, $0xD;
	s1 =	sshrl.u32 s1, $0x2  }
0xb9: {  	s3 =	sand.u32 $0x4000, s31;
	s1 =	sadd.s32 s1, s30  }
0xba: {  	s0 =	sor.u32 s3, s0;
	s1 =	sshll.u32 s1, $0x11  }
0xbb: {  	s0 =	sor.u32 s1, s0  }
0xbc: {  	s0 =	sadd.s32 $0x8F2B, s0  }
0xbd: {  	[sflag:s0] =	ssyncadd.remote.s32 $0x1  }
0xbe: {  	_ =	sfence.sel $0xFFFF  }
0xbf: {  	[dreg:$0x0] =	wrdreg $0xFFFFFFFF;
	(pc) =	sbr.abs _section_cstart, $3  }
0xc0: {  	[dreg:$0x1] =	wrdreg $0xFFFFFFFF  }
0xc1: {  	_ =	task.clear_ibuf [dreg:s7], $0x2FFFF;
	_ =	strace $0x9FFFFFFF  }
0xc2: {  	(tm) =	ssettm $0x7FFFFFFF  }
0xc3: {  	_ =	shalt  }
tec
execute0_lowered:
.L_overlay_start_1:
0x0: {  	(tag) =	ssettag $0x1  }
0x1: {  	s0 =	srdreg.scid  }
0x2: {  	s2 =	stileid.u32;
	s0 =	sand.u32 $0x1, s0  }
0x3: {  	s2 =	sshll.u32 s2, $0x7;
	s1 =	sshll.u32 s0, $0xB  }
0x4: {  	v10 =	vlaneseq.u32;
	s1 =	sor.u32 s2, s1  }
0x5: {  	vm0 =	vmmov $0xffff;
	v1 =	vor.u32 s1, v10;
	s2 =	sor.u32 $0x10, s1  }
0x6: {  	s25 =	sor.u32 $0x30, s1;
	v0 =	vshll.u32 v1, $0x3;
	v3 =	vor.u32 s2, v10;
	v1 =	vand.u32 $0x78F, v1  }
0x7: {  	s26 =	sor.u32 $0x40, s1;
	v6 =	vor.u32 s25, v10;
	v2 =	vand.u32 $0x3C40, v0;
	v0 =	vand.u32 $0x7, v10  }
0x8: {  	s24 =	sor.u32 $0x20, s1;
	v7 =	vor.u32 s26, v10;
	v4 =	vshll.u32 v3, $0x3;
	v12 =	vor.u32 v0, v2  }
0x9: {  	s3 =	sor.u32 $0x60, s1;
	v2 =	vand.u32 $0x79F, v3;
	v3 =	vand.u32 $0x3CC0, v4;
	v4 =	vor.u32 s24, v10  }
0xa: {  	v9 =	vor.u32 s3, v10;
	v13 =	vor.u32 v0, v3;
	v5 =	vshll.u32 v4, $0x3  }
0xb: {  	v3 =	vand.u32 $0x7AF, v4;
	v4 =	vand.u32 $0x3D40, v5;
	v5 =	vshll.u32 v6, $0x3  }
0xc: {  	v15 =	vperm.xlane v12, v0;
	v14 =	vor.u32 v0, v4;
	v5 =	vand.u32 $0x3DC0, v5  }
0xd: {  	s28 =	sor.u32 $0x50, s1;
	v4 =	vand.u32 $0x7BF, v6;
	v6 =	vshll.u32 v7, $0x3;
	v17 =	vor.u32 v0, v5  }
0xe: {  	v5 =	vand.u32 $0x7CF, v7;
	v6 =	vand.u32 $0x3E40, v6;
	v7 =	vor.u32 s28, v10  }
0xf: {  	v22 =	vperm.xlane v14, v0;
	v18 =	vor.u32 v0, v6;
	v8 =	vshll.u32 v7, $0x3  }
0x10: {  	v6 =	vand.u32 $0x7DF, v7;
	v7 =	vand.u32 $0x3EC0, v8;
	v8 =	vshll.u32 v9, $0x3  }
0x11: {  	s4 =	sshrl.u32 s1, $0x3;
	s1 =	sor.u32 $0x70, s1;
	v24 =	vperm.xlane v17, v0;
	v19 =	vor.u32 v0, v7;
	v8 =	vand.u32 $0x3F40, v8  }
0x12: {  	v7 =	vand.u32 $0x7EF, v9;
	v9 =	vor.u32 s1, v10;
	v20 =	vor.u32 v0, v8  }
0x13: {  	v8 =	vshrl.u32 v10, $0x3;
	v11 =	vshll.u32 v9, $0x3;
	v10 =	vor.u32 $0x8, v10  }
0x14: {  	s11 =	rddreg [dreg:$0x0];
	s31 =	simm.s32 $0x80;
	s13 =	simm.s32 $0x3;
	v9 =	vand.u32 $0x7FF, v9;
	v8 =	vmul.u32 $0x8, v8;
	v12 =	vperm.xlane v12, v10  }
0x15: {  	s22 =	simm.s32 $0x1;
	s15 =	simm.s32 $0x2;
	s19 =	simm.s32 $0xB00;
	v11 =	vand.u32 $0x3FC0, v11;
	v16 =	vperm.xlane v13, v10;
	v23 =	vperm.xlane v14, v10  }
0x16: {  	s23 =	simm.s32 $0x3B00;
	s14 =	simm.s32 $0x200;
	s0 =	ssub.s32 $0x2, s0;
	v25 =	vperm.xlane v19, v10;
	v26 =	vperm.xlane v20, v10;
	v21 =	vor.u32 v0, v11  }
0x17: {  	s18 =	simm.s32 $0x280;
	s5 =	sadd.s32 $0xC1800, s11;
	s7 =	sshrl.u32 s0, $0x1;
	v11 =	vadd.s32 v8, v15;
	v15 =	vperm.xlane v13, v0;
	v12 =	vadd.s32 v8, v12  }
0x18: {  	s9 =	sadd.s32 $0x1900, s11;
	s10 =	sadd.s32 $0x1A00, s11;
	s0 =	ssub.s32 s0, s7;
	v14 =	vadd.s32 v8, v16;
	v16 =	vadd.s32 v8, v23;
	v23 =	vperm.xlane v18, v0  }
0x19: {  	s2 =	rddreg [dreg:$0x1];
	s3 =	simm.s32 $0x0;
	s6 =	sadd.s32 s4, s11;
	v13 =	vadd.s32 v8, v15;
	v15 =	vadd.s32 v8, v22;
	v22 =	vperm.xlane v17, v10  }
0x1a: {  	s4 =	sadd.s32 $0x1800, s11;
	s11 =	sadd.s32 $0x1B00, s11;
	s12 =	smax.u32 s0, $0x1;
	v27 =	vperm.xlane v21, v0;
	v17 =	vadd.s32 v8, v24;
	v24 =	vperm.xlane v18, v10  }
0x1b: {  	s25 =	simm.s32 $0x1B00;
	[smem:$0x7FF] =	sst s3;
	s29 =	sadd.s32 $0x1200, s6;
	v28 =	vperm.xlane v21, v10;
	v18 =	vadd.s32 v8, v22;
	v22 =	vperm.xlane v19, v0  }
0x1c: {  	s30 =	sadd.s32 $0x1600, s6;
	_ =	strace $0x80000047;
	[dreg:$0x3] =	wrdreg s29;
	v19 =	vadd.s32 v8, v23;
	v23 =	vperm.xlane v20, v0;
	v20 =	vadd.s32 v8, v24  }
0x1d: {  	s6 =	sadd.s32 $0x100, s2;
	s7 =	sadd.s32 $0x200, s2;
	[dreg:$0x4] =	wrdreg s30;
	v24 =	vadd.s32 v8, v26;
	v26 =	vadd.s32 v8, v28;
	v21 =	vadd.s32 v8, v22  }
0x1e: {  	s8 =	sadd.s32 $0x300, s2;
	[dreg:$0x5] =	wrdreg s31;
	s24 =	simm.s32 $0x1300;
	v22 =	vadd.s32 v8, v25;
	v23 =	vadd.s32 v8, v23;
	v25 =	vadd.s32 v8, v27  }
.LBB2_1:
0x1f: {  	s16 =	rddreg [dreg:$0x3]  }
0x20: {  	[tilespmem:s3], [sflag:$0x3] =	stream.linear.gather [hbm4b:s16+s3], $0x80, $0x38;
	[tilespmem:$0x8300] =	vst v63  }
0x21: {  	_ =	swait.ge [sflag:s13], $0x80  }
0x22: {  	s29 =	rddreg [dreg:$0x4];
	[sflag:s13] =	ssyncset.done $0x0  }
0x23: {  	s17 =	rddreg [dreg:$0x5];
	[sflag:s13] =	ssyncadd.s32 $0xFFFFFF80  }
0x24: {  	[tilespmem:s17], [sflag:$0x3] =	stream.linear.gather [hbm4b:s29+s3], $0x80, $0x38;
	[tilespmem:$0x8300] =	vst v63  }
0x25: {  	_ =	swait.ge [sflag:s13], $0x80  }
0x26: {  	[sflag:s13] =	ssyncset.done $0x0  }
0x27: {  	[sflag:s13] =	ssyncadd.s32 $0xFFFFFF80  }
0x28: {  	s16 =	simm.s32 $0x300;
	[tilespmem:$0x100] =	vst v1  }
0x29: {  	[tilespmem:s16], [sflag:$0x1] =	stream.indirect_vreg.gather [hbm4b:s2+s3], $0x80, v11, vm0, $0xb8;
	[tilespmem:$0x8300] =	vst v63  }
0x2a: {  	_ = 	snop  }
0x2b: {  	[tilespmem:s19], [sflag:$0x1] =	stream.indirect_vreg.gather [hbm4b:s6+s3], $0x80, v11, vm0, $0xb8;
	[tilespmem:$0x8300] =	vst v63  }
0x2c: {  	_ = 	snop  }
0x2d: {  	[tilespmem:s24], [sflag:$0x1] =	stream.indirect_vreg.gather [hbm4b:s7+s3], $0x80, v11, vm0, $0xb8;
	[tilespmem:$0x8300] =	vst v63  }
0x2e: {  	_ = 	snop  }
0x2f: {  	[tilespmem:s25], [sflag:$0x1] =	stream.indirect_vreg.gather [hbm4b:s8+s3], $0x80, v11, vm0, $0xb8;
	[tilespmem:$0x8300] =	vst v63  }
0x30: {  	s0 =	simm.s32 $0x2300  }
0x31: {  	[tilespmem:s0], [sflag:$0x1] =	stream.indirect_vreg.gather [hbm4b:s2+s3], $0x80, v12, vm0, $0xb8;
	[tilespmem:$0x8300] =	vst v63  }
0x32: {  	s30 =	simm.s32 $0x2B00  }
0x33: {  	[tilespmem:s30], [sflag:$0x1] =	stream.indirect_vreg.gather [hbm4b:s6+s3], $0x80, v12, vm0, $0xb8;
	[tilespmem:$0x8300] =	vst v63  }
0x34: {  	s31 =	simm.s32 $0x3300  }
0x35: {  	[tilespmem:s31], [sflag:$0x1] =	stream.indirect_vreg.gather [hbm4b:s7+s3], $0x80, v12, vm0, $0xb8;
	[tilespmem:$0x8300] =	vst v63  }
0x36: {  	_ = 	snop  }
0x37: {  	[tilespmem:s23], [sflag:$0x1] =	stream.indirect_vreg.gather [hbm4b:s8+s3], $0x80, v12, vm0, $0xb8;
	[tilespmem:$0x8300] =	vst v63  }
0x38: {  	s1 =	simm.s32 $0x4300;
	[tilespmem:$0x180] =	vst v2  }
0x39: {  	[tilespmem:s1], [sflag:$0x2] =	stream.indirect_vreg.gather [hbm4b:s2+s3], $0x80, v13, vm0, $0xb8;
	[tilespmem:$0x8300] =	vst v63  }
0x3a: {  	s17 =	simm.s32 $0x4B00  }
0x3b: {  	[tilespmem:s17], [sflag:$0x2] =	stream.indirect_vreg.gather [hbm4b:s6+s3], $0x80, v13, vm0, $0xb8;
	[tilespmem:$0x8300] =	vst v63  }
0x3c: {  	s20 =	simm.s32 $0x5300  }
0x3d: {  	[tilespmem:s20], [sflag:$0x2] =	stream.indirect_vreg.gather [hbm4b:s7+s3], $0x80, v13, vm0, $0xb8;
	[tilespmem:$0x8300] =	vst v63  }
0x3e: {  	s21 =	simm.s32 $0x5B00  }
0x3f: {  	[tilespmem:s21], [sflag:$0x2] =	stream.indirect_vreg.gather [hbm4b:s8+s3], $0x80, v13, vm0, $0xb8;
	[tilespmem:$0x8300] =	vst v63  }
0x40: {  	s26 =	simm.s32 $0x6300  }
0x41: {  	[tilespmem:s26], [sflag:$0x2] =	stream.indirect_vreg.gather [hbm4b:s2+s3], $0x80, v14, vm0, $0xb8;
	[tilespmem:$0x8300] =	vst v63  }
0x42: {  	s28 =	simm.s32 $0x6B00  }
0x43: {  	[tilespmem:s28], [sflag:$0x2] =	stream.indirect_vreg.gather [hbm4b:s6+s3], $0x80, v14, vm0, $0xb8;
	[tilespmem:$0x8300] =	vst v63  }
0x44: {  	s29 =	simm.s32 $0x7300  }
0x45: {  	[tilespmem:s29], [sflag:$0x2] =	stream.indirect_vreg.gather [hbm4b:s7+s3], $0x80, v14, vm0, $0xb8;
	[tilespmem:$0x8300] =	vst v63  }
0x46: {  	s30 =	simm.s32 $0x7B00  }
0x47: {  	[tilespmem:s30], [sflag:$0x2] =	stream.indirect_vreg.gather [hbm4b:s8+s3], $0x80, v14, vm0, $0xb8;
	[tilespmem:$0x8300] =	vst v63  }
0x48: {  	_ =	swait.ge [sflag:s22], $0x4000  }
0x49: {  	[sflag:s22] =	ssyncset.done $0x0  }
0x4a: {  	[sflag:s22] =	ssyncadd.s32 $0xFFFFC000  }
0x4b: {  	v27 =	vld [tilespmem:$0x0];
	_ =	sdelay $0x4  }
0x4c: {  	[tilespmem:$0x200] =	vst v27  }
0x4d: {  	v27 =	vld [tilespmem:$0x200];
	_ =	sdelay $0x4  }
0x4e: {  	v28 =	vshll.u32 v27, $0x3  }
0x4f: {  	v27 =	vand.u32 $0x7, v27;
	v28 =	vand.u32 $0xFFFFFFC0, v28  }
0x50: {  	v27 =	vor.u32 v27, v28  }
0x51: {  	v28 =	vperm.xlane v27, v0  }
0x52: {  	v29 =	vld [tilespmem:$0x80]  }
0x53: {  	v28 =	vadd.s32 v8, v28;
	_ =	sdelay $0x3  }
0x54: {  	[tilespmem:$0x280] =	vst v29  }
0x55: {  	[hbm4b:s4+s3] =	stream.indirect_vreg.scatter [tilespmem:s16], [sflag:$0x3], $0x80, v28, vm0, $0xb8;
	[tilespmem:$0x8300] =	vst v63  }
0x56: {  	v27 =	vperm.xlane v27, v10  }
0x57: {  	[hbm4b:s9+s3] =	stream.indirect_vreg.scatter [tilespmem:s19], [sflag:$0x3], $0x80, v28, vm0, $0xb8;
	[tilespmem:$0x8300] =	vst v63  }
0x58: {  	v27 =	vadd.s32 v8, v27  }
0x59: {  	[hbm4b:s10+s3] =	stream.indirect_vreg.scatter [tilespmem:s24], [sflag:$0x3], $0x80, v28, vm0, $0xb8;
	[tilespmem:$0x8300] =	vst v63  }
0x5a: {  	_ = 	snop  }
0x5b: {  	[hbm4b:s11+s3] =	stream.indirect_vreg.scatter [tilespmem:s25], [sflag:$0x3], $0x80, v28, vm0, $0xb8;
	[tilespmem:$0x8300] =	vst v63  }
0x5c: {  	s31 =	simm.s32 $0x2300  }
0x5d: {  	[hbm4b:s4+s3] =	stream.indirect_vreg.scatter [tilespmem:s31], [sflag:$0x3], $0x80, v27, vm0, $0xb8;
	[tilespmem:$0x8300] =	vst v63  }
0x5e: {  	s1 =	simm.s32 $0x2B00  }
0x5f: {  	[hbm4b:s9+s3] =	stream.indirect_vreg.scatter [tilespmem:s1], [sflag:$0x3], $0x80, v27, vm0, $0xb8;
	[tilespmem:$0x8300] =	vst v63  }
0x60: {  	s20 =	simm.s32 $0x3300  }
0x61: {  	[hbm4b:s10+s3] =	stream.indirect_vreg.scatter [tilespmem:s20], [sflag:$0x3], $0x80, v27, vm0, $0xb8;
	[tilespmem:$0x8300] =	vst v63  }
0x62: {  	_ = 	snop  }
0x63: {  	[hbm4b:s11+s3] =	stream.indirect_vreg.scatter [tilespmem:s23], [sflag:$0x3], $0x80, v27, vm0, $0xb8;
	[tilespmem:$0x8300] =	vst v63  }
0x64: {  	_ =	swait.ge [sflag:s13], $0x4000  }
0x65: {  	[sflag:s13] =	ssyncset.done $0x0  }
0x66: {  	s17 =	simm.s32 $0x10;
	[sflag:s13] =	ssyncadd.s32 $0xFFFFC000  }
0x67: {  	[hbm4b:s5+s17] =	stream.indirect.scatter [tilespmem:s18], [sflag:$0x3], $0x1, s14, s17, $0xb8;
	[tilespmem:$0x8300] =	vst v63  }
0x68: {  	_ =	swait.ge [sflag:s13], $0x10  }
0x69: {  	[sflag:s13] =	ssyncset.done $0x0  }
0x6a: {  	[sflag:s13] =	ssyncadd.s32 $0xFFFFFFF0  }
0x6b: {  	[tilespmem:$0x100] =	vst v3  }
0x6c: {  	[tilespmem:s16], [sflag:$0x1] =	stream.indirect_vreg.gather [hbm4b:s2+s3], $0x80, v15, vm0, $0xb8;
	[tilespmem:$0x8300] =	vst v63  }
0x6d: {  	_ = 	snop  }
0x6e: {  	[tilespmem:s19], [sflag:$0x1] =	stream.indirect_vreg.gather [hbm4b:s6+s3], $0x80, v15, vm0, $0xb8;
	[tilespmem:$0x8300] =	vst v63  }
0x6f: {  	_ = 	snop  }
0x70: {  	[tilespmem:s24], [sflag:$0x1] =	stream.indirect_vreg.gather [hbm4b:s7+s3], $0x80, v15, vm0, $0xb8;
	[tilespmem:$0x8300] =	vst v63  }
0x71: {  	_ = 	snop  }
0x72: {  	[tilespmem:s25], [sflag:$0x1] =	stream.indirect_vreg.gather [hbm4b:s8+s3], $0x80, v15, vm0, $0xb8;
	[tilespmem:$0x8300] =	vst v63  }
0x73: {  	_ = 	snop  }
0x74: {  	[tilespmem:s31], [sflag:$0x1] =	stream.indirect_vreg.gather [hbm4b:s2+s3], $0x80, v16, vm0, $0xb8;
	[tilespmem:$0x8300] =	vst v63  }
0x75: {  	_ = 	snop  }
0x76: {  	[tilespmem:s1], [sflag:$0x1] =	stream.indirect_vreg.gather [hbm4b:s6+s3], $0x80, v16, vm0, $0xb8;
	[tilespmem:$0x8300] =	vst v63  }
0x77: {  	_ = 	snop  }
0x78: {  	[tilespmem:s20], [sflag:$0x1] =	stream.indirect_vreg.gather [hbm4b:s7+s3], $0x80, v16, vm0, $0xb8;
	[tilespmem:$0x8300] =	vst v63  }
0x79: {  	_ = 	snop  }
0x7a: {  	[tilespmem:s23], [sflag:$0x1] =	stream.indirect_vreg.gather [hbm4b:s8+s3], $0x80, v16, vm0, $0xb8;
	[tilespmem:$0x8300] =	vst v63  }
0x7b: {  	_ =	swait.ge [sflag:s15], $0x4000  }
0x7c: {  	[sflag:s15] =	ssyncset.done $0x0  }
0x7d: {  	[sflag:s15] =	ssyncadd.s32 $0xFFFFC000  }
0x7e: {  	v27 =	vld [tilespmem:$0x10];
	_ =	sdelay $0x4  }
0x7f: {  	[tilespmem:$0x200] =	vst v27  }
0x80: {  	v27 =	vld [tilespmem:$0x200];
	_ =	sdelay $0x4  }
0x81: {  	v50 =	vshll.u32 v27, $0x3  }
0x82: {  	v27 =	vand.u32 $0x7, v27;
	v28 =	vand.u32 $0xFFFFFFC0, v50  }
0x83: {  	v27 =	vor.u32 v27, v28  }
0x84: {  	v28 =	vperm.xlane v27, v0  }
0x85: {  	v51 =	vld [tilespmem:$0x90]  }
0x86: {  	v28 =	vadd.s32 v8, v28;
	_ =	sdelay $0x3  }
0x87: {  	s1 =	simm.s32 $0x4300;
	[tilespmem:$0x280] =	vst v51  }
0x88: {  	[hbm4b:s4+s3] =	stream.indirect_vreg.scatter [tilespmem:s1], [sflag:$0x3], $0x80, v28, vm0, $0xb8;
	[tilespmem:$0x8300] =	vst v63  }
0x89: {  	s26 =	simm.s32 $0x4B00;
	v27 =	vperm.xlane v27, v10  }
0x8a: {  	[hbm4b:s9+s3] =	stream.indirect_vreg.scatter [tilespmem:s26], [sflag:$0x3], $0x80, v28, vm0, $0xb8;
	[tilespmem:$0x8300] =	vst v63  }
0x8b: {  	s0 =	simm.s32 $0x5300;
	v27 =	vadd.s32 v8, v27  }
0x8c: {  	[hbm4b:s10+s3] =	stream.indirect_vreg.scatter [tilespmem:s0], [sflag:$0x3], $0x80, v28, vm0, $0xb8;
	[tilespmem:$0x8300] =	vst v63  }
0x8d: {  	s31 =	simm.s32 $0x5B00  }
0x8e: {  	[hbm4b:s11+s3] =	stream.indirect_vreg.scatter [tilespmem:s31], [sflag:$0x3], $0x80, v28, vm0, $0xb8;
	[tilespmem:$0x8300] =	vst v63  }
0x8f: {  	s29 =	simm.s32 $0x6300  }
0x90: {  	[hbm4b:s4+s3] =	stream.indirect_vreg.scatter [tilespmem:s29], [sflag:$0x3], $0x80, v27, vm0, $0xb8;
	[tilespmem:$0x8300] =	vst v63  }
0x91: {  	s30 =	simm.s32 $0x6B00  }
0x92: {  	[hbm4b:s9+s3] =	stream.indirect_vreg.scatter [tilespmem:s30], [sflag:$0x3], $0x80, v27, vm0, $0xb8;
	[tilespmem:$0x8300] =	vst v63  }
0x93: {  	s21 =	simm.s32 $0x7300  }
0x94: {  	[hbm4b:s10+s3] =	stream.indirect_vreg.scatter [tilespmem:s21], [sflag:$0x3], $0x80, v27, vm0, $0xb8;
	[tilespmem:$0x8300] =	vst v63  }
0x95: {  	s28 =	simm.s32 $0x7B00  }
0x96: {  	[hbm4b:s11+s3] =	stream.indirect_vreg.scatter [tilespmem:s28], [sflag:$0x3], $0x80, v27, vm0, $0xb8;
	[tilespmem:$0x8300] =	vst v63  }
0x97: {  	_ =	swait.ge [sflag:s13], $0x4000  }
0x98: {  	[sflag:s13] =	ssyncset.done $0x0  }
0x99: {  	[sflag:s13] =	ssyncadd.s32 $0xFFFFC000  }
0x9a: {  	[hbm4b:s5+s17] =	stream.indirect.scatter [tilespmem:s18], [sflag:$0x3], $0x1, s14, s17, $0xb8;
	[tilespmem:$0x8300] =	vst v63  }
0x9b: {  	_ =	swait.ge [sflag:s13], $0x10  }
0x9c: {  	[sflag:s13] =	ssyncset.done $0x0  }
0x9d: {  	[sflag:s13] =	ssyncadd.s32 $0xFFFFFFF0  }
0x9e: {  	[tilespmem:$0x180] =	vst v4  }
0x9f: {  	[tilespmem:s1], [sflag:$0x2] =	stream.indirect_vreg.gather [hbm4b:s2+s3], $0x80, v17, vm0, $0xb8;
	[tilespmem:$0x8300] =	vst v63  }
0xa0: {  	_ = 	snop  }
0xa1: {  	[tilespmem:s26], [sflag:$0x2] =	stream.indirect_vreg.gather [hbm4b:s6+s3], $0x80, v17, vm0, $0xb8;
	[tilespmem:$0x8300] =	vst v63  }
0xa2: {  	_ = 	snop  }
0xa3: {  	[tilespmem:s0], [sflag:$0x2] =	stream.indirect_vreg.gather [hbm4b:s7+s3], $0x80, v17, vm0, $0xb8;
	[tilespmem:$0x8300] =	vst v63  }
0xa4: {  	_ = 	snop  }
0xa5: {  	[tilespmem:s31], [sflag:$0x2] =	stream.indirect_vreg.gather [hbm4b:s8+s3], $0x80, v17, vm0, $0xb8;
	[tilespmem:$0x8300] =	vst v63  }
0xa6: {  	_ = 	snop  }
0xa7: {  	[tilespmem:s29], [sflag:$0x2] =	stream.indirect_vreg.gather [hbm4b:s2+s3], $0x80, v18, vm0, $0xb8;
	[tilespmem:$0x8300] =	vst v63  }
0xa8: {  	_ = 	snop  }
0xa9: {  	[tilespmem:s30], [sflag:$0x2] =	stream.indirect_vreg.gather [hbm4b:s6+s3], $0x80, v18, vm0, $0xb8;
	[tilespmem:$0x8300] =	vst v63  }
0xaa: {  	_ = 	snop  }
0xab: {  	[tilespmem:s21], [sflag:$0x2] =	stream.indirect_vreg.gather [hbm4b:s7+s3], $0x80, v18, vm0, $0xb8;
	[tilespmem:$0x8300] =	vst v63  }
0xac: {  	_ = 	snop  }
0xad: {  	[tilespmem:s28], [sflag:$0x2] =	stream.indirect_vreg.gather [hbm4b:s8+s3], $0x80, v18, vm0, $0xb8;
	[tilespmem:$0x8300] =	vst v63  }
0xae: {  	_ =	swait.ge [sflag:s22], $0x4000  }
0xaf: {  	[sflag:s22] =	ssyncset.done $0x0  }
0xb0: {  	[sflag:s22] =	ssyncadd.s32 $0xFFFFC000  }
0xb1: {  	v27 =	vld [tilespmem:$0x20];
	_ =	sdelay $0x4  }
0xb2: {  	[tilespmem:$0x200] =	vst v27  }
0xb3: {  	v27 =	vld [tilespmem:$0x200];
	_ =	sdelay $0x4  }
0xb4: {  	v52 =	vshll.u32 v27, $0x3  }
0xb5: {  	v27 =	vand.u32 $0x7, v27;
	v28 =	vand.u32 $0xFFFFFFC0, v52  }
0xb6: {  	v27 =	vor.u32 v27, v28  }
0xb7: {  	v28 =	vperm.xlane v27, v0  }
0xb8: {  	v53 =	vld [tilespmem:$0xA0]  }
0xb9: {  	v28 =	vadd.s32 v8, v28;
	_ =	sdelay $0x3  }
0xba: {  	[tilespmem:$0x280] =	vst v53  }
0xbb: {  	[hbm4b:s4+s3] =	stream.indirect_vreg.scatter [tilespmem:s16], [sflag:$0x3], $0x80, v28, vm0, $0xb8;
	[tilespmem:$0x8300] =	vst v63  }
0xbc: {  	v27 =	vperm.xlane v27, v10  }
0xbd: {  	[hbm4b:s9+s3] =	stream.indirect_vreg.scatter [tilespmem:s19], [sflag:$0x3], $0x80, v28, vm0, $0xb8;
	[tilespmem:$0x8300] =	vst v63  }
0xbe: {  	v27 =	vadd.s32 v8, v27  }
0xbf: {  	[hbm4b:s10+s3] =	stream.indirect_vreg.scatter [tilespmem:s24], [sflag:$0x3], $0x80, v28, vm0, $0xb8;
	[tilespmem:$0x8300] =	vst v63  }
0xc0: {  	_ = 	snop  }
0xc1: {  	[hbm4b:s11+s3] =	stream.indirect_vreg.scatter [tilespmem:s25], [sflag:$0x3], $0x80, v28, vm0, $0xb8;
	[tilespmem:$0x8300] =	vst v63  }
0xc2: {  	s29 =	simm.s32 $0x2300  }
0xc3: {  	[hbm4b:s4+s3] =	stream.indirect_vreg.scatter [tilespmem:s29], [sflag:$0x3], $0x80, v27, vm0, $0xb8;
	[tilespmem:$0x8300] =	vst v63  }
0xc4: {  	s30 =	simm.s32 $0x2B00  }
0xc5: {  	[hbm4b:s9+s3] =	stream.indirect_vreg.scatter [tilespmem:s30], [sflag:$0x3], $0x80, v27, vm0, $0xb8;
	[tilespmem:$0x8300] =	vst v63  }
0xc6: {  	s31 =	simm.s32 $0x3300  }
0xc7: {  	[hbm4b:s10+s3] =	stream.indirect_vreg.scatter [tilespmem:s31], [sflag:$0x3], $0x80, v27, vm0, $0xb8;
	[tilespmem:$0x8300] =	vst v63  }
0xc8: {  	_ = 	snop  }
0xc9: {  	[hbm4b:s11+s3] =	stream.indirect_vreg.scatter [tilespmem:s23], [sflag:$0x3], $0x80, v27, vm0, $0xb8;
	[tilespmem:$0x8300] =	vst v63  }
0xca: {  	_ =	swait.ge [sflag:s13], $0x4000  }
0xcb: {  	[sflag:s13] =	ssyncset.done $0x0  }
0xcc: {  	[sflag:s13] =	ssyncadd.s32 $0xFFFFC000  }
0xcd: {  	[hbm4b:s5+s17] =	stream.indirect.scatter [tilespmem:s18], [sflag:$0x3], $0x1, s14, s17, $0xb8;
	[tilespmem:$0x8300] =	vst v63  }
0xce: {  	_ =	swait.ge [sflag:s13], $0x10  }
0xcf: {  	[sflag:s13] =	ssyncset.done $0x0  }
0xd0: {  	[sflag:s13] =	ssyncadd.s32 $0xFFFFFFF0  }
0xd1: {  	[tilespmem:$0x100] =	vst v5  }
0xd2: {  	[tilespmem:s16], [sflag:$0x1] =	stream.indirect_vreg.gather [hbm4b:s2+s3], $0x80, v19, vm0, $0xb8;
	[tilespmem:$0x8300] =	vst v63  }
0xd3: {  	_ = 	snop  }
0xd4: {  	[tilespmem:s19], [sflag:$0x1] =	stream.indirect_vreg.gather [hbm4b:s6+s3], $0x80, v19, vm0, $0xb8;
	[tilespmem:$0x8300] =	vst v63  }
0xd5: {  	_ = 	snop  }
0xd6: {  	[tilespmem:s24], [sflag:$0x1] =	stream.indirect_vreg.gather [hbm4b:s7+s3], $0x80, v19, vm0, $0xb8;
	[tilespmem:$0x8300] =	vst v63  }
0xd7: {  	_ = 	snop  }
0xd8: {  	[tilespmem:s25], [sflag:$0x1] =	stream.indirect_vreg.gather [hbm4b:s8+s3], $0x80, v19, vm0, $0xb8;
	[tilespmem:$0x8300] =	vst v63  }
0xd9: {  	_ = 	snop  }
0xda: {  	[tilespmem:s29], [sflag:$0x1] =	stream.indirect_vreg.gather [hbm4b:s2+s3], $0x80, v20, vm0, $0xb8;
	[tilespmem:$0x8300] =	vst v63  }
0xdb: {  	_ = 	snop  }
0xdc: {  	[tilespmem:s30], [sflag:$0x1] =	stream.indirect_vreg.gather [hbm4b:s6+s3], $0x80, v20, vm0, $0xb8;
	[tilespmem:$0x8300] =	vst v63  }
0xdd: {  	_ = 	snop  }
0xde: {  	[tilespmem:s31], [sflag:$0x1] =	stream.indirect_vreg.gather [hbm4b:s7+s3], $0x80, v20, vm0, $0xb8;
	[tilespmem:$0x8300] =	vst v63  }
0xdf: {  	_ = 	snop  }
0xe0: {  	[tilespmem:s23], [sflag:$0x1] =	stream.indirect_vreg.gather [hbm4b:s8+s3], $0x80, v20, vm0, $0xb8;
	[tilespmem:$0x8300] =	vst v63  }
0xe1: {  	_ =	swait.ge [sflag:s15], $0x4000  }
0xe2: {  	[sflag:s15] =	ssyncset.done $0x0  }
0xe3: {  	[sflag:s15] =	ssyncadd.s32 $0xFFFFC000  }
0xe4: {  	v27 =	vld [tilespmem:$0x30];
	_ =	sdelay $0x4  }
0xe5: {  	[tilespmem:$0x200] =	vst v27  }
0xe6: {  	v27 =	vld [tilespmem:$0x200];
	_ =	sdelay $0x4  }
0xe7: {  	v54 =	vshll.u32 v27, $0x3  }
0xe8: {  	v27 =	vand.u32 $0x7, v27;
	v28 =	vand.u32 $0xFFFFFFC0, v54  }
0xe9: {  	v27 =	vor.u32 v27, v28  }
0xea: {  	v28 =	vperm.xlane v27, v0  }
0xeb: {  	v55 =	vld [tilespmem:$0xB0]  }
0xec: {  	v28 =	vadd.s32 v8, v28;
	_ =	sdelay $0x3  }
0xed: {  	s0 =	simm.s32 $0x4300;
	[tilespmem:$0x280] =	vst v55  }
0xee: {  	[hbm4b:s4+s3] =	stream.indirect_vreg.scatter [tilespmem:s0], [sflag:$0x3], $0x80, v28, vm0, $0xb8;
	[tilespmem:$0x8300] =	vst v63  }
0xef: {  	s29 =	simm.s32 $0x4B00;
	v27 =	vperm.xlane v27, v10  }
0xf0: {  	[hbm4b:s9+s3] =	stream.indirect_vreg.scatter [tilespmem:s29], [sflag:$0x3], $0x80, v28, vm0, $0xb8;
	[tilespmem:$0x8300] =	vst v63  }
0xf1: {  	s28 =	simm.s32 $0x5300;
	v27 =	vadd.s32 v8, v27  }
0xf2: {  	[hbm4b:s10+s3] =	stream.indirect_vreg.scatter [tilespmem:s28], [sflag:$0x3], $0x80, v28, vm0, $0xb8;
	[tilespmem:$0x8300] =	vst v63  }
0xf3: {  	s20 =	simm.s32 $0x5B00  }
0xf4: {  	[hbm4b:s11+s3] =	stream.indirect_vreg.scatter [tilespmem:s20], [sflag:$0x3], $0x80, v28, vm0, $0xb8;
	[tilespmem:$0x8300] =	vst v63  }
0xf5: {  	s21 =	simm.s32 $0x6300  }
0xf6: {  	[hbm4b:s4+s3] =	stream.indirect_vreg.scatter [tilespmem:s21], [sflag:$0x3], $0x80, v27, vm0, $0xb8;
	[tilespmem:$0x8300] =	vst v63  }
0xf7: {  	s30 =	simm.s32 $0x6B00  }
0xf8: {  	[hbm4b:s9+s3] =	stream.indirect_vreg.scatter [tilespmem:s30], [sflag:$0x3], $0x80, v27, vm0, $0xb8;
	[tilespmem:$0x8300] =	vst v63  }
0xf9: {  	s31 =	simm.s32 $0x7300  }
0xfa: {  	[hbm4b:s10+s3] =	stream.indirect_vreg.scatter [tilespmem:s31], [sflag:$0x3], $0x80, v27, vm0, $0xb8;
	[tilespmem:$0x8300] =	vst v63  }
0xfb: {  	s1 =	simm.s32 $0x7B00  }
0xfc: {  	[hbm4b:s11+s3] =	stream.indirect_vreg.scatter [tilespmem:s1], [sflag:$0x3], $0x80, v27, vm0, $0xb8;
	[tilespmem:$0x8300] =	vst v63  }
0xfd: {  	_ =	swait.ge [sflag:s13], $0x4000  }
0xfe: {  	[sflag:s13] =	ssyncset.done $0x0  }
0xff: {  	[sflag:s13] =	ssyncadd.s32 $0xFFFFC000  }
0x100: {  	[hbm4b:s5+s17] =	stream.indirect.scatter [tilespmem:s18], [sflag:$0x3], $0x1, s14, s17, $0xb8;
	[tilespmem:$0x8300] =	vst v63  }
0x101: {  	_ =	swait.ge [sflag:s13], $0x10  }
0x102: {  	[sflag:s13] =	ssyncset.done $0x0  }
0x103: {  	[sflag:s13] =	ssyncadd.s32 $0xFFFFFFF0  }
0x104: {  	[tilespmem:$0x180] =	vst v6  }
0x105: {  	[tilespmem:s0], [sflag:$0x2] =	stream.indirect_vreg.gather [hbm4b:s2+s3], $0x80, v21, vm0, $0xb8;
	[tilespmem:$0x8300] =	vst v63  }
0x106: {  	_ = 	snop  }
0x107: {  	[tilespmem:s29], [sflag:$0x2] =	stream.indirect_vreg.gather [hbm4b:s6+s3], $0x80, v21, vm0, $0xb8;
	[tilespmem:$0x8300] =	vst v63  }
0x108: {  	_ = 	snop  }
0x109: {  	[tilespmem:s28], [sflag:$0x2] =	stream.indirect_vreg.gather [hbm4b:s7+s3], $0x80, v21, vm0, $0xb8;
	[tilespmem:$0x8300] =	vst v63  }
0x10a: {  	_ = 	snop  }
0x10b: {  	[tilespmem:s20], [sflag:$0x2] =	stream.indirect_vreg.gather [hbm4b:s8+s3], $0x80, v21, vm0, $0xb8;
	[tilespmem:$0x8300] =	vst v63  }
0x10c: {  	_ = 	snop  }
0x10d: {  	[tilespmem:s21], [sflag:$0x2] =	stream.indirect_vreg.gather [hbm4b:s2+s3], $0x80, v22, vm0, $0xb8;
	[tilespmem:$0x8300] =	vst v63  }
0x10e: {  	_ = 	snop  }
0x10f: {  	[tilespmem:s30], [sflag:$0x2] =	stream.indirect_vreg.gather [hbm4b:s6+s3], $0x80, v22, vm0, $0xb8;
	[tilespmem:$0x8300] =	vst v63  }
0x110: {  	_ = 	snop  }
0x111: {  	[tilespmem:s31], [sflag:$0x2] =	stream.indirect_vreg.gather [hbm4b:s7+s3], $0x80, v22, vm0, $0xb8;
	[tilespmem:$0x8300] =	vst v63  }
0x112: {  	_ = 	snop  }
0x113: {  	[tilespmem:s1], [sflag:$0x2] =	stream.indirect_vreg.gather [hbm4b:s8+s3], $0x80, v22, vm0, $0xb8;
	[tilespmem:$0x8300] =	vst v63  }
0x114: {  	_ =	swait.ge [sflag:s22], $0x4000  }
0x115: {  	[sflag:s22] =	ssyncset.done $0x0  }
0x116: {  	[sflag:s22] =	ssyncadd.s32 $0xFFFFC000  }
0x117: {  	v27 =	vld [tilespmem:$0x40];
	_ =	sdelay $0x4  }
0x118: {  	[tilespmem:$0x200] =	vst v27  }
0x119: {  	v27 =	vld [tilespmem:$0x200];
	_ =	sdelay $0x4  }
0x11a: {  	v56 =	vshll.u32 v27, $0x3  }
0x11b: {  	v27 =	vand.u32 $0x7, v27;
	v28 =	vand.u32 $0xFFFFFFC0, v56  }
0x11c: {  	v27 =	vor.u32 v27, v28  }
0x11d: {  	v28 =	vperm.xlane v27, v0  }
0x11e: {  	v57 =	vld [tilespmem:$0xC0]  }
0x11f: {  	v28 =	vadd.s32 v8, v28;
	_ =	sdelay $0x3  }
0x120: {  	[tilespmem:$0x280] =	vst v57  }
0x121: {  	[hbm4b:s4+s3] =	stream.indirect_vreg.scatter [tilespmem:s16], [sflag:$0x3], $0x80, v28, vm0, $0xb8;
	[tilespmem:$0x8300] =	vst v63  }
0x122: {  	v27 =	vperm.xlane v27, v10  }
0x123: {  	[hbm4b:s9+s3] =	stream.indirect_vreg.scatter [tilespmem:s19], [sflag:$0x3], $0x80, v28, vm0, $0xb8;
	[tilespmem:$0x8300] =	vst v63  }
0x124: {  	v27 =	vadd.s32 v8, v27  }
0x125: {  	[hbm4b:s10+s3] =	stream.indirect_vreg.scatter [tilespmem:s24], [sflag:$0x3], $0x80, v28, vm0, $0xb8;
	[tilespmem:$0x8300] =	vst v63  }
0x126: {  	_ = 	snop  }
0x127: {  	[hbm4b:s11+s3] =	stream.indirect_vreg.scatter [tilespmem:s25], [sflag:$0x3], $0x80, v28, vm0, $0xb8;
	[tilespmem:$0x8300] =	vst v63  }
0x128: {  	s0 =	simm.s32 $0x2300  }
0x129: {  	[hbm4b:s4+s3] =	stream.indirect_vreg.scatter [tilespmem:s0], [sflag:$0x3], $0x80, v27, vm0, $0xb8;
	[tilespmem:$0x8300] =	vst v63  }
0x12a: {  	s21 =	simm.s32 $0x2B00  }
0x12b: {  	[hbm4b:s9+s3] =	stream.indirect_vreg.scatter [tilespmem:s21], [sflag:$0x3], $0x80, v27, vm0, $0xb8;
	[tilespmem:$0x8300] =	vst v63  }
0x12c: {  	s1 =	simm.s32 $0x3300  }
0x12d: {  	[hbm4b:s10+s3] =	stream.indirect_vreg.scatter [tilespmem:s1], [sflag:$0x3], $0x80, v27, vm0, $0xb8;
	[tilespmem:$0x8300] =	vst v63  }
0x12e: {  	_ = 	snop  }
0x12f: {  	[hbm4b:s11+s3] =	stream.indirect_vreg.scatter [tilespmem:s23], [sflag:$0x3], $0x80, v27, vm0, $0xb8;
	[tilespmem:$0x8300] =	vst v63  }
0x130: {  	_ =	swait.ge [sflag:s13], $0x4000  }
0x131: {  	[sflag:s13] =	ssyncset.done $0x0  }
0x132: {  	[sflag:s13] =	ssyncadd.s32 $0xFFFFC000  }
0x133: {  	[hbm4b:s5+s17] =	stream.indirect.scatter [tilespmem:s18], [sflag:$0x3], $0x1, s14, s17, $0xb8;
	[tilespmem:$0x8300] =	vst v63  }
0x134: {  	_ =	swait.ge [sflag:s13], $0x10  }
0x135: {  	[sflag:s13] =	ssyncset.done $0x0  }
0x136: {  	[sflag:s13] =	ssyncadd.s32 $0xFFFFFFF0  }
0x137: {  	[tilespmem:$0x100] =	vst v7  }
0x138: {  	[tilespmem:s16], [sflag:$0x1] =	stream.indirect_vreg.gather [hbm4b:s2+s3], $0x80, v23, vm0, $0xb8;
	[tilespmem:$0x8300] =	vst v63  }
0x139: {  	_ = 	snop  }
0x13a: {  	[tilespmem:s19], [sflag:$0x1] =	stream.indirect_vreg.gather [hbm4b:s6+s3], $0x80, v23, vm0, $0xb8;
	[tilespmem:$0x8300] =	vst v63  }
0x13b: {  	_ = 	snop  }
0x13c: {  	[tilespmem:s24], [sflag:$0x1] =	stream.indirect_vreg.gather [hbm4b:s7+s3], $0x80, v23, vm0, $0xb8;
	[tilespmem:$0x8300] =	vst v63  }
0x13d: {  	_ = 	snop  }
0x13e: {  	[tilespmem:s25], [sflag:$0x1] =	stream.indirect_vreg.gather [hbm4b:s8+s3], $0x80, v23, vm0, $0xb8;
	[tilespmem:$0x8300] =	vst v63  }
0x13f: {  	_ = 	snop  }
0x140: {  	[tilespmem:s0], [sflag:$0x1] =	stream.indirect_vreg.gather [hbm4b:s2+s3], $0x80, v24, vm0, $0xb8;
	[tilespmem:$0x8300] =	vst v63  }
0x141: {  	_ = 	snop  }
0x142: {  	[tilespmem:s21], [sflag:$0x1] =	stream.indirect_vreg.gather [hbm4b:s6+s3], $0x80, v24, vm0, $0xb8;
	[tilespmem:$0x8300] =	vst v63  }
0x143: {  	_ = 	snop  }
0x144: {  	[tilespmem:s1], [sflag:$0x1] =	stream.indirect_vreg.gather [hbm4b:s7+s3], $0x80, v24, vm0, $0xb8;
	[tilespmem:$0x8300] =	vst v63  }
0x145: {  	_ = 	snop  }
0x146: {  	[tilespmem:s23], [sflag:$0x1] =	stream.indirect_vreg.gather [hbm4b:s8+s3], $0x80, v24, vm0, $0xb8;
	[tilespmem:$0x8300] =	vst v63  }
0x147: {  	_ =	swait.ge [sflag:s15], $0x4000  }
0x148: {  	[sflag:s15] =	ssyncset.done $0x0  }
0x149: {  	[sflag:s15] =	ssyncadd.s32 $0xFFFFC000  }
0x14a: {  	v27 =	vld [tilespmem:$0x50];
	_ =	sdelay $0x4  }
0x14b: {  	[tilespmem:$0x200] =	vst v27  }
0x14c: {  	v27 =	vld [tilespmem:$0x200];
	_ =	sdelay $0x4  }
0x14d: {  	v58 =	vshll.u32 v27, $0x3  }
0x14e: {  	v27 =	vand.u32 $0x7, v27;
	v28 =	vand.u32 $0xFFFFFFC0, v58  }
0x14f: {  	v27 =	vor.u32 v27, v28  }
0x150: {  	v28 =	vperm.xlane v27, v0  }
0x151: {  	v59 =	vld [tilespmem:$0xD0]  }
0x152: {  	v28 =	vadd.s32 v8, v28;
	_ =	sdelay $0x3  }
0x153: {  	s26 =	simm.s32 $0x4300;
	[tilespmem:$0x280] =	vst v59  }
0x154: {  	[hbm4b:s4+s3] =	stream.indirect_vreg.scatter [tilespmem:s26], [sflag:$0x3], $0x80, v28, vm0, $0xb8;
	[tilespmem:$0x8300] =	vst v63  }
0x155: {  	s29 =	simm.s32 $0x4B00;
	v27 =	vperm.xlane v27, v10  }
0x156: {  	[hbm4b:s9+s3] =	stream.indirect_vreg.scatter [tilespmem:s29], [sflag:$0x3], $0x80, v28, vm0, $0xb8;
	[tilespmem:$0x8300] =	vst v63  }
0x157: {  	s28 =	simm.s32 $0x5300;
	v27 =	vadd.s32 v8, v27  }
0x158: {  	[hbm4b:s10+s3] =	stream.indirect_vreg.scatter [tilespmem:s28], [sflag:$0x3], $0x80, v28, vm0, $0xb8;
	[tilespmem:$0x8300] =	vst v63  }
0x159: {  	s20 =	simm.s32 $0x5B00  }
0x15a: {  	[hbm4b:s11+s3] =	stream.indirect_vreg.scatter [tilespmem:s20], [sflag:$0x3], $0x80, v28, vm0, $0xb8;
	[tilespmem:$0x8300] =	vst v63  }
0x15b: {  	s0 =	simm.s32 $0x6300  }
0x15c: {  	[hbm4b:s4+s3] =	stream.indirect_vreg.scatter [tilespmem:s0], [sflag:$0x3], $0x80, v27, vm0, $0xb8;
	[tilespmem:$0x8300] =	vst v63  }
0x15d: {  	s30 =	simm.s32 $0x6B00  }
0x15e: {  	[hbm4b:s9+s3] =	stream.indirect_vreg.scatter [tilespmem:s30], [sflag:$0x3], $0x80, v27, vm0, $0xb8;
	[tilespmem:$0x8300] =	vst v63  }
0x15f: {  	s31 =	simm.s32 $0x7300  }
0x160: {  	[hbm4b:s10+s3] =	stream.indirect_vreg.scatter [tilespmem:s31], [sflag:$0x3], $0x80, v27, vm0, $0xb8;
	[tilespmem:$0x8300] =	vst v63  }
0x161: {  	s1 =	simm.s32 $0x7B00  }
0x162: {  	[hbm4b:s11+s3] =	stream.indirect_vreg.scatter [tilespmem:s1], [sflag:$0x3], $0x80, v27, vm0, $0xb8;
	[tilespmem:$0x8300] =	vst v63  }
0x163: {  	_ =	swait.ge [sflag:s13], $0x4000  }
0x164: {  	[sflag:s13] =	ssyncset.done $0x0  }
0x165: {  	[sflag:s13] =	ssyncadd.s32 $0xFFFFC000  }
0x166: {  	[hbm4b:s5+s17] =	stream.indirect.scatter [tilespmem:s18], [sflag:$0x3], $0x1, s14, s17, $0xb8;
	[tilespmem:$0x8300] =	vst v63  }
0x167: {  	_ =	swait.ge [sflag:s13], $0x10  }
0x168: {  	[sflag:s13] =	ssyncset.done $0x0  }
0x169: {  	[sflag:s13] =	ssyncadd.s32 $0xFFFFFFF0  }
0x16a: {  	[tilespmem:$0x180] =	vst v9  }
0x16b: {  	[tilespmem:s26], [sflag:$0x2] =	stream.indirect_vreg.gather [hbm4b:s2+s3], $0x80, v25, vm0, $0xb8;
	[tilespmem:$0x8300] =	vst v63  }
0x16c: {  	_ = 	snop  }
0x16d: {  	[tilespmem:s29], [sflag:$0x2] =	stream.indirect_vreg.gather [hbm4b:s6+s3], $0x80, v25, vm0, $0xb8;
	[tilespmem:$0x8300] =	vst v63  }
0x16e: {  	_ = 	snop  }
0x16f: {  	[tilespmem:s28], [sflag:$0x2] =	stream.indirect_vreg.gather [hbm4b:s7+s3], $0x80, v25, vm0, $0xb8;
	[tilespmem:$0x8300] =	vst v63  }
0x170: {  	_ = 	snop  }
0x171: {  	[tilespmem:s20], [sflag:$0x2] =	stream.indirect_vreg.gather [hbm4b:s8+s3], $0x80, v25, vm0, $0xb8;
	[tilespmem:$0x8300] =	vst v63  }
0x172: {  	_ = 	snop  }
0x173: {  	[tilespmem:s0], [sflag:$0x2] =	stream.indirect_vreg.gather [hbm4b:s2+s3], $0x80, v26, vm0, $0xb8;
	[tilespmem:$0x8300] =	vst v63  }
0x174: {  	_ = 	snop  }
0x175: {  	[tilespmem:s30], [sflag:$0x2] =	stream.indirect_vreg.gather [hbm4b:s6+s3], $0x80, v26, vm0, $0xb8;
	[tilespmem:$0x8300] =	vst v63  }
0x176: {  	_ = 	snop  }
0x177: {  	[tilespmem:s31], [sflag:$0x2] =	stream.indirect_vreg.gather [hbm4b:s7+s3], $0x80, v26, vm0, $0xb8;
	[tilespmem:$0x8300] =	vst v63  }
0x178: {  	_ = 	snop  }
0x179: {  	[tilespmem:s1], [sflag:$0x2] =	stream.indirect_vreg.gather [hbm4b:s8+s3], $0x80, v26, vm0, $0xb8;
	[tilespmem:$0x8300] =	vst v63  }
0x17a: {  	_ =	swait.ge [sflag:s22], $0x4000  }
0x17b: {  	[sflag:s22] =	ssyncset.done $0x0  }
0x17c: {  	[sflag:s22] =	ssyncadd.s32 $0xFFFFC000  }
0x17d: {  	v27 =	vld [tilespmem:$0x60];
	_ =	sdelay $0x4  }
0x17e: {  	[tilespmem:$0x200] =	vst v27  }
0x17f: {  	v27 =	vld [tilespmem:$0x200];
	_ =	sdelay $0x4  }
0x180: {  	v60 =	vshll.u32 v27, $0x3  }
0x181: {  	v27 =	vand.u32 $0x7, v27;
	v28 =	vand.u32 $0xFFFFFFC0, v60  }
0x182: {  	v27 =	vor.u32 v27, v28  }
0x183: {  	v28 =	vperm.xlane v27, v0  }
0x184: {  	v61 =	vld [tilespmem:$0xE0]  }
0x185: {  	v28 =	vadd.s32 v8, v28;
	_ =	sdelay $0x3  }
0x186: {  	[tilespmem:$0x280] =	vst v61  }
0x187: {  	[hbm4b:s4+s3] =	stream.indirect_vreg.scatter [tilespmem:s16], [sflag:$0x3], $0x80, v28, vm0, $0xb8;
	[tilespmem:$0x8300] =	vst v63  }
0x188: {  	v27 =	vperm.xlane v27, v10  }
0x189: {  	[hbm4b:s9+s3] =	stream.indirect_vreg.scatter [tilespmem:s19], [sflag:$0x3], $0x80, v28, vm0, $0xb8;
	[tilespmem:$0x8300] =	vst v63  }
0x18a: {  	v27 =	vadd.s32 v8, v27  }
0x18b: {  	[hbm4b:s10+s3] =	stream.indirect_vreg.scatter [tilespmem:s24], [sflag:$0x3], $0x80, v28, vm0, $0xb8;
	[tilespmem:$0x8300] =	vst v63  }
0x18c: {  	_ = 	snop  }
0x18d: {  	[hbm4b:s11+s3] =	stream.indirect_vreg.scatter [tilespmem:s25], [sflag:$0x3], $0x80, v28, vm0, $0xb8;
	[tilespmem:$0x8300] =	vst v63  }
0x18e: {  	s16 =	simm.s32 $0x2300  }
0x18f: {  	[hbm4b:s4+s3] =	stream.indirect_vreg.scatter [tilespmem:s16], [sflag:$0x3], $0x80, v27, vm0, $0xb8;
	[tilespmem:$0x8300] =	vst v63  }
0x190: {  	s16 =	simm.s32 $0x2B00  }
0x191: {  	[hbm4b:s9+s3] =	stream.indirect_vreg.scatter [tilespmem:s16], [sflag:$0x3], $0x80, v27, vm0, $0xb8;
	[tilespmem:$0x8300] =	vst v63  }
0x192: {  	s21 =	simm.s32 $0x3300  }
0x193: {  	[hbm4b:s10+s3] =	stream.indirect_vreg.scatter [tilespmem:s21], [sflag:$0x3], $0x80, v27, vm0, $0xb8;
	[tilespmem:$0x8300] =	vst v63  }
0x194: {  	_ = 	snop  }
0x195: {  	[hbm4b:s11+s3] =	stream.indirect_vreg.scatter [tilespmem:s23], [sflag:$0x3], $0x80, v27, vm0, $0xb8;
	[tilespmem:$0x8300] =	vst v63  }
0x196: {  	_ =	swait.ge [sflag:s13], $0x4000  }
0x197: {  	[sflag:s13] =	ssyncset.done $0x0  }
0x198: {  	[sflag:s13] =	ssyncadd.s32 $0xFFFFC000  }
0x199: {  	[hbm4b:s5+s17] =	stream.indirect.scatter [tilespmem:s18], [sflag:$0x3], $0x1, s14, s17, $0xb8;
	[tilespmem:$0x8300] =	vst v63  }
0x19a: {  	_ =	swait.ge [sflag:s13], $0x10  }
0x19b: {  	[sflag:s13] =	ssyncset.done $0x0  }
0x19c: {  	[sflag:s13] =	ssyncadd.s32 $0xFFFFFFF0  }
0x19d: {  	_ =	swait.ge [sflag:s15], $0x4000  }
0x19e: {  	[sflag:s15] =	ssyncset.done $0x0  }
0x19f: {  	[sflag:s15] =	ssyncadd.s32 $0xFFFFC000  }
0x1a0: {  	v27 =	vld [tilespmem:$0x70];
	_ =	sdelay $0x4  }
0x1a1: {  	[tilespmem:$0x200] =	vst v27  }
0x1a2: {  	v27 =	vld [tilespmem:$0x200];
	_ =	sdelay $0x4  }
0x1a3: {  	v62 =	vshll.u32 v27, $0x3  }
0x1a4: {  	v27 =	vand.u32 $0x7, v27;
	v28 =	vand.u32 $0xFFFFFFC0, v62  }
0x1a5: {  	v27 =	vor.u32 v27, v28  }
0x1a6: {  	v28 =	vperm.xlane v27, v0  }
0x1a7: {  	v63 =	vld [tilespmem:$0xF0]  }
0x1a8: {  	v28 =	vadd.s32 v8, v28;
	_ =	sdelay $0x3  }
0x1a9: {  	[tilespmem:$0x280] =	vst v63  }
0x1aa: {  	[hbm4b:s4+s3] =	stream.indirect_vreg.scatter [tilespmem:s26], [sflag:$0x3], $0x80, v28, vm0, $0xb8;
	[tilespmem:$0x8300] =	vst v63  }
0x1ab: {  	v27 =	vperm.xlane v27, v10  }
0x1ac: {  	[hbm4b:s9+s3] =	stream.indirect_vreg.scatter [tilespmem:s29], [sflag:$0x3], $0x80, v28, vm0, $0xb8;
	[tilespmem:$0x8300] =	vst v63  }
0x1ad: {  	v27 =	vadd.s32 v8, v27  }
0x1ae: {  	[hbm4b:s10+s3] =	stream.indirect_vreg.scatter [tilespmem:s28], [sflag:$0x3], $0x80, v28, vm0, $0xb8;
	[tilespmem:$0x8300] =	vst v63  }
0x1af: {  	_ = 	snop  }
0x1b0: {  	[hbm4b:s11+s3] =	stream.indirect_vreg.scatter [tilespmem:s20], [sflag:$0x3], $0x80, v28, vm0, $0xb8;
	[tilespmem:$0x8300] =	vst v63  }
0x1b1: {  	s0 =	simm.s32 $0x6300  }
0x1b2: {  	[hbm4b:s4+s3] =	stream.indirect_vreg.scatter [tilespmem:s0], [sflag:$0x3], $0x80, v27, vm0, $0xb8;
	[tilespmem:$0x8300] =	vst v63  }
0x1b3: {  	_ = 	snop  }
0x1b4: {  	[hbm4b:s9+s3] =	stream.indirect_vreg.scatter [tilespmem:s30], [sflag:$0x3], $0x80, v27, vm0, $0xb8;
	[tilespmem:$0x8300] =	vst v63  }
0x1b5: {  	_ = 	snop  }
0x1b6: {  	[hbm4b:s10+s3] =	stream.indirect_vreg.scatter [tilespmem:s31], [sflag:$0x3], $0x80, v27, vm0, $0xb8;
	[tilespmem:$0x8300] =	vst v63  }
0x1b7: {  	s1 =	simm.s32 $0x7B00  }
0x1b8: {  	[hbm4b:s11+s3] =	stream.indirect_vreg.scatter [tilespmem:s1], [sflag:$0x3], $0x80, v27, vm0, $0xb8;
	[tilespmem:$0x8300] =	vst v63  }
0x1b9: {  	_ =	swait.ge [sflag:s13], $0x4000  }
0x1ba: {  	p0 =	sne.s32 s12, $0x1;
	[sflag:s13] =	ssyncset.done $0x0  }
.Ltmp0:
0x1bb: {  	[sflag:s13] =	ssyncadd.s32 $0xFFFFC000;
	(pc) =	sbr.rel @p0 .LBB2_1-.Ltmp0, $4  }
0x1bc: {  	[hbm4b:s5+s17] =	stream.indirect.scatter [tilespmem:s18], [sflag:$0x3], $0x1, s14, s17, $0xb8;
	[tilespmem:$0x8300] =	vst v63  }
0x1bd: {  	_ =	swait.ge [sflag:s13], $0x10  }
0x1be: {  	[sflag:s13] =	ssyncset.done $0x0  }
0x1bf: {  	s12 =	sadd.s32 $0xFFFFFFFF, s12;
	[sflag:s13] =	ssyncadd.s32 $0xFFFFFFF0  }
0x1c0: {  	_ =	sfence.sel $0x180000  }
0x1c1: {  	[bflag:$0x0] =	sbarrier.arrive $0xFFFF  }
0x1c2: {  	_ =	strace $0x90000047  }
0x1c3: {  	s0 =	stileid.u32;
	[bflag:$0x2] =	sbarrier.arrive $0xFFFF  }
0x1c4: {  	p0 =	sne.s32 s0, $0x0;
	s0 =	rddreg [dreg:$0x2]  }
0x1c5: {  	s0 =	sadd.s32 @!p0 $0x100000, s0  }
0x1c6: {  	[sflag:s0] =	ssyncadd.tile.s32 @!p0 $0x1;
	_ =	shalt  }
.Lfunc_end2:
_tile_overlayer_lowered:
.L_overlay_start_2:
0x1c7: {  	(tag) =	ssettag $0x2  }
0x1c8: {  	s0 =	rddreg [dreg:$0x0];
	s2 =	stileid.u32  }
0x1c9: {  	s1 =	rddreg [dreg:$0x1];
	p0 =	sne.s32 s2, $0x0  }
0x1ca: {  	s3 =	rddreg [dreg:$0x2];
	[bflag:$0x3] =	sbarrier.arrive $0xFFFF;
	s2 =	simm.s32 @!p0 $0x1C03  }
0x1cb: {  	[timem:s3], [sflag:s2] =	dma.local @!p0 [hbm:s0], s1  }
0x1cc: {  	s0 =	simm.s32 @!p0 $0x3  }
0x1cd: {  	_ =	swait.ge @!p0 [sflag:s0], s1  }
0x1ce: {  	s1 =	ssub.s32 @!p0 $0x0, s1;
	[sflag:s0] =	ssyncset.done @!p0 $0x0  }
0x1cf: {  	[sflag:s0] =	ssyncadd.s32 @!p0 s1  }
0x1d0: {  	[bflag:$0x3] =	sbarrier.arrive $0xFFFF  }
0x1d1: {  	_ =	shalt  }

</sc_bundles>
